<compile_context>
chip_gen: v7x
topology: tpu7x:2x2x1
jax: 0.10.2.dev20260603
libtpu: 0.0.44.dev20260713+nightly
codegen_flags: <defaults>
</compile_context>

<pallas_src>
import jax
import jax.numpy as jnp
from jax import lax
from jax.experimental import pallas as pl
from jax.experimental.pallas import tpu as pltpu
from jax.experimental.pallas import tpu_sc as plsc

N_NODES = 10000
N_EDGES = 320000
D = 128

NC = 2
NS = 16
NW = NC * NS
EPW = N_EDGES // NW
CH = 80
NCHP = 128
PH = 2
CPP = NCHP // PH
N_PAD = 10240
RPT = N_PAD // NS
ZCH = 80
NZ = RPT // ZCH

import functools


@functools.cache
def _sc_mesh():
    return plsc.VectorSubcoreMesh(core_axis_name="c", subcore_axis_name="s",
                                  num_cores=NC, num_subcores=NS)


def _deg_body(dst_hbm, zeros_hbm, ones_hbm, out_hbm, dst_v, buf_v, acc_sh):
    c = lax.axis_index("c")
    s = lax.axis_index("s")
    base = s * RPT
    pltpu.sync_copy(zeros_hbm, buf_v)

    def initstep(k, carry):
        pltpu.sync_copy(buf_v, acc_sh.at[pl.ds(base + k * ZCH, ZCH)])
        return carry

    lax.fori_loop(0, NZ, initstep, 0)
    w = c * NS + s
    pltpu.sync_copy(dst_hbm.at[w], dst_v)
    pltpu.sync_copy(ones_hbm, buf_v)
    plsc.subcore_barrier()

    def step(j, carry):
        pltpu.sync_copy(buf_v, acc_sh.at[dst_v.at[j]], add=True)
        return carry

    lax.fori_loop(0, NCHP, step, 0)
    plsc.subcore_barrier()

    def drainstep(k, carry):
        pltpu.sync_copy(acc_sh.at[pl.ds(base + k * ZCH, ZCH)], buf_v)
        pltpu.sync_copy(buf_v, out_hbm.at[c, pl.ds(base + k * ZCH, ZCH)])
        return carry

    lax.fori_loop(0, NZ, drainstep, 0)


@functools.cache
def _deg_kernel():
    return pl.kernel(
        _deg_body,
        out_type=jax.ShapeDtypeStruct((NC, N_PAD, D), jnp.float32),
        mesh=_sc_mesh(),
        scratch_types=[
            pltpu.VMEM((NCHP, CH), jnp.int32),
            pltpu.VMEM((ZCH, D), jnp.float32),
            pltpu.VMEM_SHARED((N_PAD, D), jnp.float32),
        ],
    )


def _agg_body(g_hbm, src_hbm, dst_hbm, zeros_hbm, out_hbm,
              src_v, dst_v, rows0_v, rows1_v, acc_sh, sem, sem1):
    c = lax.axis_index("c")
    s = lax.axis_index("s")
    base = s * RPT
    pltpu.sync_copy(zeros_hbm, rows0_v)

    def initstep(k, carry):
        pltpu.sync_copy(rows0_v, acc_sh.at[pl.ds(base + k * ZCH, ZCH)])
        return carry

    lax.fori_loop(0, NZ, initstep, 0)
    w = c * NS + s
    plsc.subcore_barrier()
    for p in range(PH):
        pltpu.sync_copy(src_hbm.at[w, pl.ds(p * CPP, CPP)], src_v)
        pltpu.sync_copy(dst_hbm.at[w, pl.ds(p * CPP, CPP)], dst_v)

        pltpu.async_copy(g_hbm.at[src_v.at[0]], rows0_v, sem)

        def step(i, carry):
            j = 2 * i
            pltpu.async_copy(g_hbm.at[src_v.at[j + 1]], rows1_v, sem1)
            pltpu.make_async_copy(g_hbm.at[src_v.at[j]], rows0_v, sem).wait()
            pltpu.sync_copy(rows0_v, acc_sh.at[dst_v.at[j]], add=True)
            pltpu.async_copy(g_hbm.at[src_v.at[j + 2]], rows0_v, sem)
            pltpu.make_async_copy(g_hbm.at[src_v.at[j + 1]], rows1_v,
                                  sem1).wait()
            pltpu.sync_copy(rows1_v, acc_sh.at[dst_v.at[j + 1]], add=True)
            return carry

        lax.fori_loop(0, CPP // 2 - 1, step, 0)
        pltpu.async_copy(g_hbm.at[src_v.at[CPP - 1]], rows1_v, sem1)
        pltpu.make_async_copy(g_hbm.at[src_v.at[CPP - 2]], rows0_v,
                              sem).wait()
        pltpu.sync_copy(rows0_v, acc_sh.at[dst_v.at[CPP - 2]], add=True)
        pltpu.make_async_copy(g_hbm.at[src_v.at[CPP - 1]], rows1_v,
                              sem1).wait()
        pltpu.sync_copy(rows1_v, acc_sh.at[dst_v.at[CPP - 1]], add=True)
    plsc.subcore_barrier()

    def drainstep(k, carry):
        pltpu.sync_copy(acc_sh.at[pl.ds(base + k * ZCH, ZCH)], rows0_v)
        pltpu.sync_copy(rows0_v, out_hbm.at[c, pl.ds(base + k * ZCH, ZCH)])
        return carry

    lax.fori_loop(0, NZ, drainstep, 0)


@functools.cache
def _agg_kernel():
    return pl.kernel(
        _agg_body,
        out_type=jax.ShapeDtypeStruct((NC, N_PAD, D), jnp.float32),
        mesh=_sc_mesh(),
        scratch_types=[
            pltpu.VMEM((CPP, CH), jnp.int32),
            pltpu.VMEM((CPP, CH), jnp.int32),
            pltpu.VMEM((CH, D), jnp.float32),
            pltpu.VMEM((CH, D), jnp.float32),
            pltpu.VMEM_SHARED((N_PAD, D), jnp.float32),
            pltpu.SemaphoreType.DMA,
            pltpu.SemaphoreType.DMA,
        ],
    )


BLK = 1000
GRID = N_NODES // BLK


def _dinv_of(da_ref, db_ref):
    deg = 1.0 + da_ref[0][:, 0:1] + db_ref[0][:, 0:1]
    return lax.rsqrt(deg)


def _tc1_body(x_ref, w_ref, da_ref, db_ref, g_ref):
    dinv = _dinv_of(da_ref, db_ref)
    h = jnp.dot(x_ref[...], w_ref[...], preferred_element_type=jnp.float32)
    g_ref[...] = h * dinv


def _tc2_body(a0_ref, a1_ref, g1_ref, da_ref, db_ref, b_ref, w_ref, g2_ref):
    dinv = _dinv_of(da_ref, db_ref)
    t = (a0_ref[0] + a1_ref[0] + g1_ref[...]) * dinv + b_ref[...]
    t = jnp.maximum(t, 0.0)
    h = jnp.dot(t, w_ref[...], preferred_element_type=jnp.float32)
    g2_ref[...] = h * dinv


def _tc3_body(a0_ref, a1_ref, g2_ref, da_ref, db_ref, b_ref, out_ref):
    dinv = _dinv_of(da_ref, db_ref)
    out_ref[...] = (a0_ref[0] + a1_ref[0] + g2_ref[...]) * dinv + b_ref[...]


def _rows(i):
    return (i, 0)


def _plane0(i):
    return (0, i, 0)


def _plane1(i):
    return (1, i, 0)


def _whole(i):
    return (0, 0)


_rows_spec = pl.BlockSpec((BLK, D), _rows)
_dega_spec = pl.BlockSpec((1, BLK, D), _plane0)
_degb_spec = pl.BlockSpec((1, BLK, D), _plane1)
_agg0_spec = pl.BlockSpec((1, BLK, D), _plane0)
_agg1_spec = pl.BlockSpec((1, BLK, D), _plane1)
_mat_spec = pl.BlockSpec((D, D), _whole)
_bias_spec = pl.BlockSpec((1, D), _whole)
_out_sds = jax.ShapeDtypeStruct((N_NODES, D), jnp.float32)

_tc1 = pl.pallas_call(
    _tc1_body, grid=(GRID,),
    in_specs=[_rows_spec, _mat_spec, _dega_spec, _degb_spec],
    out_specs=_rows_spec, out_shape=_out_sds)

_tc2 = pl.pallas_call(
    _tc2_body, grid=(GRID,),
    in_specs=[_agg0_spec, _agg1_spec, _rows_spec, _dega_spec, _degb_spec,
              _bias_spec, _mat_spec],
    out_specs=_rows_spec, out_shape=_out_sds)

_tc3 = pl.pallas_call(
    _tc3_body, grid=(GRID,),
    in_specs=[_agg0_spec, _agg1_spec, _rows_spec, _dega_spec, _degb_spec,
              _bias_spec],
    out_specs=_rows_spec, out_shape=_out_sds)


def kernel(x, edge_index, W1, b1, W2, b2):
    ei = edge_index.astype(jnp.int32)
    npad = NCHP * CH - EPW
    src2 = ei[0].reshape(NW, EPW)
    dst2 = ei[1].reshape(NW, EPW)
    pad_s = jnp.broadcast_to(jnp.arange(npad, dtype=jnp.int32), (NW, npad))
    pad_d = jnp.broadcast_to(
        N_NODES + jnp.arange(npad, dtype=jnp.int32), (NW, npad))
    src3 = jnp.concatenate([src2, pad_s], axis=1).reshape(NW, NCHP, CH)
    dst3 = jnp.concatenate([dst2, pad_d], axis=1).reshape(NW, NCHP, CH)
    zeros_d = jnp.zeros((ZCH, D), jnp.float32)
    ones_d = jnp.ones((ZCH, D), jnp.float32)

    degp = _deg_kernel()(dst3, zeros_d, ones_d)
    g1 = _tc1(x, W1, degp, degp)
    agg1 = _agg_kernel()(g1, src3, dst3, zeros_d)
    g2 = _tc2(agg1, agg1, g1, degp, degp, b1.reshape(1, D), W2)
    agg2 = _agg_kernel()(g2, src3, dst3, zeros_d)
    out = _tc3(agg2, agg2, g2, degp, degp, b2.reshape(1, D))
    return out

# --- scband reference (transcript-rebuilt; emitter-appended) ---
"""Pipeline reference for scband-gcn-9998683865367 (READ-ONLY COPY).

The authoritative reference and input builder live on the scoring server;
editing this copy changes nothing except your own understanding.
"""

import jax, jax.numpy as jnp
import numpy as np

N_NODES = 10000
N_EDGES = 320000
D_IN = 128
D_HID = 128
D_OUT = 128


def gcn_conv(x, edge_index, W, b):
    # Faithful GCNConv (normalize=True, add_self_loops=True):
    #   h = x @ W
    #   A_hat = A + I, D_hat = deg(A_hat)
    #   out = D^-1/2 A_hat D^-1/2 h + b
    N = x.shape[0]
    src = edge_index[0]
    dst = edge_index[1]
    loop = jnp.arange(N, dtype=src.dtype)
    src = jnp.concatenate([src, loop])
    dst = jnp.concatenate([dst, loop])
    ew = jnp.ones(src.shape[0], dtype=x.dtype)
    deg = jnp.zeros((N,), dtype=x.dtype).at[dst].add(ew)
    dinv = jnp.where(deg > 0, jax.lax.rsqrt(jnp.maximum(deg, 1e-12)), 0.0)
    norm = dinv[src] * dinv[dst]
    h = x @ W
    msg = h[src] * norm[:, None]
    out = jnp.zeros((N, h.shape[1]), dtype=h.dtype).at[dst].add(msg)
    return out + b


def setup_inputs(seed: int = 0) -> dict:
    key = jax.random.key(seed)
    k1, k2, k3, k4, k5, k6 = jax.random.split(key, 6)
    x = jax.random.normal(k1, (N_NODES, D_IN), dtype=jnp.float32)
    edge_index = jax.random.randint(k2, (2, N_EDGES), 0, N_NODES).astype(jnp.int64)
    s1 = 1.0 / np.sqrt(D_IN)
    s2 = 1.0 / np.sqrt(D_HID)
    W1 = jax.random.normal(k3, (D_IN, D_HID), dtype=jnp.float32) * s1
    b1 = jnp.zeros((D_HID,), dtype=jnp.float32)
    W2 = jax.random.normal(k4, (D_HID, D_OUT), dtype=jnp.float32) * s2
    b2 = jnp.zeros((D_OUT,), dtype=jnp.float32)
    return {"x": x, "edge_index": edge_index, "W1": W1, "b1": b1, "W2": W2, "b2": b2}


def reference(x, edge_index, W1, b1, W2, b2):
    h = gcn_conv(x, edge_index, W1, b1)
    h = jax.nn.relu(h)
    # dropout is identity at inference (training=False)
    out = gcn_conv(h, edge_index, W2, b2)
    return out

if __name__ == "__main__":
    import jax
    _d = setup_inputs()
    print(jax.jit(kernel)(*tuple(_d.values())))

</pallas_src>

<mosaic_0001>
#map = affine_map<(d0, d1) -> (0, 0)>
#map1 = affine_map<(d0, d1) -> (0, 0, 0)>
module attributes {stable_mosaic.version = 14 : i64} {
  func.func @_agg_body(%arg0: i32, %arg1: i32, %arg2: memref<10000x128xf32, #tpu.memory_space<hbm>>, %arg3: memref<32x128x80xi32, #tpu.memory_space<hbm>>, %arg4: memref<32x128x80xi32, #tpu.memory_space<hbm>>, %arg5: memref<80x128xf32, #tpu.memory_space<hbm>>, %arg6: memref<2x10240x128xf32, #tpu.memory_space<hbm>>, %arg7: memref<64x80xi32, #tpu.memory_space<vmem>>, %arg8: memref<64x80xi32, #tpu.memory_space<vmem>>, %arg9: memref<80x128xf32, #tpu.memory_space<vmem>>, %arg10: memref<80x128xf32, #tpu.memory_space<vmem>>, %arg11: memref<10240x128xf32, #tpu.memory_space<vmem_shared>>, %arg12: memref<!tpu.dma_semaphore, #tpu.memory_space<semaphore_mem>>, %arg13: memref<!tpu.dma_semaphore, #tpu.memory_space<semaphore_mem>>) attributes {dimension_semantics = [#tpu.dimension_semantics<core_parallel>, #tpu.dimension_semantics<subcore_parallel>], iteration_bounds = array<i64: 2, 16>, scalar_prefetch = 0 : i64, scratch_operands = 7 : i64, tpu.core_type = #tpu.core_type<sc_vector_subcore>, window_params = [{transform_indices = #map}, {transform_indices = #map1}, {transform_indices = #map1}, {transform_indices = #map}, {transform_indices = #map1}]} {
    %mul3A = arith.constant 640 : i32
    %mul3A_0 = arith.muli %arg1, %mul3A : i32
    "tpu.region"() ({
      %run_scoped3A_84 = tpu.sem_alloc : memref<!tpu.dma_semaphore, #tpu.memory_space<semaphore_mem>>
      tpu.enqueue_dma source(%arg5 : memref<80x128xf32, #tpu.memory_space<hbm>>) target(%arg9 : memref<80x128xf32, #tpu.memory_space<vmem>>) target_semaphore(%run_scoped3A_84 : memref<!tpu.dma_semaphore, #tpu.memory_space<semaphore_mem>>)
      tpu.wait_dma2 semaphore(%run_scoped3A_84 : memref<!tpu.dma_semaphore, #tpu.memory_space<semaphore_mem>>) src(%arg5 : memref<80x128xf32, #tpu.memory_space<hbm>>) dst(%arg9 : memref<80x128xf32, #tpu.memory_space<vmem>>)
      tpu.yield
    }) : () -> ()
    %scan3A = arith.constant 0 : i32
    %scan3A_1 = arith.constant 0 : i32
    %scan3A_2 = arith.constant 8 : i32
    %scan3A_3 = arith.addi %scan3A_1, %scan3A_2 : i32
    %scan3A_4 = arith.constant 1 : i32
    scf.for %scan3A_84 = %scan3A_1 to %scan3A_3 step %scan3A_4  : i32 {
      %mul3A_85 = arith.constant 80 : i32
      %mul3A_86 = arith.muli %scan3A_84, %mul3A_85 : i32
      %add3A_87 = arith.addi %mul3A_0, %mul3A_86 : i32
      "tpu.region"() ({
        %run_scoped3A_88 = tpu.sem_alloc : memref<!tpu.dma_semaphore, #tpu.memory_space<semaphore_mem>>
        %dma_start3A_89 = arith.constant 0 : i32
        %dma_start3A_90 = tpu.memref_slice %arg11[%add3A_87, %dma_start3A_89] : memref<10240x128xf32, #tpu.memory_space<vmem_shared>> -> memref<80x128xf32, #tpu.memory_space<vmem_shared>>
        %dma_start3A_91 = arith.constant 0 : i32
        %dma_start3A_92 = tpu.memref_slice %arg11[%add3A_87, %dma_start3A_91] : memref<10240x128xf32, #tpu.memory_space<vmem_shared>> -> memref<80x128xf32, #tpu.memory_space<vmem_shared>>
        tpu.enqueue_dma source(%arg9 : memref<80x128xf32, #tpu.memory_space<vmem>>) target(%dma_start3A_92 : memref<80x128xf32, #tpu.memory_space<vmem_shared>>) target_semaphore(%run_scoped3A_88 : memref<!tpu.dma_semaphore, #tpu.memory_space<semaphore_mem>>)
        %dma_wait3A_93 = arith.constant 0 : i32
        %dma_wait3A_94 = tpu.memref_slice %arg11[%add3A_87, %dma_wait3A_93] : memref<10240x128xf32, #tpu.memory_space<vmem_shared>> -> memref<80x128xf32, #tpu.memory_space<vmem_shared>>
        %dma_wait3A_95 = arith.constant 0 : i32
        %dma_wait3A_96 = tpu.memref_slice %arg11[%add3A_87, %dma_wait3A_95] : memref<10240x128xf32, #tpu.memory_space<vmem_shared>> -> memref<80x128xf32, #tpu.memory_space<vmem_shared>>
        tpu.wait_dma2 semaphore(%run_scoped3A_88 : memref<!tpu.dma_semaphore, #tpu.memory_space<semaphore_mem>>) src(%arg9 : memref<80x128xf32, #tpu.memory_space<vmem>>) dst(%dma_wait3A_96 : memref<80x128xf32, #tpu.memory_space<vmem_shared>>)
        tpu.yield
      }) : () -> ()
    }
    %scan3A_5 = arith.constant 8 : i32
    %mul3A_6 = arith.constant 16 : i32
    %mul3A_7 = arith.muli %arg0, %mul3A_6 : i32
    %add3A = arith.addi %mul3A_7, %arg1 : i32
    %barrier3A = arith.constant 0 : index
    tpu.barrier barrier_id(%barrier3A)
    "tpu.region"() ({
      %run_scoped3A_84 = tpu.sem_alloc : memref<!tpu.dma_semaphore, #tpu.memory_space<semaphore_mem>>
      %dma_start3A_85 = arith.constant 0 : i32
      %dma_start3A_86 = arith.constant 0 : i32
      %dma_start3A_87 = tpu.memref_slice %arg3[%add3A, %dma_start3A_85, %dma_start3A_86] : memref<32x128x80xi32, #tpu.memory_space<hbm>> -> memref<1x64x80xi32, #tpu.memory_space<hbm>>
      %dma_start3A_88 = tpu.memref_squeeze %dma_start3A_87 : memref<1x64x80xi32, #tpu.memory_space<hbm>> -> memref<64x80xi32, #tpu.memory_space<hbm>>
      %dma_start3A_89 = arith.constant 0 : i32
      %dma_start3A_90 = arith.constant 0 : i32
      %dma_start3A_91 = tpu.memref_slice %arg3[%add3A, %dma_start3A_89, %dma_start3A_90] : memref<32x128x80xi32, #tpu.memory_space<hbm>> -> memref<1x64x80xi32, #tpu.memory_space<hbm>>
      %dma_start3A_92 = tpu.memref_squeeze %dma_start3A_91 : memref<1x64x80xi32, #tpu.memory_space<hbm>> -> memref<64x80xi32, #tpu.memory_space<hbm>>
      tpu.enqueue_dma source(%dma_start3A_92 : memref<64x80xi32, #tpu.memory_space<hbm>>) target(%arg7 : memref<64x80xi32, #tpu.memory_space<vmem>>) target_semaphore(%run_scoped3A_84 : memref<!tpu.dma_semaphore, #tpu.memory_space<semaphore_mem>>)
      %dma_wait3A_93 = arith.constant 0 : i32
      %dma_wait3A_94 = arith.constant 0 : i32
      %dma_wait3A_95 = tpu.memref_slice %arg3[%add3A, %dma_wait3A_93, %dma_wait3A_94] : memref<32x128x80xi32, #tpu.memory_space<hbm>> -> memref<1x64x80xi32, #tpu.memory_space<hbm>>
      %dma_wait3A_96 = tpu.memref_squeeze %dma_wait3A_95 : memref<1x64x80xi32, #tpu.memory_space<hbm>> -> memref<64x80xi32, #tpu.memory_space<hbm>>
      %dma_wait3A_97 = arith.constant 0 : i32
      %dma_wait3A_98 = arith.constant 0 : i32
      %dma_wait3A_99 = tpu.memref_slice %arg3[%add3A, %dma_wait3A_97, %dma_wait3A_98] : memref<32x128x80xi32, #tpu.memory_space<hbm>> -> memref<1x64x80xi32, #tpu.memory_space<hbm>>
      %dma_wait3A_100 = tpu.memref_squeeze %dma_wait3A_99 : memref<1x64x80xi32, #tpu.memory_space<hbm>> -> memref<64x80xi32, #tpu.memory_space<hbm>>
      tpu.wait_dma2 semaphore(%run_scoped3A_84 : memref<!tpu.dma_semaphore, #tpu.memory_space<semaphore_mem>>) src(%dma_wait3A_100 : memref<64x80xi32, #tpu.memory_space<hbm>>) dst(%arg7 : memref<64x80xi32, #tpu.memory_space<vmem>>)
      tpu.yield
    }) : () -> ()
    "tpu.region"() ({
      %run_scoped3A_84 = tpu.sem_alloc : memref<!tpu.dma_semaphore, #tpu.memory_space<semaphore_mem>>
      %dma_start3A_85 = arith.constant 0 : i32
      %dma_start3A_86 = arith.constant 0 : i32
      %dma_start3A_87 = tpu.memref_slice %arg4[%add3A, %dma_start3A_85, %dma_start3A_86] : memref<32x128x80xi32, #tpu.memory_space<hbm>> -> memref<1x64x80xi32, #tpu.memory_space<hbm>>
      %dma_start3A_88 = tpu.memref_squeeze %dma_start3A_87 : memref<1x64x80xi32, #tpu.memory_space<hbm>> -> memref<64x80xi32, #tpu.memory_space<hbm>>
      %dma_start3A_89 = arith.constant 0 : i32
      %dma_start3A_90 = arith.constant 0 : i32
      %dma_start3A_91 = tpu.memref_slice %arg4[%add3A, %dma_start3A_89, %dma_start3A_90] : memref<32x128x80xi32, #tpu.memory_space<hbm>> -> memref<1x64x80xi32, #tpu.memory_space<hbm>>
      %dma_start3A_92 = tpu.memref_squeeze %dma_start3A_91 : memref<1x64x80xi32, #tpu.memory_space<hbm>> -> memref<64x80xi32, #tpu.memory_space<hbm>>
      tpu.enqueue_dma source(%dma_start3A_92 : memref<64x80xi32, #tpu.memory_space<hbm>>) target(%arg8 : memref<64x80xi32, #tpu.memory_space<vmem>>) target_semaphore(%run_scoped3A_84 : memref<!tpu.dma_semaphore, #tpu.memory_space<semaphore_mem>>)
      %dma_wait3A_93 = arith.constant 0 : i32
      %dma_wait3A_94 = arith.constant 0 : i32
      %dma_wait3A_95 = tpu.memref_slice %arg4[%add3A, %dma_wait3A_93, %dma_wait3A_94] : memref<32x128x80xi32, #tpu.memory_space<hbm>> -> memref<1x64x80xi32, #tpu.memory_space<hbm>>
      %dma_wait3A_96 = tpu.memref_squeeze %dma_wait3A_95 : memref<1x64x80xi32, #tpu.memory_space<hbm>> -> memref<64x80xi32, #tpu.memory_space<hbm>>
      %dma_wait3A_97 = arith.constant 0 : i32
      %dma_wait3A_98 = arith.constant 0 : i32
      %dma_wait3A_99 = tpu.memref_slice %arg4[%add3A, %dma_wait3A_97, %dma_wait3A_98] : memref<32x128x80xi32, #tpu.memory_space<hbm>> -> memref<1x64x80xi32, #tpu.memory_space<hbm>>
      %dma_wait3A_100 = tpu.memref_squeeze %dma_wait3A_99 : memref<1x64x80xi32, #tpu.memory_space<hbm>> -> memref<64x80xi32, #tpu.memory_space<hbm>>
      tpu.wait_dma2 semaphore(%run_scoped3A_84 : memref<!tpu.dma_semaphore, #tpu.memory_space<semaphore_mem>>) src(%dma_wait3A_100 : memref<64x80xi32, #tpu.memory_space<hbm>>) dst(%arg8 : memref<64x80xi32, #tpu.memory_space<vmem>>)
      tpu.yield
    }) : () -> ()
    %dma_start3A = arith.constant 0 : i32
    %dma_start3A_8 = arith.constant 0 : i32
    %dma_start3A_9 = tpu.memref_slice %arg7[%dma_start3A, %dma_start3A_8] : memref<64x80xi32, #tpu.memory_space<vmem>> -> memref<1x80xi32, #tpu.memory_space<vmem>>
    %dma_start3A_10 = tpu.memref_squeeze %dma_start3A_9 : memref<1x80xi32, #tpu.memory_space<vmem>> -> memref<80xi32, #tpu.memory_space<vmem>>
    %dma_start3A_11 = arith.constant 0 : i32
    %dma_start3A_12 = arith.constant 0 : i32
    %dma_start3A_13 = tpu.memref_slice %arg2[%dma_start3A_11, %dma_start3A_12] : memref<10000x128xf32, #tpu.memory_space<hbm>> -> memref<10000x128xf32, #tpu.memory_space<hbm>>
    tpu.enqueue_indirect_dma source(%dma_start3A_13 : memref<10000x128xf32, #tpu.memory_space<hbm>>) target(%arg9 : memref<80x128xf32, #tpu.memory_space<vmem>>) offsets(%dma_start3A_10 : memref<80xi32, #tpu.memory_space<vmem>>) semaphore(%arg12 : memref<!tpu.dma_semaphore, #tpu.memory_space<semaphore_mem>>)
    %scan3A_14 = arith.constant 0 : i32
    %scan3A_15 = arith.constant 0 : i32
    %scan3A_16 = arith.constant 31 : i32
    %scan3A_17 = arith.addi %scan3A_15, %scan3A_16 : i32
    %scan3A_18 = arith.constant 1 : i32
    scf.for %scan3A_84 = %scan3A_15 to %scan3A_17 step %scan3A_18  : i32 {
      %mul3A_85 = arith.constant 2 : i32
      %mul3A_86 = arith.muli %mul3A_85, %scan3A_84 : i32
      %add3A_87 = arith.constant 1 : i32
      %add3A_88 = arith.addi %mul3A_86, %add3A_87 : i32
      %dma_start3A_89 = arith.constant 0 : i32
      %dma_start3A_90 = tpu.memref_slice %arg7[%add3A_88, %dma_start3A_89] : memref<64x80xi32, #tpu.memory_space<vmem>> -> memref<1x80xi32, #tpu.memory_space<vmem>>
      %dma_start3A_91 = tpu.memref_squeeze %dma_start3A_90 : memref<1x80xi32, #tpu.memory_space<vmem>> -> memref<80xi32, #tpu.memory_space<vmem>>
      %dma_start3A_92 = arith.constant 0 : i32
      %dma_start3A_93 = arith.constant 0 : i32
      %dma_start3A_94 = tpu.memref_slice %arg2[%dma_start3A_92, %dma_start3A_93] : memref<10000x128xf32, #tpu.memory_space<hbm>> -> memref<10000x128xf32, #tpu.memory_space<hbm>>
      tpu.enqueue_indirect_dma source(%dma_start3A_94 : memref<10000x128xf32, #tpu.memory_space<hbm>>) target(%arg10 : memref<80x128xf32, #tpu.memory_space<vmem>>) offsets(%dma_start3A_91 : memref<80xi32, #tpu.memory_space<vmem>>) semaphore(%arg13 : memref<!tpu.dma_semaphore, #tpu.memory_space<semaphore_mem>>)
      %dma_wait3A_95 = arith.constant 0 : i32
      %dma_wait3A_96 = tpu.memref_slice %arg7[%mul3A_86, %dma_wait3A_95] : memref<64x80xi32, #tpu.memory_space<vmem>> -> memref<1x80xi32, #tpu.memory_space<vmem>>
      %dma_wait3A_97 = tpu.memref_squeeze %dma_wait3A_96 : memref<1x80xi32, #tpu.memory_space<vmem>> -> memref<80xi32, #tpu.memory_space<vmem>>
      %dma_wait3A_98 = arith.constant 0 : i32
      %dma_wait3A_99 = arith.constant 0 : i32
      %dma_wait3A_100 = tpu.memref_slice %arg2[%dma_wait3A_98, %dma_wait3A_99] : memref<10000x128xf32, #tpu.memory_space<hbm>> -> memref<10000x128xf32, #tpu.memory_space<hbm>>
      tpu.wait_indirect_dma semaphore(%arg12 : memref<!tpu.dma_semaphore, #tpu.memory_space<semaphore_mem>>) src(%dma_wait3A_100 : memref<10000x128xf32, #tpu.memory_space<hbm>>) dst(%arg9 : memref<80x128xf32, #tpu.memory_space<vmem>>)
      "tpu.region"() ({
        %run_scoped3A_119 = tpu.sem_alloc : memref<!tpu.dma_semaphore, #tpu.memory_space<semaphore_mem>>
        %dma_start3A_120 = arith.constant 0 : i32
        %dma_start3A_121 = tpu.memref_slice %arg8[%mul3A_86, %dma_start3A_120] : memref<64x80xi32, #tpu.memory_space<vmem>> -> memref<1x80xi32, #tpu.memory_space<vmem>>
        %dma_start3A_122 = tpu.memref_squeeze %dma_start3A_121 : memref<1x80xi32, #tpu.memory_space<vmem>> -> memref<80xi32, #tpu.memory_space<vmem>>
        %dma_start3A_123 = arith.constant 0 : i32
        %dma_start3A_124 = arith.constant 0 : i32
        %dma_start3A_125 = tpu.memref_slice %arg11[%dma_start3A_123, %dma_start3A_124] : memref<10240x128xf32, #tpu.memory_space<vmem_shared>> -> memref<10240x128xf32, #tpu.memory_space<vmem_shared>>
        tpu.enqueue_indirect_dma source(%arg9 : memref<80x128xf32, #tpu.memory_space<vmem>>) target(%dma_start3A_125 : memref<10240x128xf32, #tpu.memory_space<vmem_shared>>) offsets(%dma_start3A_122 : memref<80xi32, #tpu.memory_space<vmem>>) semaphore(%run_scoped3A_119 : memref<!tpu.dma_semaphore, #tpu.memory_space<semaphore_mem>>) {add = true}
        %dma_wait3A_126 = arith.constant 0 : i32
        %dma_wait3A_127 = tpu.memref_slice %arg8[%mul3A_86, %dma_wait3A_126] : memref<64x80xi32, #tpu.memory_space<vmem>> -> memref<1x80xi32, #tpu.memory_space<vmem>>
        %dma_wait3A_128 = tpu.memref_squeeze %dma_wait3A_127 : memref<1x80xi32, #tpu.memory_space<vmem>> -> memref<80xi32, #tpu.memory_space<vmem>>
        %dma_wait3A_129 = arith.constant 0 : i32
        %dma_wait3A_130 = arith.constant 0 : i32
        %dma_wait3A_131 = tpu.memref_slice %arg11[%dma_wait3A_129, %dma_wait3A_130] : memref<10240x128xf32, #tpu.memory_space<vmem_shared>> -> memref<10240x128xf32, #tpu.memory_space<vmem_shared>>
        tpu.wait_indirect_dma semaphore(%run_scoped3A_119 : memref<!tpu.dma_semaphore, #tpu.memory_space<semaphore_mem>>) src(%arg9 : memref<80x128xf32, #tpu.memory_space<vmem>>) dst(%dma_wait3A_131 : memref<10240x128xf32, #tpu.memory_space<vmem_shared>>)
        tpu.yield
      }) : () -> ()
      %add3A_101 = arith.constant 2 : i32
      %add3A_102 = arith.addi %mul3A_86, %add3A_101 : i32
      %dma_start3A_103 = arith.constant 0 : i32
      %dma_start3A_104 = tpu.memref_slice %arg7[%add3A_102, %dma_start3A_103] : memref<64x80xi32, #tpu.memory_space<vmem>> -> memref<1x80xi32, #tpu.memory_space<vmem>>
      %dma_start3A_105 = tpu.memref_squeeze %dma_start3A_104 : memref<1x80xi32, #tpu.memory_space<vmem>> -> memref<80xi32, #tpu.memory_space<vmem>>
      %dma_start3A_106 = arith.constant 0 : i32
      %dma_start3A_107 = arith.constant 0 : i32
      %dma_start3A_108 = tpu.memref_slice %arg2[%dma_start3A_106, %dma_start3A_107] : memref<10000x128xf32, #tpu.memory_space<hbm>> -> memref<10000x128xf32, #tpu.memory_space<hbm>>
      tpu.enqueue_indirect_dma source(%dma_start3A_108 : memref<10000x128xf32, #tpu.memory_space<hbm>>) target(%arg9 : memref<80x128xf32, #tpu.memory_space<vmem>>) offsets(%dma_start3A_105 : memref<80xi32, #tpu.memory_space<vmem>>) semaphore(%arg12 : memref<!tpu.dma_semaphore, #tpu.memory_space<semaphore_mem>>)
      %add3A_109 = arith.constant 1 : i32
      %add3A_110 = arith.addi %mul3A_86, %add3A_109 : i32
      %dma_wait3A_111 = arith.constant 0 : i32
      %dma_wait3A_112 = tpu.memref_slice %arg7[%add3A_110, %dma_wait3A_111] : memref<64x80xi32, #tpu.memory_space<vmem>> -> memref<1x80xi32, #tpu.memory_space<vmem>>
      %dma_wait3A_113 = tpu.memref_squeeze %dma_wait3A_112 : memref<1x80xi32, #tpu.memory_space<vmem>> -> memref<80xi32, #tpu.memory_space<vmem>>
      %dma_wait3A_114 = arith.constant 0 : i32
      %dma_wait3A_115 = arith.constant 0 : i32
      %dma_wait3A_116 = tpu.memref_slice %arg2[%dma_wait3A_114, %dma_wait3A_115] : memref<10000x128xf32, #tpu.memory_space<hbm>> -> memref<10000x128xf32, #tpu.memory_space<hbm>>
      tpu.wait_indirect_dma semaphore(%arg13 : memref<!tpu.dma_semaphore, #tpu.memory_space<semaphore_mem>>) src(%dma_wait3A_116 : memref<10000x128xf32, #tpu.memory_space<hbm>>) dst(%arg10 : memref<80x128xf32, #tpu.memory_space<vmem>>)
      %add3A_117 = arith.constant 1 : i32
      %add3A_118 = arith.addi %mul3A_86, %add3A_117 : i32
      "tpu.region"() ({
        %run_scoped3A_119 = tpu.sem_alloc : memref<!tpu.dma_semaphore, #tpu.memory_space<semaphore_mem>>
        %dma_start3A_120 = arith.constant 0 : i32
        %dma_start3A_121 = tpu.memref_slice %arg8[%add3A_118, %dma_start3A_120] : memref<64x80xi32, #tpu.memory_space<vmem>> -> memref<1x80xi32, #tpu.memory_space<vmem>>
        %dma_start3A_122 = tpu.memref_squeeze %dma_start3A_121 : memref<1x80xi32, #tpu.memory_space<vmem>> -> memref<80xi32, #tpu.memory_space<vmem>>
        %dma_start3A_123 = arith.constant 0 : i32
        %dma_start3A_124 = arith.constant 0 : i32
        %dma_start3A_125 = tpu.memref_slice %arg11[%dma_start3A_123, %dma_start3A_124] : memref<10240x128xf32, #tpu.memory_space<vmem_shared>> -> memref<10240x128xf32, #tpu.memory_space<vmem_shared>>
        tpu.enqueue_indirect_dma source(%arg10 : memref<80x128xf32, #tpu.memory_space<vmem>>) target(%dma_start3A_125 : memref<10240x128xf32, #tpu.memory_space<vmem_shared>>) offsets(%dma_start3A_122 : memref<80xi32, #tpu.memory_space<vmem>>) semaphore(%run_scoped3A_119 : memref<!tpu.dma_semaphore, #tpu.memory_space<semaphore_mem>>) {add = true}
        %dma_wait3A_126 = arith.constant 0 : i32
        %dma_wait3A_127 = tpu.memref_slice %arg8[%add3A_118, %dma_wait3A_126] : memref<64x80xi32, #tpu.memory_space<vmem>> -> memref<1x80xi32, #tpu.memory_space<vmem>>
        %dma_wait3A_128 = tpu.memref_squeeze %dma_wait3A_127 : memref<1x80xi32, #tpu.memory_space<vmem>> -> memref<80xi32, #tpu.memory_space<vmem>>
        %dma_wait3A_129 = arith.constant 0 : i32
        %dma_wait3A_130 = arith.constant 0 : i32
        %dma_wait3A_131 = tpu.memref_slice %arg11[%dma_wait3A_129, %dma_wait3A_130] : memref<10240x128xf32, #tpu.memory_space<vmem_shared>> -> memref<10240x128xf32, #tpu.memory_space<vmem_shared>>
        tpu.wait_indirect_dma semaphore(%run_scoped3A_119 : memref<!tpu.dma_semaphore, #tpu.memory_space<semaphore_mem>>) src(%arg10 : memref<80x128xf32, #tpu.memory_space<vmem>>) dst(%dma_wait3A_131 : memref<10240x128xf32, #tpu.memory_space<vmem_shared>>)
        tpu.yield
      }) : () -> ()
    }
    %scan3A_19 = arith.constant 31 : i32
    %dma_start3A_20 = arith.constant 63 : i32
    %dma_start3A_21 = arith.constant 0 : i32
    %dma_start3A_22 = tpu.memref_slice %arg7[%dma_start3A_20, %dma_start3A_21] : memref<64x80xi32, #tpu.memory_space<vmem>> -> memref<1x80xi32, #tpu.memory_space<vmem>>
    %dma_start3A_23 = tpu.memref_squeeze %dma_start3A_22 : memref<1x80xi32, #tpu.memory_space<vmem>> -> memref<80xi32, #tpu.memory_space<vmem>>
    %dma_start3A_24 = arith.constant 0 : i32
    %dma_start3A_25 = arith.constant 0 : i32
    %dma_start3A_26 = tpu.memref_slice %arg2[%dma_start3A_24, %dma_start3A_25] : memref<10000x128xf32, #tpu.memory_space<hbm>> -> memref<10000x128xf32, #tpu.memory_space<hbm>>
    tpu.enqueue_indirect_dma source(%dma_start3A_26 : memref<10000x128xf32, #tpu.memory_space<hbm>>) target(%arg10 : memref<80x128xf32, #tpu.memory_space<vmem>>) offsets(%dma_start3A_23 : memref<80xi32, #tpu.memory_space<vmem>>) semaphore(%arg13 : memref<!tpu.dma_semaphore, #tpu.memory_space<semaphore_mem>>)
    %dma_wait3A = arith.constant 62 : i32
    %dma_wait3A_27 = arith.constant 0 : i32
    %dma_wait3A_28 = tpu.memref_slice %arg7[%dma_wait3A, %dma_wait3A_27] : memref<64x80xi32, #tpu.memory_space<vmem>> -> memref<1x80xi32, #tpu.memory_space<vmem>>
    %dma_wait3A_29 = tpu.memref_squeeze %dma_wait3A_28 : memref<1x80xi32, #tpu.memory_space<vmem>> -> memref<80xi32, #tpu.memory_space<vmem>>
    %dma_wait3A_30 = arith.constant 0 : i32
    %dma_wait3A_31 = arith.constant 0 : i32
    %dma_wait3A_32 = tpu.memref_slice %arg2[%dma_wait3A_30, %dma_wait3A_31] : memref<10000x128xf32, #tpu.memory_space<hbm>> -> memref<10000x128xf32, #tpu.memory_space<hbm>>
    tpu.wait_indirect_dma semaphore(%arg12 : memref<!tpu.dma_semaphore, #tpu.memory_space<semaphore_mem>>) src(%dma_wait3A_32 : memref<10000x128xf32, #tpu.memory_space<hbm>>) dst(%arg9 : memref<80x128xf32, #tpu.memory_space<vmem>>)
    %run_scoped3A = arith.constant 62 : i32
    "tpu.region"() ({
      %run_scoped3A_84 = tpu.sem_alloc : memref<!tpu.dma_semaphore, #tpu.memory_space<semaphore_mem>>
      %dma_start3A_85 = arith.constant 0 : i32
      %dma_start3A_86 = tpu.memref_slice %arg8[%run_scoped3A, %dma_start3A_85] : memref<64x80xi32, #tpu.memory_space<vmem>> -> memref<1x80xi32, #tpu.memory_space<vmem>>
      %dma_start3A_87 = tpu.memref_squeeze %dma_start3A_86 : memref<1x80xi32, #tpu.memory_space<vmem>> -> memref<80xi32, #tpu.memory_space<vmem>>
      %dma_start3A_88 = arith.constant 0 : i32
      %dma_start3A_89 = arith.constant 0 : i32
      %dma_start3A_90 = tpu.memref_slice %arg11[%dma_start3A_88, %dma_start3A_89] : memref<10240x128xf32, #tpu.memory_space<vmem_shared>> -> memref<10240x128xf32, #tpu.memory_space<vmem_shared>>
      tpu.enqueue_indirect_dma source(%arg9 : memref<80x128xf32, #tpu.memory_space<vmem>>) target(%dma_start3A_90 : memref<10240x128xf32, #tpu.memory_space<vmem_shared>>) offsets(%dma_start3A_87 : memref<80xi32, #tpu.memory_space<vmem>>) semaphore(%run_scoped3A_84 : memref<!tpu.dma_semaphore, #tpu.memory_space<semaphore_mem>>) {add = true}
      %dma_wait3A_91 = arith.constant 0 : i32
      %dma_wait3A_92 = tpu.memref_slice %arg8[%run_scoped3A, %dma_wait3A_91] : memref<64x80xi32, #tpu.memory_space<vmem>> -> memref<1x80xi32, #tpu.memory_space<vmem>>
      %dma_wait3A_93 = tpu.memref_squeeze %dma_wait3A_92 : memref<1x80xi32, #tpu.memory_space<vmem>> -> memref<80xi32, #tpu.memory_space<vmem>>
      %dma_wait3A_94 = arith.constant 0 : i32
      %dma_wait3A_95 = arith.constant 0 : i32
      %dma_wait3A_96 = tpu.memref_slice %arg11[%dma_wait3A_94, %dma_wait3A_95] : memref<10240x128xf32, #tpu.memory_space<vmem_shared>> -> memref<10240x128xf32, #tpu.memory_space<vmem_shared>>
      tpu.wait_indirect_dma semaphore(%run_scoped3A_84 : memref<!tpu.dma_semaphore, #tpu.memory_space<semaphore_mem>>) src(%arg9 : memref<80x128xf32, #tpu.memory_space<vmem>>) dst(%dma_wait3A_96 : memref<10240x128xf32, #tpu.memory_space<vmem_shared>>)
      tpu.yield
    }) : () -> ()
    %dma_wait3A_33 = arith.constant 63 : i32
    %dma_wait3A_34 = arith.constant 0 : i32
    %dma_wait3A_35 = tpu.memref_slice %arg7[%dma_wait3A_33, %dma_wait3A_34] : memref<64x80xi32, #tpu.memory_space<vmem>> -> memref<1x80xi32, #tpu.memory_space<vmem>>
    %dma_wait3A_36 = tpu.memref_squeeze %dma_wait3A_35 : memref<1x80xi32, #tpu.memory_space<vmem>> -> memref<80xi32, #tpu.memory_space<vmem>>
    %dma_wait3A_37 = arith.constant 0 : i32
    %dma_wait3A_38 = arith.constant 0 : i32
    %dma_wait3A_39 = tpu.memref_slice %arg2[%dma_wait3A_37, %dma_wait3A_38] : memref<10000x128xf32, #tpu.memory_space<hbm>> -> memref<10000x128xf32, #tpu.memory_space<hbm>>
    tpu.wait_indirect_dma semaphore(%arg13 : memref<!tpu.dma_semaphore, #tpu.memory_space<semaphore_mem>>) src(%dma_wait3A_39 : memref<10000x128xf32, #tpu.memory_space<hbm>>) dst(%arg10 : memref<80x128xf32, #tpu.memory_space<vmem>>)
    %run_scoped3A_40 = arith.constant 63 : i32
    "tpu.region"() ({
      %run_scoped3A_84 = tpu.sem_alloc : memref<!tpu.dma_semaphore, #tpu.memory_space<semaphore_mem>>
      %dma_start3A_85 = arith.constant 0 : i32
      %dma_start3A_86 = tpu.memref_slice %arg8[%run_scoped3A_40, %dma_start3A_85] : memref<64x80xi32, #tpu.memory_space<vmem>> -> memref<1x80xi32, #tpu.memory_space<vmem>>
      %dma_start3A_87 = tpu.memref_squeeze %dma_start3A_86 : memref<1x80xi32, #tpu.memory_space<vmem>> -> memref<80xi32, #tpu.memory_space<vmem>>
      %dma_start3A_88 = arith.constant 0 : i32
      %dma_start3A_89 = arith.constant 0 : i32
      %dma_start3A_90 = tpu.memref_slice %arg11[%dma_start3A_88, %dma_start3A_89] : memref<10240x128xf32, #tpu.memory_space<vmem_shared>> -> memref<10240x128xf32, #tpu.memory_space<vmem_shared>>
      tpu.enqueue_indirect_dma source(%arg10 : memref<80x128xf32, #tpu.memory_space<vmem>>) target(%dma_start3A_90 : memref<10240x128xf32, #tpu.memory_space<vmem_shared>>) offsets(%dma_start3A_87 : memref<80xi32, #tpu.memory_space<vmem>>) semaphore(%run_scoped3A_84 : memref<!tpu.dma_semaphore, #tpu.memory_space<semaphore_mem>>) {add = true}
      %dma_wait3A_91 = arith.constant 0 : i32
      %dma_wait3A_92 = tpu.memref_slice %arg8[%run_scoped3A_40, %dma_wait3A_91] : memref<64x80xi32, #tpu.memory_space<vmem>> -> memref<1x80xi32, #tpu.memory_space<vmem>>
      %dma_wait3A_93 = tpu.memref_squeeze %dma_wait3A_92 : memref<1x80xi32, #tpu.memory_space<vmem>> -> memref<80xi32, #tpu.memory_space<vmem>>
      %dma_wait3A_94 = arith.constant 0 : i32
      %dma_wait3A_95 = arith.constant 0 : i32
      %dma_wait3A_96 = tpu.memref_slice %arg11[%dma_wait3A_94, %dma_wait3A_95] : memref<10240x128xf32, #tpu.memory_space<vmem_shared>> -> memref<10240x128xf32, #tpu.memory_space<vmem_shared>>
      tpu.wait_indirect_dma semaphore(%run_scoped3A_84 : memref<!tpu.dma_semaphore, #tpu.memory_space<semaphore_mem>>) src(%arg10 : memref<80x128xf32, #tpu.memory_space<vmem>>) dst(%dma_wait3A_96 : memref<10240x128xf32, #tpu.memory_space<vmem_shared>>)
      tpu.yield
    }) : () -> ()
    "tpu.region"() ({
      %run_scoped3A_84 = tpu.sem_alloc : memref<!tpu.dma_semaphore, #tpu.memory_space<semaphore_mem>>
      %dma_start3A_85 = arith.constant 64 : i32
      %dma_start3A_86 = arith.constant 0 : i32
      %dma_start3A_87 = tpu.memref_slice %arg3[%add3A, %dma_start3A_85, %dma_start3A_86] : memref<32x128x80xi32, #tpu.memory_space<hbm>> -> memref<1x64x80xi32, #tpu.memory_space<hbm>>
      %dma_start3A_88 = tpu.memref_squeeze %dma_start3A_87 : memref<1x64x80xi32, #tpu.memory_space<hbm>> -> memref<64x80xi32, #tpu.memory_space<hbm>>
      %dma_start3A_89 = arith.constant 64 : i32
      %dma_start3A_90 = arith.constant 0 : i32
      %dma_start3A_91 = tpu.memref_slice %arg3[%add3A, %dma_start3A_89, %dma_start3A_90] : memref<32x128x80xi32, #tpu.memory_space<hbm>> -> memref<1x64x80xi32, #tpu.memory_space<hbm>>
      %dma_start3A_92 = tpu.memref_squeeze %dma_start3A_91 : memref<1x64x80xi32, #tpu.memory_space<hbm>> -> memref<64x80xi32, #tpu.memory_space<hbm>>
      tpu.enqueue_dma source(%dma_start3A_92 : memref<64x80xi32, #tpu.memory_space<hbm>>) target(%arg7 : memref<64x80xi32, #tpu.memory_space<vmem>>) target_semaphore(%run_scoped3A_84 : memref<!tpu.dma_semaphore, #tpu.memory_space<semaphore_mem>>)
      %dma_wait3A_93 = arith.constant 64 : i32
      %dma_wait3A_94 = arith.constant 0 : i32
      %dma_wait3A_95 = tpu.memref_slice %arg3[%add3A, %dma_wait3A_93, %dma_wait3A_94] : memref<32x128x80xi32, #tpu.memory_space<hbm>> -> memref<1x64x80xi32, #tpu.memory_space<hbm>>
      %dma_wait3A_96 = tpu.memref_squeeze %dma_wait3A_95 : memref<1x64x80xi32, #tpu.memory_space<hbm>> -> memref<64x80xi32, #tpu.memory_space<hbm>>
      %dma_wait3A_97 = arith.constant 64 : i32
      %dma_wait3A_98 = arith.constant 0 : i32
      %dma_wait3A_99 = tpu.memref_slice %arg3[%add3A, %dma_wait3A_97, %dma_wait3A_98] : memref<32x128x80xi32, #tpu.memory_space<hbm>> -> memref<1x64x80xi32, #tpu.memory_space<hbm>>
      %dma_wait3A_100 = tpu.memref_squeeze %dma_wait3A_99 : memref<1x64x80xi32, #tpu.memory_space<hbm>> -> memref<64x80xi32, #tpu.memory_space<hbm>>
      tpu.wait_dma2 semaphore(%run_scoped3A_84 : memref<!tpu.dma_semaphore, #tpu.memory_space<semaphore_mem>>) src(%dma_wait3A_100 : memref<64x80xi32, #tpu.memory_space<hbm>>) dst(%arg7 : memref<64x80xi32, #tpu.memory_space<vmem>>)
      tpu.yield
    }) : () -> ()
    "tpu.region"() ({
      %run_scoped3A_84 = tpu.sem_alloc : memref<!tpu.dma_semaphore, #tpu.memory_space<semaphore_mem>>
      %dma_start3A_85 = arith.constant 64 : i32
      %dma_start3A_86 = arith.constant 0 : i32
      %dma_start3A_87 = tpu.memref_slice %arg4[%add3A, %dma_start3A_85, %dma_start3A_86] : memref<32x128x80xi32, #tpu.memory_space<hbm>> -> memref<1x64x80xi32, #tpu.memory_space<hbm>>
      %dma_start3A_88 = tpu.memref_squeeze %dma_start3A_87 : memref<1x64x80xi32, #tpu.memory_space<hbm>> -> memref<64x80xi32, #tpu.memory_space<hbm>>
      %dma_start3A_89 = arith.constant 64 : i32
      %dma_start3A_90 = arith.constant 0 : i32
      %dma_start3A_91 = tpu.memref_slice %arg4[%add3A, %dma_start3A_89, %dma_start3A_90] : memref<32x128x80xi32, #tpu.memory_space<hbm>> -> memref<1x64x80xi32, #tpu.memory_space<hbm>>
      %dma_start3A_92 = tpu.memref_squeeze %dma_start3A_91 : memref<1x64x80xi32, #tpu.memory_space<hbm>> -> memref<64x80xi32, #tpu.memory_space<hbm>>
      tpu.enqueue_dma source(%dma_start3A_92 : memref<64x80xi32, #tpu.memory_space<hbm>>) target(%arg8 : memref<64x80xi32, #tpu.memory_space<vmem>>) target_semaphore(%run_scoped3A_84 : memref<!tpu.dma_semaphore, #tpu.memory_space<semaphore_mem>>)
      %dma_wait3A_93 = arith.constant 64 : i32
      %dma_wait3A_94 = arith.constant 0 : i32
      %dma_wait3A_95 = tpu.memref_slice %arg4[%add3A, %dma_wait3A_93, %dma_wait3A_94] : memref<32x128x80xi32, #tpu.memory_space<hbm>> -> memref<1x64x80xi32, #tpu.memory_space<hbm>>
      %dma_wait3A_96 = tpu.memref_squeeze %dma_wait3A_95 : memref<1x64x80xi32, #tpu.memory_space<hbm>> -> memref<64x80xi32, #tpu.memory_space<hbm>>
      %dma_wait3A_97 = arith.constant 64 : i32
      %dma_wait3A_98 = arith.constant 0 : i32
      %dma_wait3A_99 = tpu.memref_slice %arg4[%add3A, %dma_wait3A_97, %dma_wait3A_98] : memref<32x128x80xi32, #tpu.memory_space<hbm>> -> memref<1x64x80xi32, #tpu.memory_space<hbm>>
      %dma_wait3A_100 = tpu.memref_squeeze %dma_wait3A_99 : memref<1x64x80xi32, #tpu.memory_space<hbm>> -> memref<64x80xi32, #tpu.memory_space<hbm>>
      tpu.wait_dma2 semaphore(%run_scoped3A_84 : memref<!tpu.dma_semaphore, #tpu.memory_space<semaphore_mem>>) src(%dma_wait3A_100 : memref<64x80xi32, #tpu.memory_space<hbm>>) dst(%arg8 : memref<64x80xi32, #tpu.memory_space<vmem>>)
      tpu.yield
    }) : () -> ()
    %dma_start3A_41 = arith.constant 0 : i32
    %dma_start3A_42 = arith.constant 0 : i32
    %dma_start3A_43 = tpu.memref_slice %arg7[%dma_start3A_41, %dma_start3A_42] : memref<64x80xi32, #tpu.memory_space<vmem>> -> memref<1x80xi32, #tpu.memory_space<vmem>>
    %dma_start3A_44 = tpu.memref_squeeze %dma_start3A_43 : memref<1x80xi32, #tpu.memory_space<vmem>> -> memref<80xi32, #tpu.memory_space<vmem>>
    %dma_start3A_45 = arith.constant 0 : i32
    %dma_start3A_46 = arith.constant 0 : i32
    %dma_start3A_47 = tpu.memref_slice %arg2[%dma_start3A_45, %dma_start3A_46] : memref<10000x128xf32, #tpu.memory_space<hbm>> -> memref<10000x128xf32, #tpu.memory_space<hbm>>
    tpu.enqueue_indirect_dma source(%dma_start3A_47 : memref<10000x128xf32, #tpu.memory_space<hbm>>) target(%arg9 : memref<80x128xf32, #tpu.memory_space<vmem>>) offsets(%dma_start3A_44 : memref<80xi32, #tpu.memory_space<vmem>>) semaphore(%arg12 : memref<!tpu.dma_semaphore, #tpu.memory_space<semaphore_mem>>)
    %scan3A_48 = arith.constant 0 : i32
    %scan3A_49 = arith.constant 0 : i32
    %scan3A_50 = arith.constant 31 : i32
    %scan3A_51 = arith.addi %scan3A_49, %scan3A_50 : i32
    %scan3A_52 = arith.constant 1 : i32
    scf.for %scan3A_84 = %scan3A_49 to %scan3A_51 step %scan3A_52  : i32 {
      %mul3A_85 = arith.constant 2 : i32
      %mul3A_86 = arith.muli %mul3A_85, %scan3A_84 : i32
      %add3A_87 = arith.constant 1 : i32
      %add3A_88 = arith.addi %mul3A_86, %add3A_87 : i32
      %dma_start3A_89 = arith.constant 0 : i32
      %dma_start3A_90 = tpu.memref_slice %arg7[%add3A_88, %dma_start3A_89] : memref<64x80xi32, #tpu.memory_space<vmem>> -> memref<1x80xi32, #tpu.memory_space<vmem>>
      %dma_start3A_91 = tpu.memref_squeeze %dma_start3A_90 : memref<1x80xi32, #tpu.memory_space<vmem>> -> memref<80xi32, #tpu.memory_space<vmem>>
      %dma_start3A_92 = arith.constant 0 : i32
      %dma_start3A_93 = arith.constant 0 : i32
      %dma_start3A_94 = tpu.memref_slice %arg2[%dma_start3A_92, %dma_start3A_93] : memref<10000x128xf32, #tpu.memory_space<hbm>> -> memref<10000x128xf32, #tpu.memory_space<hbm>>
      tpu.enqueue_indirect_dma source(%dma_start3A_94 : memref<10000x128xf32, #tpu.memory_space<hbm>>) target(%arg10 : memref<80x128xf32, #tpu.memory_space<vmem>>) offsets(%dma_start3A_91 : memref<80xi32, #tpu.memory_space<vmem>>) semaphore(%arg13 : memref<!tpu.dma_semaphore, #tpu.memory_space<semaphore_mem>>)
      %dma_wait3A_95 = arith.constant 0 : i32
      %dma_wait3A_96 = tpu.memref_slice %arg7[%mul3A_86, %dma_wait3A_95] : memref<64x80xi32, #tpu.memory_space<vmem>> -> memref<1x80xi32, #tpu.memory_space<vmem>>
      %dma_wait3A_97 = tpu.memref_squeeze %dma_wait3A_96 : memref<1x80xi32, #tpu.memory_space<vmem>> -> memref<80xi32, #tpu.memory_space<vmem>>
      %dma_wait3A_98 = arith.constant 0 : i32
      %dma_wait3A_99 = arith.constant 0 : i32
      %dma_wait3A_100 = tpu.memref_slice %arg2[%dma_wait3A_98, %dma_wait3A_99] : memref<10000x128xf32, #tpu.memory_space<hbm>> -> memref<10000x128xf32, #tpu.memory_space<hbm>>
      tpu.wait_indirect_dma semaphore(%arg12 : memref<!tpu.dma_semaphore, #tpu.memory_space<semaphore_mem>>) src(%dma_wait3A_100 : memref<10000x128xf32, #tpu.memory_space<hbm>>) dst(%arg9 : memref<80x128xf32, #tpu.memory_space<vmem>>)
      "tpu.region"() ({
        %run_scoped3A_119 = tpu.sem_alloc : memref<!tpu.dma_semaphore, #tpu.memory_space<semaphore_mem>>
        %dma_start3A_120 = arith.constant 0 : i32
        %dma_start3A_121 = tpu.memref_slice %arg8[%mul3A_86, %dma_start3A_120] : memref<64x80xi32, #tpu.memory_space<vmem>> -> memref<1x80xi32, #tpu.memory_space<vmem>>
        %dma_start3A_122 = tpu.memref_squeeze %dma_start3A_121 : memref<1x80xi32, #tpu.memory_space<vmem>> -> memref<80xi32, #tpu.memory_space<vmem>>
        %dma_start3A_123 = arith.constant 0 : i32
        %dma_start3A_124 = arith.constant 0 : i32
        %dma_start3A_125 = tpu.memref_slice %arg11[%dma_start3A_123, %dma_start3A_124] : memref<10240x128xf32, #tpu.memory_space<vmem_shared>> -> memref<10240x128xf32, #tpu.memory_space<vmem_shared>>
        tpu.enqueue_indirect_dma source(%arg9 : memref<80x128xf32, #tpu.memory_space<vmem>>) target(%dma_start3A_125 : memref<10240x128xf32, #tpu.memory_space<vmem_shared>>) offsets(%dma_start3A_122 : memref<80xi32, #tpu.memory_space<vmem>>) semaphore(%run_scoped3A_119 : memref<!tpu.dma_semaphore, #tpu.memory_space<semaphore_mem>>) {add = true}
        %dma_wait3A_126 = arith.constant 0 : i32
        %dma_wait3A_127 = tpu.memref_slice %arg8[%mul3A_86, %dma_wait3A_126] : memref<64x80xi32, #tpu.memory_space<vmem>> -> memref<1x80xi32, #tpu.memory_space<vmem>>
        %dma_wait3A_128 = tpu.memref_squeeze %dma_wait3A_127 : memref<1x80xi32, #tpu.memory_space<vmem>> -> memref<80xi32, #tpu.memory_space<vmem>>
        %dma_wait3A_129 = arith.constant 0 : i32
        %dma_wait3A_130 = arith.constant 0 : i32
        %dma_wait3A_131 = tpu.memref_slice %arg11[%dma_wait3A_129, %dma_wait3A_130] : memref<10240x128xf32, #tpu.memory_space<vmem_shared>> -> memref<10240x128xf32, #tpu.memory_space<vmem_shared>>
        tpu.wait_indirect_dma semaphore(%run_scoped3A_119 : memref<!tpu.dma_semaphore, #tpu.memory_space<semaphore_mem>>) src(%arg9 : memref<80x128xf32, #tpu.memory_space<vmem>>) dst(%dma_wait3A_131 : memref<10240x128xf32, #tpu.memory_space<vmem_shared>>)
        tpu.yield
      }) : () -> ()
      %add3A_101 = arith.constant 2 : i32
      %add3A_102 = arith.addi %mul3A_86, %add3A_101 : i32
      %dma_start3A_103 = arith.constant 0 : i32
      %dma_start3A_104 = tpu.memref_slice %arg7[%add3A_102, %dma_start3A_103] : memref<64x80xi32, #tpu.memory_space<vmem>> -> memref<1x80xi32, #tpu.memory_space<vmem>>
      %dma_start3A_105 = tpu.memref_squeeze %dma_start3A_104 : memref<1x80xi32, #tpu.memory_space<vmem>> -> memref<80xi32, #tpu.memory_space<vmem>>
      %dma_start3A_106 = arith.constant 0 : i32
      %dma_start3A_107 = arith.constant 0 : i32
      %dma_start3A_108 = tpu.memref_slice %arg2[%dma_start3A_106, %dma_start3A_107] : memref<10000x128xf32, #tpu.memory_space<hbm>> -> memref<10000x128xf32, #tpu.memory_space<hbm>>
      tpu.enqueue_indirect_dma source(%dma_start3A_108 : memref<10000x128xf32, #tpu.memory_space<hbm>>) target(%arg9 : memref<80x128xf32, #tpu.memory_space<vmem>>) offsets(%dma_start3A_105 : memref<80xi32, #tpu.memory_space<vmem>>) semaphore(%arg12 : memref<!tpu.dma_semaphore, #tpu.memory_space<semaphore_mem>>)
      %add3A_109 = arith.constant 1 : i32
      %add3A_110 = arith.addi %mul3A_86, %add3A_109 : i32
      %dma_wait3A_111 = arith.constant 0 : i32
      %dma_wait3A_112 = tpu.memref_slice %arg7[%add3A_110, %dma_wait3A_111] : memref<64x80xi32, #tpu.memory_space<vmem>> -> memref<1x80xi32, #tpu.memory_space<vmem>>
      %dma_wait3A_113 = tpu.memref_squeeze %dma_wait3A_112 : memref<1x80xi32, #tpu.memory_space<vmem>> -> memref<80xi32, #tpu.memory_space<vmem>>
      %dma_wait3A_114 = arith.constant 0 : i32
      %dma_wait3A_115 = arith.constant 0 : i32
      %dma_wait3A_116 = tpu.memref_slice %arg2[%dma_wait3A_114, %dma_wait3A_115] : memref<10000x128xf32, #tpu.memory_space<hbm>> -> memref<10000x128xf32, #tpu.memory_space<hbm>>
      tpu.wait_indirect_dma semaphore(%arg13 : memref<!tpu.dma_semaphore, #tpu.memory_space<semaphore_mem>>) src(%dma_wait3A_116 : memref<10000x128xf32, #tpu.memory_space<hbm>>) dst(%arg10 : memref<80x128xf32, #tpu.memory_space<vmem>>)
      %add3A_117 = arith.constant 1 : i32
      %add3A_118 = arith.addi %mul3A_86, %add3A_117 : i32
      "tpu.region"() ({
        %run_scoped3A_119 = tpu.sem_alloc : memref<!tpu.dma_semaphore, #tpu.memory_space<semaphore_mem>>
        %dma_start3A_120 = arith.constant 0 : i32
        %dma_start3A_121 = tpu.memref_slice %arg8[%add3A_118, %dma_start3A_120] : memref<64x80xi32, #tpu.memory_space<vmem>> -> memref<1x80xi32, #tpu.memory_space<vmem>>
        %dma_start3A_122 = tpu.memref_squeeze %dma_start3A_121 : memref<1x80xi32, #tpu.memory_space<vmem>> -> memref<80xi32, #tpu.memory_space<vmem>>
        %dma_start3A_123 = arith.constant 0 : i32
        %dma_start3A_124 = arith.constant 0 : i32
        %dma_start3A_125 = tpu.memref_slice %arg11[%dma_start3A_123, %dma_start3A_124] : memref<10240x128xf32, #tpu.memory_space<vmem_shared>> -> memref<10240x128xf32, #tpu.memory_space<vmem_shared>>
        tpu.enqueue_indirect_dma source(%arg10 : memref<80x128xf32, #tpu.memory_space<vmem>>) target(%dma_start3A_125 : memref<10240x128xf32, #tpu.memory_space<vmem_shared>>) offsets(%dma_start3A_122 : memref<80xi32, #tpu.memory_space<vmem>>) semaphore(%run_scoped3A_119 : memref<!tpu.dma_semaphore, #tpu.memory_space<semaphore_mem>>) {add = true}
        %dma_wait3A_126 = arith.constant 0 : i32
        %dma_wait3A_127 = tpu.memref_slice %arg8[%add3A_118, %dma_wait3A_126] : memref<64x80xi32, #tpu.memory_space<vmem>> -> memref<1x80xi32, #tpu.memory_space<vmem>>
        %dma_wait3A_128 = tpu.memref_squeeze %dma_wait3A_127 : memref<1x80xi32, #tpu.memory_space<vmem>> -> memref<80xi32, #tpu.memory_space<vmem>>
        %dma_wait3A_129 = arith.constant 0 : i32
        %dma_wait3A_130 = arith.constant 0 : i32
        %dma_wait3A_131 = tpu.memref_slice %arg11[%dma_wait3A_129, %dma_wait3A_130] : memref<10240x128xf32, #tpu.memory_space<vmem_shared>> -> memref<10240x128xf32, #tpu.memory_space<vmem_shared>>
        tpu.wait_indirect_dma semaphore(%run_scoped3A_119 : memref<!tpu.dma_semaphore, #tpu.memory_space<semaphore_mem>>) src(%arg10 : memref<80x128xf32, #tpu.memory_space<vmem>>) dst(%dma_wait3A_131 : memref<10240x128xf32, #tpu.memory_space<vmem_shared>>)
        tpu.yield
      }) : () -> ()
    }
    %scan3A_53 = arith.constant 31 : i32
    %dma_start3A_54 = arith.constant 63 : i32
    %dma_start3A_55 = arith.constant 0 : i32
    %dma_start3A_56 = tpu.memref_slice %arg7[%dma_start3A_54, %dma_start3A_55] : memref<64x80xi32, #tpu.memory_space<vmem>> -> memref<1x80xi32, #tpu.memory_space<vmem>>
    %dma_start3A_57 = tpu.memref_squeeze %dma_start3A_56 : memref<1x80xi32, #tpu.memory_space<vmem>> -> memref<80xi32, #tpu.memory_space<vmem>>
    %dma_start3A_58 = arith.constant 0 : i32
    %dma_start3A_59 = arith.constant 0 : i32
    %dma_start3A_60 = tpu.memref_slice %arg2[%dma_start3A_58, %dma_start3A_59] : memref<10000x128xf32, #tpu.memory_space<hbm>> -> memref<10000x128xf32, #tpu.memory_space<hbm>>
    tpu.enqueue_indirect_dma source(%dma_start3A_60 : memref<10000x128xf32, #tpu.memory_space<hbm>>) target(%arg10 : memref<80x128xf32, #tpu.memory_space<vmem>>) offsets(%dma_start3A_57 : memref<80xi32, #tpu.memory_space<vmem>>) semaphore(%arg13 : memref<!tpu.dma_semaphore, #tpu.memory_space<semaphore_mem>>)
    %dma_wait3A_61 = arith.constant 62 : i32
    %dma_wait3A_62 = arith.constant 0 : i32
    %dma_wait3A_63 = tpu.memref_slice %arg7[%dma_wait3A_61, %dma_wait3A_62] : memref<64x80xi32, #tpu.memory_space<vmem>> -> memref<1x80xi32, #tpu.memory_space<vmem>>
    %dma_wait3A_64 = tpu.memref_squeeze %dma_wait3A_63 : memref<1x80xi32, #tpu.memory_space<vmem>> -> memref<80xi32, #tpu.memory_space<vmem>>
    %dma_wait3A_65 = arith.constant 0 : i32
    %dma_wait3A_66 = arith.constant 0 : i32
    %dma_wait3A_67 = tpu.memref_slice %arg2[%dma_wait3A_65, %dma_wait3A_66] : memref<10000x128xf32, #tpu.memory_space<hbm>> -> memref<10000x128xf32, #tpu.memory_space<hbm>>
    tpu.wait_indirect_dma semaphore(%arg12 : memref<!tpu.dma_semaphore, #tpu.memory_space<semaphore_mem>>) src(%dma_wait3A_67 : memref<10000x128xf32, #tpu.memory_space<hbm>>) dst(%arg9 : memref<80x128xf32, #tpu.memory_space<vmem>>)
    %run_scoped3A_68 = arith.constant 62 : i32
    "tpu.region"() ({
      %run_scoped3A_84 = tpu.sem_alloc : memref<!tpu.dma_semaphore, #tpu.memory_space<semaphore_mem>>
      %dma_start3A_85 = arith.constant 0 : i32
      %dma_start3A_86 = tpu.memref_slice %arg8[%run_scoped3A_68, %dma_start3A_85] : memref<64x80xi32, #tpu.memory_space<vmem>> -> memref<1x80xi32, #tpu.memory_space<vmem>>
      %dma_start3A_87 = tpu.memref_squeeze %dma_start3A_86 : memref<1x80xi32, #tpu.memory_space<vmem>> -> memref<80xi32, #tpu.memory_space<vmem>>
      %dma_start3A_88 = arith.constant 0 : i32
      %dma_start3A_89 = arith.constant 0 : i32
      %dma_start3A_90 = tpu.memref_slice %arg11[%dma_start3A_88, %dma_start3A_89] : memref<10240x128xf32, #tpu.memory_space<vmem_shared>> -> memref<10240x128xf32, #tpu.memory_space<vmem_shared>>
      tpu.enqueue_indirect_dma source(%arg9 : memref<80x128xf32, #tpu.memory_space<vmem>>) target(%dma_start3A_90 : memref<10240x128xf32, #tpu.memory_space<vmem_shared>>) offsets(%dma_start3A_87 : memref<80xi32, #tpu.memory_space<vmem>>) semaphore(%run_scoped3A_84 : memref<!tpu.dma_semaphore, #tpu.memory_space<semaphore_mem>>) {add = true}
      %dma_wait3A_91 = arith.constant 0 : i32
      %dma_wait3A_92 = tpu.memref_slice %arg8[%run_scoped3A_68, %dma_wait3A_91] : memref<64x80xi32, #tpu.memory_space<vmem>> -> memref<1x80xi32, #tpu.memory_space<vmem>>
      %dma_wait3A_93 = tpu.memref_squeeze %dma_wait3A_92 : memref<1x80xi32, #tpu.memory_space<vmem>> -> memref<80xi32, #tpu.memory_space<vmem>>
      %dma_wait3A_94 = arith.constant 0 : i32
      %dma_wait3A_95 = arith.constant 0 : i32
      %dma_wait3A_96 = tpu.memref_slice %arg11[%dma_wait3A_94, %dma_wait3A_95] : memref<10240x128xf32, #tpu.memory_space<vmem_shared>> -> memref<10240x128xf32, #tpu.memory_space<vmem_shared>>
      tpu.wait_indirect_dma semaphore(%run_scoped3A_84 : memref<!tpu.dma_semaphore, #tpu.memory_space<semaphore_mem>>) src(%arg9 : memref<80x128xf32, #tpu.memory_space<vmem>>) dst(%dma_wait3A_96 : memref<10240x128xf32, #tpu.memory_space<vmem_shared>>)
      tpu.yield
    }) : () -> ()
    %dma_wait3A_69 = arith.constant 63 : i32
    %dma_wait3A_70 = arith.constant 0 : i32
    %dma_wait3A_71 = tpu.memref_slice %arg7[%dma_wait3A_69, %dma_wait3A_70] : memref<64x80xi32, #tpu.memory_space<vmem>> -> memref<1x80xi32, #tpu.memory_space<vmem>>
    %dma_wait3A_72 = tpu.memref_squeeze %dma_wait3A_71 : memref<1x80xi32, #tpu.memory_space<vmem>> -> memref<80xi32, #tpu.memory_space<vmem>>
    %dma_wait3A_73 = arith.constant 0 : i32
    %dma_wait3A_74 = arith.constant 0 : i32
    %dma_wait3A_75 = tpu.memref_slice %arg2[%dma_wait3A_73, %dma_wait3A_74] : memref<10000x128xf32, #tpu.memory_space<hbm>> -> memref<10000x128xf32, #tpu.memory_space<hbm>>
    tpu.wait_indirect_dma semaphore(%arg13 : memref<!tpu.dma_semaphore, #tpu.memory_space<semaphore_mem>>) src(%dma_wait3A_75 : memref<10000x128xf32, #tpu.memory_space<hbm>>) dst(%arg10 : memref<80x128xf32, #tpu.memory_space<vmem>>)
    %run_scoped3A_76 = arith.constant 63 : i32
    "tpu.region"() ({
      %run_scoped3A_84 = tpu.sem_alloc : memref<!tpu.dma_semaphore, #tpu.memory_space<semaphore_mem>>
      %dma_start3A_85 = arith.constant 0 : i32
      %dma_start3A_86 = tpu.memref_slice %arg8[%run_scoped3A_76, %dma_start3A_85] : memref<64x80xi32, #tpu.memory_space<vmem>> -> memref<1x80xi32, #tpu.memory_space<vmem>>
      %dma_start3A_87 = tpu.memref_squeeze %dma_start3A_86 : memref<1x80xi32, #tpu.memory_space<vmem>> -> memref<80xi32, #tpu.memory_space<vmem>>
      %dma_start3A_88 = arith.constant 0 : i32
      %dma_start3A_89 = arith.constant 0 : i32
      %dma_start3A_90 = tpu.memref_slice %arg11[%dma_start3A_88, %dma_start3A_89] : memref<10240x128xf32, #tpu.memory_space<vmem_shared>> -> memref<10240x128xf32, #tpu.memory_space<vmem_shared>>
      tpu.enqueue_indirect_dma source(%arg10 : memref<80x128xf32, #tpu.memory_space<vmem>>) target(%dma_start3A_90 : memref<10240x128xf32, #tpu.memory_space<vmem_shared>>) offsets(%dma_start3A_87 : memref<80xi32, #tpu.memory_space<vmem>>) semaphore(%run_scoped3A_84 : memref<!tpu.dma_semaphore, #tpu.memory_space<semaphore_mem>>) {add = true}
      %dma_wait3A_91 = arith.constant 0 : i32
      %dma_wait3A_92 = tpu.memref_slice %arg8[%run_scoped3A_76, %dma_wait3A_91] : memref<64x80xi32, #tpu.memory_space<vmem>> -> memref<1x80xi32, #tpu.memory_space<vmem>>
      %dma_wait3A_93 = tpu.memref_squeeze %dma_wait3A_92 : memref<1x80xi32, #tpu.memory_space<vmem>> -> memref<80xi32, #tpu.memory_space<vmem>>
      %dma_wait3A_94 = arith.constant 0 : i32
      %dma_wait3A_95 = arith.constant 0 : i32
      %dma_wait3A_96 = tpu.memref_slice %arg11[%dma_wait3A_94, %dma_wait3A_95] : memref<10240x128xf32, #tpu.memory_space<vmem_shared>> -> memref<10240x128xf32, #tpu.memory_space<vmem_shared>>
      tpu.wait_indirect_dma semaphore(%run_scoped3A_84 : memref<!tpu.dma_semaphore, #tpu.memory_space<semaphore_mem>>) src(%arg10 : memref<80x128xf32, #tpu.memory_space<vmem>>) dst(%dma_wait3A_96 : memref<10240x128xf32, #tpu.memory_space<vmem_shared>>)
      tpu.yield
    }) : () -> ()
    %barrier3A_77 = arith.constant 0 : index
    tpu.barrier barrier_id(%barrier3A_77)
    %scan3A_78 = arith.constant 0 : i32
    %scan3A_79 = arith.constant 0 : i32
    %scan3A_80 = arith.constant 8 : i32
    %scan3A_81 = arith.addi %scan3A_79, %scan3A_80 : i32
    %scan3A_82 = arith.constant 1 : i32
    scf.for %scan3A_84 = %scan3A_79 to %scan3A_81 step %scan3A_82  : i32 {
      %mul3A_85 = arith.constant 80 : i32
      %mul3A_86 = arith.muli %scan3A_84, %mul3A_85 : i32
      %add3A_87 = arith.addi %mul3A_0, %mul3A_86 : i32
      "tpu.region"() ({
        %run_scoped3A_91 = tpu.sem_alloc : memref<!tpu.dma_semaphore, #tpu.memory_space<semaphore_mem>>
        %dma_start3A_92 = arith.constant 0 : i32
        %dma_start3A_93 = tpu.memref_slice %arg11[%add3A_87, %dma_start3A_92] : memref<10240x128xf32, #tpu.memory_space<vmem_shared>> -> memref<80x128xf32, #tpu.memory_space<vmem_shared>>
        %dma_start3A_94 = arith.constant 0 : i32
        %dma_start3A_95 = tpu.memref_slice %arg11[%add3A_87, %dma_start3A_94] : memref<10240x128xf32, #tpu.memory_space<vmem_shared>> -> memref<80x128xf32, #tpu.memory_space<vmem_shared>>
        tpu.enqueue_dma source(%dma_start3A_95 : memref<80x128xf32, #tpu.memory_space<vmem_shared>>) target(%arg9 : memref<80x128xf32, #tpu.memory_space<vmem>>) target_semaphore(%run_scoped3A_91 : memref<!tpu.dma_semaphore, #tpu.memory_space<semaphore_mem>>)
        %dma_wait3A_96 = arith.constant 0 : i32
        %dma_wait3A_97 = tpu.memref_slice %arg11[%add3A_87, %dma_wait3A_96] : memref<10240x128xf32, #tpu.memory_space<vmem_shared>> -> memref<80x128xf32, #tpu.memory_space<vmem_shared>>
        %dma_wait3A_98 = arith.constant 0 : i32
        %dma_wait3A_99 = tpu.memref_slice %arg11[%add3A_87, %dma_wait3A_98] : memref<10240x128xf32, #tpu.memory_space<vmem_shared>> -> memref<80x128xf32, #tpu.memory_space<vmem_shared>>
        tpu.wait_dma2 semaphore(%run_scoped3A_91 : memref<!tpu.dma_semaphore, #tpu.memory_space<semaphore_mem>>) src(%dma_wait3A_99 : memref<80x128xf32, #tpu.memory_space<vmem_shared>>) dst(%arg9 : memref<80x128xf32, #tpu.memory_space<vmem>>)
        tpu.yield
      }) : () -> ()
      %mul3A_88 = arith.constant 80 : i32
      %mul3A_89 = arith.muli %scan3A_84, %mul3A_88 : i32
      %add3A_90 = arith.addi %mul3A_0, %mul3A_89 : i32
      "tpu.region"() ({
        %run_scoped3A_91 = tpu.sem_alloc : memref<!tpu.dma_semaphore, #tpu.memory_space<semaphore_mem>>
        %dma_start3A_92 = arith.constant 0 : i32
        %dma_start3A_93 = tpu.memref_slice %arg6[%arg0, %add3A_90, %dma_start3A_92] : memref<2x10240x128xf32, #tpu.memory_space<hbm>> -> memref<1x80x128xf32, #tpu.memory_space<hbm>>
        %dma_start3A_94 = tpu.memref_squeeze %dma_start3A_93 : memref<1x80x128xf32, #tpu.memory_space<hbm>> -> memref<80x128xf32, #tpu.memory_space<hbm>>
        %dma_start3A_95 = arith.constant 0 : i32
        %dma_start3A_96 = tpu.memref_slice %arg6[%arg0, %add3A_90, %dma_start3A_95] : memref<2x10240x128xf32, #tpu.memory_space<hbm>> -> memref<1x80x128xf32, #tpu.memory_space<hbm>>
        %dma_start3A_97 = tpu.memref_squeeze %dma_start3A_96 : memref<1x80x128xf32, #tpu.memory_space<hbm>> -> memref<80x128xf32, #tpu.memory_space<hbm>>
        tpu.enqueue_dma source(%arg9 : memref<80x128xf32, #tpu.memory_space<vmem>>) target(%dma_start3A_97 : memref<80x128xf32, #tpu.memory_space<hbm>>) target_semaphore(%run_scoped3A_91 : memref<!tpu.dma_semaphore, #tpu.memory_space<semaphore_mem>>)
        %dma_wait3A_98 = arith.constant 0 : i32
        %dma_wait3A_99 = tpu.memref_slice %arg6[%arg0, %add3A_90, %dma_wait3A_98] : memref<2x10240x128xf32, #tpu.memory_space<hbm>> -> memref<1x80x128xf32, #tpu.memory_space<hbm>>
        %dma_wait3A_100 = tpu.memref_squeeze %dma_wait3A_99 : memref<1x80x128xf32, #tpu.memory_space<hbm>> -> memref<80x128xf32, #tpu.memory_space<hbm>>
        %dma_wait3A_101 = arith.constant 0 : i32
        %dma_wait3A_102 = tpu.memref_slice %arg6[%arg0, %add3A_90, %dma_wait3A_101] : memref<2x10240x128xf32, #tpu.memory_space<hbm>> -> memref<1x80x128xf32, #tpu.memory_space<hbm>>
        %dma_wait3A_103 = tpu.memref_squeeze %dma_wait3A_102 : memref<1x80x128xf32, #tpu.memory_space<hbm>> -> memref<80x128xf32, #tpu.memory_space<hbm>>
        tpu.wait_dma2 semaphore(%run_scoped3A_91 : memref<!tpu.dma_semaphore, #tpu.memory_space<semaphore_mem>>) src(%arg9 : memref<80x128xf32, #tpu.memory_space<vmem>>) dst(%dma_wait3A_103 : memref<80x128xf32, #tpu.memory_space<hbm>>)
        tpu.yield
      }) : () -> ()
    }
    %scan3A_83 = arith.constant 8 : i32
    return
  }
}

#map = affine_map<(d0, d1) -> (0, 0, 0)>
#map1 = affine_map<(d0, d1) -> (0, 0)>
module attributes {stable_mosaic.version = 14 : i64} {
  func.func @_deg_body(%arg0: i32, %arg1: i32, %arg2: memref<32x128x80xi32, #tpu.memory_space<hbm>>, %arg3: memref<80x128xf32, #tpu.memory_space<hbm>>, %arg4: memref<80x128xf32, #tpu.memory_space<hbm>>, %arg5: memref<2x10240x128xf32, #tpu.memory_space<hbm>>, %arg6: memref<128x80xi32, #tpu.memory_space<vmem>>, %arg7: memref<80x128xf32, #tpu.memory_space<vmem>>, %arg8: memref<10240x128xf32, #tpu.memory_space<vmem_shared>>) attributes {dimension_semantics = [#tpu.dimension_semantics<core_parallel>, #tpu.dimension_semantics<subcore_parallel>], iteration_bounds = array<i64: 2, 16>, scalar_prefetch = 0 : i64, scratch_operands = 3 : i64, tpu.core_type = #tpu.core_type<sc_vector_subcore>, window_params = [{transform_indices = #map}, {transform_indices = #map1}, {transform_indices = #map1}, {transform_indices = #map}]} {
    %mul3A = arith.constant 640 : i32
    %mul3A_0 = arith.muli %arg1, %mul3A : i32
    "tpu.region"() ({
      %run_scoped3A = tpu.sem_alloc : memref<!tpu.dma_semaphore, #tpu.memory_space<semaphore_mem>>
      tpu.enqueue_dma source(%arg3 : memref<80x128xf32, #tpu.memory_space<hbm>>) target(%arg7 : memref<80x128xf32, #tpu.memory_space<vmem>>) target_semaphore(%run_scoped3A : memref<!tpu.dma_semaphore, #tpu.memory_space<semaphore_mem>>)
      tpu.wait_dma2 semaphore(%run_scoped3A : memref<!tpu.dma_semaphore, #tpu.memory_space<semaphore_mem>>) src(%arg3 : memref<80x128xf32, #tpu.memory_space<hbm>>) dst(%arg7 : memref<80x128xf32, #tpu.memory_space<vmem>>)
      tpu.yield
    }) : () -> ()
    %scan3A = arith.constant 0 : i32
    %scan3A_1 = arith.constant 0 : i32
    %scan3A_2 = arith.constant 8 : i32
    %scan3A_3 = arith.addi %scan3A_1, %scan3A_2 : i32
    %scan3A_4 = arith.constant 1 : i32
    scf.for %scan3A_21 = %scan3A_1 to %scan3A_3 step %scan3A_4  : i32 {
      %mul3A_22 = arith.constant 80 : i32
      %mul3A_23 = arith.muli %scan3A_21, %mul3A_22 : i32
      %add3A_24 = arith.addi %mul3A_0, %mul3A_23 : i32
      "tpu.region"() ({
        %run_scoped3A = tpu.sem_alloc : memref<!tpu.dma_semaphore, #tpu.memory_space<semaphore_mem>>
        %dma_start3A = arith.constant 0 : i32
        %dma_start3A_25 = tpu.memref_slice %arg8[%add3A_24, %dma_start3A] : memref<10240x128xf32, #tpu.memory_space<vmem_shared>> -> memref<80x128xf32, #tpu.memory_space<vmem_shared>>
        %dma_start3A_26 = arith.constant 0 : i32
        %dma_start3A_27 = tpu.memref_slice %arg8[%add3A_24, %dma_start3A_26] : memref<10240x128xf32, #tpu.memory_space<vmem_shared>> -> memref<80x128xf32, #tpu.memory_space<vmem_shared>>
        tpu.enqueue_dma source(%arg7 : memref<80x128xf32, #tpu.memory_space<vmem>>) target(%dma_start3A_27 : memref<80x128xf32, #tpu.memory_space<vmem_shared>>) target_semaphore(%run_scoped3A : memref<!tpu.dma_semaphore, #tpu.memory_space<semaphore_mem>>)
        %dma_wait3A = arith.constant 0 : i32
        %dma_wait3A_28 = tpu.memref_slice %arg8[%add3A_24, %dma_wait3A] : memref<10240x128xf32, #tpu.memory_space<vmem_shared>> -> memref<80x128xf32, #tpu.memory_space<vmem_shared>>
        %dma_wait3A_29 = arith.constant 0 : i32
        %dma_wait3A_30 = tpu.memref_slice %arg8[%add3A_24, %dma_wait3A_29] : memref<10240x128xf32, #tpu.memory_space<vmem_shared>> -> memref<80x128xf32, #tpu.memory_space<vmem_shared>>
        tpu.wait_dma2 semaphore(%run_scoped3A : memref<!tpu.dma_semaphore, #tpu.memory_space<semaphore_mem>>) src(%arg7 : memref<80x128xf32, #tpu.memory_space<vmem>>) dst(%dma_wait3A_30 : memref<80x128xf32, #tpu.memory_space<vmem_shared>>)
        tpu.yield
      }) : () -> ()
    }
    %scan3A_5 = arith.constant 8 : i32
    %mul3A_6 = arith.constant 16 : i32
    %mul3A_7 = arith.muli %arg0, %mul3A_6 : i32
    %add3A = arith.addi %mul3A_7, %arg1 : i32
    "tpu.region"() ({
      %run_scoped3A = tpu.sem_alloc : memref<!tpu.dma_semaphore, #tpu.memory_space<semaphore_mem>>
      %dma_start3A = arith.constant 0 : i32
      %dma_start3A_21 = arith.constant 0 : i32
      %dma_start3A_22 = tpu.memref_slice %arg2[%add3A, %dma_start3A, %dma_start3A_21] : memref<32x128x80xi32, #tpu.memory_space<hbm>> -> memref<1x128x80xi32, #tpu.memory_space<hbm>>
      %dma_start3A_23 = tpu.memref_squeeze %dma_start3A_22 : memref<1x128x80xi32, #tpu.memory_space<hbm>> -> memref<128x80xi32, #tpu.memory_space<hbm>>
      %dma_start3A_24 = arith.constant 0 : i32
      %dma_start3A_25 = arith.constant 0 : i32
      %dma_start3A_26 = tpu.memref_slice %arg2[%add3A, %dma_start3A_24, %dma_start3A_25] : memref<32x128x80xi32, #tpu.memory_space<hbm>> -> memref<1x128x80xi32, #tpu.memory_space<hbm>>
      %dma_start3A_27 = tpu.memref_squeeze %dma_start3A_26 : memref<1x128x80xi32, #tpu.memory_space<hbm>> -> memref<128x80xi32, #tpu.memory_space<hbm>>
      tpu.enqueue_dma source(%dma_start3A_27 : memref<128x80xi32, #tpu.memory_space<hbm>>) target(%arg6 : memref<128x80xi32, #tpu.memory_space<vmem>>) target_semaphore(%run_scoped3A : memref<!tpu.dma_semaphore, #tpu.memory_space<semaphore_mem>>)
      %dma_wait3A = arith.constant 0 : i32
      %dma_wait3A_28 = arith.constant 0 : i32
      %dma_wait3A_29 = tpu.memref_slice %arg2[%add3A, %dma_wait3A, %dma_wait3A_28] : memref<32x128x80xi32, #tpu.memory_space<hbm>> -> memref<1x128x80xi32, #tpu.memory_space<hbm>>
      %dma_wait3A_30 = tpu.memref_squeeze %dma_wait3A_29 : memref<1x128x80xi32, #tpu.memory_space<hbm>> -> memref<128x80xi32, #tpu.memory_space<hbm>>
      %dma_wait3A_31 = arith.constant 0 : i32
      %dma_wait3A_32 = arith.constant 0 : i32
      %dma_wait3A_33 = tpu.memref_slice %arg2[%add3A, %dma_wait3A_31, %dma_wait3A_32] : memref<32x128x80xi32, #tpu.memory_space<hbm>> -> memref<1x128x80xi32, #tpu.memory_space<hbm>>
      %dma_wait3A_34 = tpu.memref_squeeze %dma_wait3A_33 : memref<1x128x80xi32, #tpu.memory_space<hbm>> -> memref<128x80xi32, #tpu.memory_space<hbm>>
      tpu.wait_dma2 semaphore(%run_scoped3A : memref<!tpu.dma_semaphore, #tpu.memory_space<semaphore_mem>>) src(%dma_wait3A_34 : memref<128x80xi32, #tpu.memory_space<hbm>>) dst(%arg6 : memref<128x80xi32, #tpu.memory_space<vmem>>)
      tpu.yield
    }) : () -> ()
    "tpu.region"() ({
      %run_scoped3A = tpu.sem_alloc : memref<!tpu.dma_semaphore, #tpu.memory_space<semaphore_mem>>
      tpu.enqueue_dma source(%arg4 : memref<80x128xf32, #tpu.memory_space<hbm>>) target(%arg7 : memref<80x128xf32, #tpu.memory_space<vmem>>) target_semaphore(%run_scoped3A : memref<!tpu.dma_semaphore, #tpu.memory_space<semaphore_mem>>)
      tpu.wait_dma2 semaphore(%run_scoped3A : memref<!tpu.dma_semaphore, #tpu.memory_space<semaphore_mem>>) src(%arg4 : memref<80x128xf32, #tpu.memory_space<hbm>>) dst(%arg7 : memref<80x128xf32, #tpu.memory_space<vmem>>)
      tpu.yield
    }) : () -> ()
    %barrier3A = arith.constant 0 : index
    tpu.barrier barrier_id(%barrier3A)
    %scan3A_8 = arith.constant 0 : i32
    %scan3A_9 = arith.constant 0 : i32
    %scan3A_10 = arith.constant 128 : i32
    %scan3A_11 = arith.addi %scan3A_9, %scan3A_10 : i32
    %scan3A_12 = arith.constant 1 : i32
    scf.for %scan3A_21 = %scan3A_9 to %scan3A_11 step %scan3A_12  : i32 {
      "tpu.region"() ({
        %run_scoped3A = tpu.sem_alloc : memref<!tpu.dma_semaphore, #tpu.memory_space<semaphore_mem>>
        %dma_start3A = arith.constant 0 : i32
        %dma_start3A_22 = tpu.memref_slice %arg6[%scan3A_21, %dma_start3A] : memref<128x80xi32, #tpu.memory_space<vmem>> -> memref<1x80xi32, #tpu.memory_space<vmem>>
        %dma_start3A_23 = tpu.memref_squeeze %dma_start3A_22 : memref<1x80xi32, #tpu.memory_space<vmem>> -> memref<80xi32, #tpu.memory_space<vmem>>
        %dma_start3A_24 = arith.constant 0 : i32
        %dma_start3A_25 = arith.constant 0 : i32
        %dma_start3A_26 = tpu.memref_slice %arg8[%dma_start3A_24, %dma_start3A_25] : memref<10240x128xf32, #tpu.memory_space<vmem_shared>> -> memref<10240x128xf32, #tpu.memory_space<vmem_shared>>
        tpu.enqueue_indirect_dma source(%arg7 : memref<80x128xf32, #tpu.memory_space<vmem>>) target(%dma_start3A_26 : memref<10240x128xf32, #tpu.memory_space<vmem_shared>>) offsets(%dma_start3A_23 : memref<80xi32, #tpu.memory_space<vmem>>) semaphore(%run_scoped3A : memref<!tpu.dma_semaphore, #tpu.memory_space<semaphore_mem>>) {add = true}
        %dma_wait3A = arith.constant 0 : i32
        %dma_wait3A_27 = tpu.memref_slice %arg6[%scan3A_21, %dma_wait3A] : memref<128x80xi32, #tpu.memory_space<vmem>> -> memref<1x80xi32, #tpu.memory_space<vmem>>
        %dma_wait3A_28 = tpu.memref_squeeze %dma_wait3A_27 : memref<1x80xi32, #tpu.memory_space<vmem>> -> memref<80xi32, #tpu.memory_space<vmem>>
        %dma_wait3A_29 = arith.constant 0 : i32
        %dma_wait3A_30 = arith.constant 0 : i32
        %dma_wait3A_31 = tpu.memref_slice %arg8[%dma_wait3A_29, %dma_wait3A_30] : memref<10240x128xf32, #tpu.memory_space<vmem_shared>> -> memref<10240x128xf32, #tpu.memory_space<vmem_shared>>
        tpu.wait_indirect_dma semaphore(%run_scoped3A : memref<!tpu.dma_semaphore, #tpu.memory_space<semaphore_mem>>) src(%arg7 : memref<80x128xf32, #tpu.memory_space<vmem>>) dst(%dma_wait3A_31 : memref<10240x128xf32, #tpu.memory_space<vmem_shared>>)
        tpu.yield
      }) : () -> ()
    }
    %scan3A_13 = arith.constant 128 : i32
    %barrier3A_14 = arith.constant 0 : index
    tpu.barrier barrier_id(%barrier3A_14)
    %scan3A_15 = arith.constant 0 : i32
    %scan3A_16 = arith.constant 0 : i32
    %scan3A_17 = arith.constant 8 : i32
    %scan3A_18 = arith.addi %scan3A_16, %scan3A_17 : i32
    %scan3A_19 = arith.constant 1 : i32
    scf.for %scan3A_21 = %scan3A_16 to %scan3A_18 step %scan3A_19  : i32 {
      %mul3A_22 = arith.constant 80 : i32
      %mul3A_23 = arith.muli %scan3A_21, %mul3A_22 : i32
      %add3A_24 = arith.addi %mul3A_0, %mul3A_23 : i32
      "tpu.region"() ({
        %run_scoped3A = tpu.sem_alloc : memref<!tpu.dma_semaphore, #tpu.memory_space<semaphore_mem>>
        %dma_start3A = arith.constant 0 : i32
        %dma_start3A_28 = tpu.memref_slice %arg8[%add3A_24, %dma_start3A] : memref<10240x128xf32, #tpu.memory_space<vmem_shared>> -> memref<80x128xf32, #tpu.memory_space<vmem_shared>>
        %dma_start3A_29 = arith.constant 0 : i32
        %dma_start3A_30 = tpu.memref_slice %arg8[%add3A_24, %dma_start3A_29] : memref<10240x128xf32, #tpu.memory_space<vmem_shared>> -> memref<80x128xf32, #tpu.memory_space<vmem_shared>>
        tpu.enqueue_dma source(%dma_start3A_30 : memref<80x128xf32, #tpu.memory_space<vmem_shared>>) target(%arg7 : memref<80x128xf32, #tpu.memory_space<vmem>>) target_semaphore(%run_scoped3A : memref<!tpu.dma_semaphore, #tpu.memory_space<semaphore_mem>>)
        %dma_wait3A = arith.constant 0 : i32
        %dma_wait3A_31 = tpu.memref_slice %arg8[%add3A_24, %dma_wait3A] : memref<10240x128xf32, #tpu.memory_space<vmem_shared>> -> memref<80x128xf32, #tpu.memory_space<vmem_shared>>
        %dma_wait3A_32 = arith.constant 0 : i32
        %dma_wait3A_33 = tpu.memref_slice %arg8[%add3A_24, %dma_wait3A_32] : memref<10240x128xf32, #tpu.memory_space<vmem_shared>> -> memref<80x128xf32, #tpu.memory_space<vmem_shared>>
        tpu.wait_dma2 semaphore(%run_scoped3A : memref<!tpu.dma_semaphore, #tpu.memory_space<semaphore_mem>>) src(%dma_wait3A_33 : memref<80x128xf32, #tpu.memory_space<vmem_shared>>) dst(%arg7 : memref<80x128xf32, #tpu.memory_space<vmem>>)
        tpu.yield
      }) : () -> ()
      %mul3A_25 = arith.constant 80 : i32
      %mul3A_26 = arith.muli %scan3A_21, %mul3A_25 : i32
      %add3A_27 = arith.addi %mul3A_0, %mul3A_26 : i32
      "tpu.region"() ({
        %run_scoped3A = tpu.sem_alloc : memref<!tpu.dma_semaphore, #tpu.memory_space<semaphore_mem>>
        %dma_start3A = arith.constant 0 : i32
        %dma_start3A_28 = tpu.memref_slice %arg5[%arg0, %add3A_27, %dma_start3A] : memref<2x10240x128xf32, #tpu.memory_space<hbm>> -> memref<1x80x128xf32, #tpu.memory_space<hbm>>
        %dma_start3A_29 = tpu.memref_squeeze %dma_start3A_28 : memref<1x80x128xf32, #tpu.memory_space<hbm>> -> memref<80x128xf32, #tpu.memory_space<hbm>>
        %dma_start3A_30 = arith.constant 0 : i32
        %dma_start3A_31 = tpu.memref_slice %arg5[%arg0, %add3A_27, %dma_start3A_30] : memref<2x10240x128xf32, #tpu.memory_space<hbm>> -> memref<1x80x128xf32, #tpu.memory_space<hbm>>
        %dma_start3A_32 = tpu.memref_squeeze %dma_start3A_31 : memref<1x80x128xf32, #tpu.memory_space<hbm>> -> memref<80x128xf32, #tpu.memory_space<hbm>>
        tpu.enqueue_dma source(%arg7 : memref<80x128xf32, #tpu.memory_space<vmem>>) target(%dma_start3A_32 : memref<80x128xf32, #tpu.memory_space<hbm>>) target_semaphore(%run_scoped3A : memref<!tpu.dma_semaphore, #tpu.memory_space<semaphore_mem>>)
        %dma_wait3A = arith.constant 0 : i32
        %dma_wait3A_33 = tpu.memref_slice %arg5[%arg0, %add3A_27, %dma_wait3A] : memref<2x10240x128xf32, #tpu.memory_space<hbm>> -> memref<1x80x128xf32, #tpu.memory_space<hbm>>
        %dma_wait3A_34 = tpu.memref_squeeze %dma_wait3A_33 : memref<1x80x128xf32, #tpu.memory_space<hbm>> -> memref<80x128xf32, #tpu.memory_space<hbm>>
        %dma_wait3A_35 = arith.constant 0 : i32
        %dma_wait3A_36 = tpu.memref_slice %arg5[%arg0, %add3A_27, %dma_wait3A_35] : memref<2x10240x128xf32, #tpu.memory_space<hbm>> -> memref<1x80x128xf32, #tpu.memory_space<hbm>>
        %dma_wait3A_37 = tpu.memref_squeeze %dma_wait3A_36 : memref<1x80x128xf32, #tpu.memory_space<hbm>> -> memref<80x128xf32, #tpu.memory_space<hbm>>
        tpu.wait_dma2 semaphore(%run_scoped3A : memref<!tpu.dma_semaphore, #tpu.memory_space<semaphore_mem>>) src(%arg7 : memref<80x128xf32, #tpu.memory_space<vmem>>) dst(%dma_wait3A_37 : memref<80x128xf32, #tpu.memory_space<hbm>>)
        tpu.yield
      }) : () -> ()
    }
    %scan3A_20 = arith.constant 8 : i32
    return
  }
}

#map = affine_map<(d0, d1) -> (0, 0)>
#map1 = affine_map<(d0, d1) -> (0, 0, 0)>
module attributes {stable_mosaic.version = 14 : i64} {
  func.func @_agg_body(%arg0: i32, %arg1: i32, %arg2: memref<10000x128xf32, #tpu.memory_space<hbm>>, %arg3: memref<32x128x80xi32, #tpu.memory_space<hbm>>, %arg4: memref<32x128x80xi32, #tpu.memory_space<hbm>>, %arg5: memref<80x128xf32, #tpu.memory_space<hbm>>, %arg6: memref<2x10240x128xf32, #tpu.memory_space<hbm>>, %arg7: memref<64x80xi32, #tpu.memory_space<vmem>>, %arg8: memref<64x80xi32, #tpu.memory_space<vmem>>, %arg9: memref<80x128xf32, #tpu.memory_space<vmem>>, %arg10: memref<80x128xf32, #tpu.memory_space<vmem>>, %arg11: memref<10240x128xf32, #tpu.memory_space<vmem_shared>>, %arg12: memref<!tpu.dma_semaphore, #tpu.memory_space<semaphore_mem>>, %arg13: memref<!tpu.dma_semaphore, #tpu.memory_space<semaphore_mem>>) attributes {dimension_semantics = [#tpu.dimension_semantics<core_parallel>, #tpu.dimension_semantics<subcore_parallel>], iteration_bounds = array<i64: 2, 16>, scalar_prefetch = 0 : i64, scratch_operands = 7 : i64, tpu.core_type = #tpu.core_type<sc_vector_subcore>, window_params = [{transform_indices = #map}, {transform_indices = #map1}, {transform_indices = #map1}, {transform_indices = #map}, {transform_indices = #map1}]} {
    %mul3A = arith.constant 640 : i32
    %mul3A_0 = arith.muli %arg1, %mul3A : i32
    "tpu.region"() ({
      %run_scoped3A_84 = tpu.sem_alloc : memref<!tpu.dma_semaphore, #tpu.memory_space<semaphore_mem>>
      tpu.enqueue_dma source(%arg5 : memref<80x128xf32, #tpu.memory_space<hbm>>) target(%arg9 : memref<80x128xf32, #tpu.memory_space<vmem>>) target_semaphore(%run_scoped3A_84 : memref<!tpu.dma_semaphore, #tpu.memory_space<semaphore_mem>>)
      tpu.wait_dma2 semaphore(%run_scoped3A_84 : memref<!tpu.dma_semaphore, #tpu.memory_space<semaphore_mem>>) src(%arg5 : memref<80x128xf32, #tpu.memory_space<hbm>>) dst(%arg9 : memref<80x128xf32, #tpu.memory_space<vmem>>)
      tpu.yield
    }) : () -> ()
    %scan3A = arith.constant 0 : i32
    %scan3A_1 = arith.constant 0 : i32
    %scan3A_2 = arith.constant 8 : i32
    %scan3A_3 = arith.addi %scan3A_1, %scan3A_2 : i32
    %scan3A_4 = arith.constant 1 : i32
    scf.for %scan3A_84 = %scan3A_1 to %scan3A_3 step %scan3A_4  : i32 {
      %mul3A_85 = arith.constant 80 : i32
      %mul3A_86 = arith.muli %scan3A_84, %mul3A_85 : i32
      %add3A_87 = arith.addi %mul3A_0, %mul3A_86 : i32
      "tpu.region"() ({
        %run_scoped3A_88 = tpu.sem_alloc : memref<!tpu.dma_semaphore, #tpu.memory_space<semaphore_mem>>
        %dma_start3A_89 = arith.constant 0 : i32
        %dma_start3A_90 = tpu.memref_slice %arg11[%add3A_87, %dma_start3A_89] : memref<10240x128xf32, #tpu.memory_space<vmem_shared>> -> memref<80x128xf32, #tpu.memory_space<vmem_shared>>
        %dma_start3A_91 = arith.constant 0 : i32
        %dma_start3A_92 = tpu.memref_slice %arg11[%add3A_87, %dma_start3A_91] : memref<10240x128xf32, #tpu.memory_space<vmem_shared>> -> memref<80x128xf32, #tpu.memory_space<vmem_shared>>
        tpu.enqueue_dma source(%arg9 : memref<80x128xf32, #tpu.memory_space<vmem>>) target(%dma_start3A_92 : memref<80x128xf32, #tpu.memory_space<vmem_shared>>) target_semaphore(%run_scoped3A_88 : memref<!tpu.dma_semaphore, #tpu.memory_space<semaphore_mem>>)
        %dma_wait3A_93 = arith.constant 0 : i32
        %dma_wait3A_94 = tpu.memref_slice %arg11[%add3A_87, %dma_wait3A_93] : memref<10240x128xf32, #tpu.memory_space<vmem_shared>> -> memref<80x128xf32, #tpu.memory_space<vmem_shared>>
        %dma_wait3A_95 = arith.constant 0 : i32
        %dma_wait3A_96 = tpu.memref_slice %arg11[%add3A_87, %dma_wait3A_95] : memref<10240x128xf32, #tpu.memory_space<vmem_shared>> -> memref<80x128xf32, #tpu.memory_space<vmem_shared>>
        tpu.wait_dma2 semaphore(%run_scoped3A_88 : memref<!tpu.dma_semaphore, #tpu.memory_space<semaphore_mem>>) src(%arg9 : memref<80x128xf32, #tpu.memory_space<vmem>>) dst(%dma_wait3A_96 : memref<80x128xf32, #tpu.memory_space<vmem_shared>>)
        tpu.yield
      }) : () -> ()
    }
    %scan3A_5 = arith.constant 8 : i32
    %mul3A_6 = arith.constant 16 : i32
    %mul3A_7 = arith.muli %arg0, %mul3A_6 : i32
    %add3A = arith.addi %mul3A_7, %arg1 : i32
    %barrier3A = arith.constant 0 : index
    tpu.barrier barrier_id(%barrier3A)
    "tpu.region"() ({
      %run_scoped3A_84 = tpu.sem_alloc : memref<!tpu.dma_semaphore, #tpu.memory_space<semaphore_mem>>
      %dma_start3A_85 = arith.constant 0 : i32
      %dma_start3A_86 = arith.constant 0 : i32
      %dma_start3A_87 = tpu.memref_slice %arg3[%add3A, %dma_start3A_85, %dma_start3A_86] : memref<32x128x80xi32, #tpu.memory_space<hbm>> -> memref<1x64x80xi32, #tpu.memory_space<hbm>>
      %dma_start3A_88 = tpu.memref_squeeze %dma_start3A_87 : memref<1x64x80xi32, #tpu.memory_space<hbm>> -> memref<64x80xi32, #tpu.memory_space<hbm>>
      %dma_start3A_89 = arith.constant 0 : i32
      %dma_start3A_90 = arith.constant 0 : i32
      %dma_start3A_91 = tpu.memref_slice %arg3[%add3A, %dma_start3A_89, %dma_start3A_90] : memref<32x128x80xi32, #tpu.memory_space<hbm>> -> memref<1x64x80xi32, #tpu.memory_space<hbm>>
      %dma_start3A_92 = tpu.memref_squeeze %dma_start3A_91 : memref<1x64x80xi32, #tpu.memory_space<hbm>> -> memref<64x80xi32, #tpu.memory_space<hbm>>
      tpu.enqueue_dma source(%dma_start3A_92 : memref<64x80xi32, #tpu.memory_space<hbm>>) target(%arg7 : memref<64x80xi32, #tpu.memory_space<vmem>>) target_semaphore(%run_scoped3A_84 : memref<!tpu.dma_semaphore, #tpu.memory_space<semaphore_mem>>)
      %dma_wait3A_93 = arith.constant 0 : i32
      %dma_wait3A_94 = arith.constant 0 : i32
      %dma_wait3A_95 = tpu.memref_slice %arg3[%add3A, %dma_wait3A_93, %dma_wait3A_94] : memref<32x128x80xi32, #tpu.memory_space<hbm>> -> memref<1x64x80xi32, #tpu.memory_space<hbm>>
      %dma_wait3A_96 = tpu.memref_squeeze %dma_wait3A_95 : memref<1x64x80xi32, #tpu.memory_space<hbm>> -> memref<64x80xi32, #tpu.memory_space<hbm>>
      %dma_wait3A_97 = arith.constant 0 : i32
      %dma_wait3A_98 = arith.constant 0 : i32
      %dma_wait3A_99 = tpu.memref_slice %arg3[%add3A, %dma_wait3A_97, %dma_wait3A_98] : memref<32x128x80xi32, #tpu.memory_space<hbm>> -> memref<1x64x80xi32, #tpu.memory_space<hbm>>
      %dma_wait3A_100 = tpu.memref_squeeze %dma_wait3A_99 : memref<1x64x80xi32, #tpu.memory_space<hbm>> -> memref<64x80xi32, #tpu.memory_space<hbm>>
      tpu.wait_dma2 semaphore(%run_scoped3A_84 : memref<!tpu.dma_semaphore, #tpu.memory_space<semaphore_mem>>) src(%dma_wait3A_100 : memref<64x80xi32, #tpu.memory_space<hbm>>) dst(%arg7 : memref<64x80xi32, #tpu.memory_space<vmem>>)
      tpu.yield
    }) : () -> ()
    "tpu.region"() ({
      %run_scoped3A_84 = tpu.sem_alloc : memref<!tpu.dma_semaphore, #tpu.memory_space<semaphore_mem>>
      %dma_start3A_85 = arith.constant 0 : i32
      %dma_start3A_86 = arith.constant 0 : i32
      %dma_start3A_87 = tpu.memref_slice %arg4[%add3A, %dma_start3A_85, %dma_start3A_86] : memref<32x128x80xi32, #tpu.memory_space<hbm>> -> memref<1x64x80xi32, #tpu.memory_space<hbm>>
      %dma_start3A_88 = tpu.memref_squeeze %dma_start3A_87 : memref<1x64x80xi32, #tpu.memory_space<hbm>> -> memref<64x80xi32, #tpu.memory_space<hbm>>
      %dma_start3A_89 = arith.constant 0 : i32
      %dma_start3A_90 = arith.constant 0 : i32
      %dma_start3A_91 = tpu.memref_slice %arg4[%add3A, %dma_start3A_89, %dma_start3A_90] : memref<32x128x80xi32, #tpu.memory_space<hbm>> -> memref<1x64x80xi32, #tpu.memory_space<hbm>>
      %dma_start3A_92 = tpu.memref_squeeze %dma_start3A_91 : memref<1x64x80xi32, #tpu.memory_space<hbm>> -> memref<64x80xi32, #tpu.memory_space<hbm>>
      tpu.enqueue_dma source(%dma_start3A_92 : memref<64x80xi32, #tpu.memory_space<hbm>>) target(%arg8 : memref<64x80xi32, #tpu.memory_space<vmem>>) target_semaphore(%run_scoped3A_84 : memref<!tpu.dma_semaphore, #tpu.memory_space<semaphore_mem>>)
      %dma_wait3A_93 = arith.constant 0 : i32
      %dma_wait3A_94 = arith.constant 0 : i32
      %dma_wait3A_95 = tpu.memref_slice %arg4[%add3A, %dma_wait3A_93, %dma_wait3A_94] : memref<32x128x80xi32, #tpu.memory_space<hbm>> -> memref<1x64x80xi32, #tpu.memory_space<hbm>>
      %dma_wait3A_96 = tpu.memref_squeeze %dma_wait3A_95 : memref<1x64x80xi32, #tpu.memory_space<hbm>> -> memref<64x80xi32, #tpu.memory_space<hbm>>
      %dma_wait3A_97 = arith.constant 0 : i32
      %dma_wait3A_98 = arith.constant 0 : i32
      %dma_wait3A_99 = tpu.memref_slice %arg4[%add3A, %dma_wait3A_97, %dma_wait3A_98] : memref<32x128x80xi32, #tpu.memory_space<hbm>> -> memref<1x64x80xi32, #tpu.memory_space<hbm>>
      %dma_wait3A_100 = tpu.memref_squeeze %dma_wait3A_99 : memref<1x64x80xi32, #tpu.memory_space<hbm>> -> memref<64x80xi32, #tpu.memory_space<hbm>>
      tpu.wait_dma2 semaphore(%run_scoped3A_84 : memref<!tpu.dma_semaphore, #tpu.memory_space<semaphore_mem>>) src(%dma_wait3A_100 : memref<64x80xi32, #tpu.memory_space<hbm>>) dst(%arg8 : memref<64x80xi32, #tpu.memory_space<vmem>>)
      tpu.yield
    }) : () -> ()
    %dma_start3A = arith.constant 0 : i32
    %dma_start3A_8 = arith.constant 0 : i32
    %dma_start3A_9 = tpu.memref_slice %arg7[%dma_start3A, %dma_start3A_8] : memref<64x80xi32, #tpu.memory_space<vmem>> -> memref<1x80xi32, #tpu.memory_space<vmem>>
    %dma_start3A_10 = tpu.memref_squeeze %dma_start3A_9 : memref<1x80xi32, #tpu.memory_space<vmem>> -> memref<80xi32, #tpu.memory_space<vmem>>
    %dma_start3A_11 = arith.constant 0 : i32
    %dma_start3A_12 = arith.constant 0 : i32
    %dma_start3A_13 = tpu.memref_slice %arg2[%dma_start3A_11, %dma_start3A_12] : memref<10000x128xf32, #tpu.memory_space<hbm>> -> memref<10000x128xf32, #tpu.memory_space<hbm>>
    tpu.enqueue_indirect_dma source(%dma_start3A_13 : memref<10000x128xf32, #tpu.memory_space<hbm>>) target(%arg9 : memref<80x128xf32, #tpu.memory_space<vmem>>) offsets(%dma_start3A_10 : memref<80xi32, #tpu.memory_space<vmem>>) semaphore(%arg12 : memref<!tpu.dma_semaphore, #tpu.memory_space<semaphore_mem>>)
    %scan3A_14 = arith.constant 0 : i32
    %scan3A_15 = arith.constant 0 : i32
    %scan3A_16 = arith.constant 31 : i32
    %scan3A_17 = arith.addi %scan3A_15, %scan3A_16 : i32
    %scan3A_18 = arith.constant 1 : i32
    scf.for %scan3A_84 = %scan3A_15 to %scan3A_17 step %scan3A_18  : i32 {
      %mul3A_85 = arith.constant 2 : i32
      %mul3A_86 = arith.muli %mul3A_85, %scan3A_84 : i32
      %add3A_87 = arith.constant 1 : i32
      %add3A_88 = arith.addi %mul3A_86, %add3A_87 : i32
      %dma_start3A_89 = arith.constant 0 : i32
      %dma_start3A_90 = tpu.memref_slice %arg7[%add3A_88, %dma_start3A_89] : memref<64x80xi32, #tpu.memory_space<vmem>> -> memref<1x80xi32, #tpu.memory_space<vmem>>
      %dma_start3A_91 = tpu.memref_squeeze %dma_start3A_90 : memref<1x80xi32, #tpu.memory_space<vmem>> -> memref<80xi32, #tpu.memory_space<vmem>>
      %dma_start3A_92 = arith.constant 0 : i32
      %dma_start3A_93 = arith.constant 0 : i32
      %dma_start3A_94 = tpu.memref_slice %arg2[%dma_start3A_92, %dma_start3A_93] : memref<10000x128xf32, #tpu.memory_space<hbm>> -> memref<10000x128xf32, #tpu.memory_space<hbm>>
      tpu.enqueue_indirect_dma source(%dma_start3A_94 : memref<10000x128xf32, #tpu.memory_space<hbm>>) target(%arg10 : memref<80x128xf32, #tpu.memory_space<vmem>>) offsets(%dma_start3A_91 : memref<80xi32, #tpu.memory_space<vmem>>) semaphore(%arg13 : memref<!tpu.dma_semaphore, #tpu.memory_space<semaphore_mem>>)
      %dma_wait3A_95 = arith.constant 0 : i32
      %dma_wait3A_96 = tpu.memref_slice %arg7[%mul3A_86, %dma_wait3A_95] : memref<64x80xi32, #tpu.memory_space<vmem>> -> memref<1x80xi32, #tpu.memory_space<vmem>>
      %dma_wait3A_97 = tpu.memref_squeeze %dma_wait3A_96 : memref<1x80xi32, #tpu.memory_space<vmem>> -> memref<80xi32, #tpu.memory_space<vmem>>
      %dma_wait3A_98 = arith.constant 0 : i32
      %dma_wait3A_99 = arith.constant 0 : i32
      %dma_wait3A_100 = tpu.memref_slice %arg2[%dma_wait3A_98, %dma_wait3A_99] : memref<10000x128xf32, #tpu.memory_space<hbm>> -> memref<10000x128xf32, #tpu.memory_space<hbm>>
      tpu.wait_indirect_dma semaphore(%arg12 : memref<!tpu.dma_semaphore, #tpu.memory_space<semaphore_mem>>) src(%dma_wait3A_100 : memref<10000x128xf32, #tpu.memory_space<hbm>>) dst(%arg9 : memref<80x128xf32, #tpu.memory_space<vmem>>)
      "tpu.region"() ({
        %run_scoped3A_119 = tpu.sem_alloc : memref<!tpu.dma_semaphore, #tpu.memory_space<semaphore_mem>>
        %dma_start3A_120 = arith.constant 0 : i32
        %dma_start3A_121 = tpu.memref_slice %arg8[%mul3A_86, %dma_start3A_120] : memref<64x80xi32, #tpu.memory_space<vmem>> -> memref<1x80xi32, #tpu.memory_space<vmem>>
        %dma_start3A_122 = tpu.memref_squeeze %dma_start3A_121 : memref<1x80xi32, #tpu.memory_space<vmem>> -> memref<80xi32, #tpu.memory_space<vmem>>
        %dma_start3A_123 = arith.constant 0 : i32
        %dma_start3A_124 = arith.constant 0 : i32
        %dma_start3A_125 = tpu.memref_slice %arg11[%dma_start3A_123, %dma_start3A_124] : memref<10240x128xf32, #tpu.memory_space<vmem_shared>> -> memref<10240x128xf32, #tpu.memory_space<vmem_shared>>
        tpu.enqueue_indirect_dma source(%arg9 : memref<80x128xf32, #tpu.memory_space<vmem>>) target(%dma_start3A_125 : memref<10240x128xf32, #tpu.memory_space<vmem_shared>>) offsets(%dma_start3A_122 : memref<80xi32, #tpu.memory_space<vmem>>) semaphore(%run_scoped3A_119 : memref<!tpu.dma_semaphore, #tpu.memory_space<semaphore_mem>>) {add = true}
        %dma_wait3A_126 = arith.constant 0 : i32
        %dma_wait3A_127 = tpu.memref_slice %arg8[%mul3A_86, %dma_wait3A_126] : memref<64x80xi32, #tpu.memory_space<vmem>> -> memref<1x80xi32, #tpu.memory_space<vmem>>
        %dma_wait3A_128 = tpu.memref_squeeze %dma_wait3A_127 : memref<1x80xi32, #tpu.memory_space<vmem>> -> memref<80xi32, #tpu.memory_space<vmem>>
        %dma_wait3A_129 = arith.constant 0 : i32
        %dma_wait3A_130 = arith.constant 0 : i32
        %dma_wait3A_131 = tpu.memref_slice %arg11[%dma_wait3A_129, %dma_wait3A_130] : memref<10240x128xf32, #tpu.memory_space<vmem_shared>> -> memref<10240x128xf32, #tpu.memory_space<vmem_shared>>
        tpu.wait_indirect_dma semaphore(%run_scoped3A_119 : memref<!tpu.dma_semaphore, #tpu.memory_space<semaphore_mem>>) src(%arg9 : memref<80x128xf32, #tpu.memory_space<vmem>>) dst(%dma_wait3A_131 : memref<10240x128xf32, #tpu.memory_space<vmem_shared>>)
        tpu.yield
      }) : () -> ()
      %add3A_101 = arith.constant 2 : i32
      %add3A_102 = arith.addi %mul3A_86, %add3A_101 : i32
      %dma_start3A_103 = arith.constant 0 : i32
      %dma_start3A_104 = tpu.memref_slice %arg7[%add3A_102, %dma_start3A_103] : memref<64x80xi32, #tpu.memory_space<vmem>> -> memref<1x80xi32, #tpu.memory_space<vmem>>
      %dma_start3A_105 = tpu.memref_squeeze %dma_start3A_104 : memref<1x80xi32, #tpu.memory_space<vmem>> -> memref<80xi32, #tpu.memory_space<vmem>>
      %dma_start3A_106 = arith.constant 0 : i32
      %dma_start3A_107 = arith.constant 0 : i32
      %dma_start3A_108 = tpu.memref_slice %arg2[%dma_start3A_106, %dma_start3A_107] : memref<10000x128xf32, #tpu.memory_space<hbm>> -> memref<10000x128xf32, #tpu.memory_space<hbm>>
      tpu.enqueue_indirect_dma source(%dma_start3A_108 : memref<10000x128xf32, #tpu.memory_space<hbm>>) target(%arg9 : memref<80x128xf32, #tpu.memory_space<vmem>>) offsets(%dma_start3A_105 : memref<80xi32, #tpu.memory_space<vmem>>) semaphore(%arg12 : memref<!tpu.dma_semaphore, #tpu.memory_space<semaphore_mem>>)
      %add3A_109 = arith.constant 1 : i32
      %add3A_110 = arith.addi %mul3A_86, %add3A_109 : i32
      %dma_wait3A_111 = arith.constant 0 : i32
      %dma_wait3A_112 = tpu.memref_slice %arg7[%add3A_110, %dma_wait3A_111] : memref<64x80xi32, #tpu.memory_space<vmem>> -> memref<1x80xi32, #tpu.memory_space<vmem>>
      %dma_wait3A_113 = tpu.memref_squeeze %dma_wait3A_112 : memref<1x80xi32, #tpu.memory_space<vmem>> -> memref<80xi32, #tpu.memory_space<vmem>>
      %dma_wait3A_114 = arith.constant 0 : i32
      %dma_wait3A_115 = arith.constant 0 : i32
      %dma_wait3A_116 = tpu.memref_slice %arg2[%dma_wait3A_114, %dma_wait3A_115] : memref<10000x128xf32, #tpu.memory_space<hbm>> -> memref<10000x128xf32, #tpu.memory_space<hbm>>
      tpu.wait_indirect_dma semaphore(%arg13 : memref<!tpu.dma_semaphore, #tpu.memory_space<semaphore_mem>>) src(%dma_wait3A_116 : memref<10000x128xf32, #tpu.memory_space<hbm>>) dst(%arg10 : memref<80x128xf32, #tpu.memory_space<vmem>>)
      %add3A_117 = arith.constant 1 : i32
      %add3A_118 = arith.addi %mul3A_86, %add3A_117 : i32
      "tpu.region"() ({
        %run_scoped3A_119 = tpu.sem_alloc : memref<!tpu.dma_semaphore, #tpu.memory_space<semaphore_mem>>
        %dma_start3A_120 = arith.constant 0 : i32
        %dma_start3A_121 = tpu.memref_slice %arg8[%add3A_118, %dma_start3A_120] : memref<64x80xi32, #tpu.memory_space<vmem>> -> memref<1x80xi32, #tpu.memory_space<vmem>>
        %dma_start3A_122 = tpu.memref_squeeze %dma_start3A_121 : memref<1x80xi32, #tpu.memory_space<vmem>> -> memref<80xi32, #tpu.memory_space<vmem>>
        %dma_start3A_123 = arith.constant 0 : i32
        %dma_start3A_124 = arith.constant 0 : i32
        %dma_start3A_125 = tpu.memref_slice %arg11[%dma_start3A_123, %dma_start3A_124] : memref<10240x128xf32, #tpu.memory_space<vmem_shared>> -> memref<10240x128xf32, #tpu.memory_space<vmem_shared>>
        tpu.enqueue_indirect_dma source(%arg10 : memref<80x128xf32, #tpu.memory_space<vmem>>) target(%dma_start3A_125 : memref<10240x128xf32, #tpu.memory_space<vmem_shared>>) offsets(%dma_start3A_122 : memref<80xi32, #tpu.memory_space<vmem>>) semaphore(%run_scoped3A_119 : memref<!tpu.dma_semaphore, #tpu.memory_space<semaphore_mem>>) {add = true}
        %dma_wait3A_126 = arith.constant 0 : i32
        %dma_wait3A_127 = tpu.memref_slice %arg8[%add3A_118, %dma_wait3A_126] : memref<64x80xi32, #tpu.memory_space<vmem>> -> memref<1x80xi32, #tpu.memory_space<vmem>>
        %dma_wait3A_128 = tpu.memref_squeeze %dma_wait3A_127 : memref<1x80xi32, #tpu.memory_space<vmem>> -> memref<80xi32, #tpu.memory_space<vmem>>
        %dma_wait3A_129 = arith.constant 0 : i32
        %dma_wait3A_130 = arith.constant 0 : i32
        %dma_wait3A_131 = tpu.memref_slice %arg11[%dma_wait3A_129, %dma_wait3A_130] : memref<10240x128xf32, #tpu.memory_space<vmem_shared>> -> memref<10240x128xf32, #tpu.memory_space<vmem_shared>>
        tpu.wait_indirect_dma semaphore(%run_scoped3A_119 : memref<!tpu.dma_semaphore, #tpu.memory_space<semaphore_mem>>) src(%arg10 : memref<80x128xf32, #tpu.memory_space<vmem>>) dst(%dma_wait3A_131 : memref<10240x128xf32, #tpu.memory_space<vmem_shared>>)
        tpu.yield
      }) : () -> ()
    }
    %scan3A_19 = arith.constant 31 : i32
    %dma_start3A_20 = arith.constant 63 : i32
    %dma_start3A_21 = arith.constant 0 : i32
    %dma_start3A_22 = tpu.memref_slice %arg7[%dma_start3A_20, %dma_start3A_21] : memref<64x80xi32, #tpu.memory_space<vmem>> -> memref<1x80xi32, #tpu.memory_space<vmem>>
    %dma_start3A_23 = tpu.memref_squeeze %dma_start3A_22 : memref<1x80xi32, #tpu.memory_space<vmem>> -> memref<80xi32, #tpu.memory_space<vmem>>
    %dma_start3A_24 = arith.constant 0 : i32
    %dma_start3A_25 = arith.constant 0 : i32
    %dma_start3A_26 = tpu.memref_slice %arg2[%dma_start3A_24, %dma_start3A_25] : memref<10000x128xf32, #tpu.memory_space<hbm>> -> memref<10000x128xf32, #tpu.memory_space<hbm>>
    tpu.enqueue_indirect_dma source(%dma_start3A_26 : memref<10000x128xf32, #tpu.memory_space<hbm>>) target(%arg10 : memref<80x128xf32, #tpu.memory_space<vmem>>) offsets(%dma_start3A_23 : memref<80xi32, #tpu.memory_space<vmem>>) semaphore(%arg13 : memref<!tpu.dma_semaphore, #tpu.memory_space<semaphore_mem>>)
    %dma_wait3A = arith.constant 62 : i32
    %dma_wait3A_27 = arith.constant 0 : i32
    %dma_wait3A_28 = tpu.memref_slice %arg7[%dma_wait3A, %dma_wait3A_27] : memref<64x80xi32, #tpu.memory_space<vmem>> -> memref<1x80xi32, #tpu.memory_space<vmem>>
    %dma_wait3A_29 = tpu.memref_squeeze %dma_wait3A_28 : memref<1x80xi32, #tpu.memory_space<vmem>> -> memref<80xi32, #tpu.memory_space<vmem>>
    %dma_wait3A_30 = arith.constant 0 : i32
    %dma_wait3A_31 = arith.constant 0 : i32
    %dma_wait3A_32 = tpu.memref_slice %arg2[%dma_wait3A_30, %dma_wait3A_31] : memref<10000x128xf32, #tpu.memory_space<hbm>> -> memref<10000x128xf32, #tpu.memory_space<hbm>>
    tpu.wait_indirect_dma semaphore(%arg12 : memref<!tpu.dma_semaphore, #tpu.memory_space<semaphore_mem>>) src(%dma_wait3A_32 : memref<10000x128xf32, #tpu.memory_space<hbm>>) dst(%arg9 : memref<80x128xf32, #tpu.memory_space<vmem>>)
    %run_scoped3A = arith.constant 62 : i32
    "tpu.region"() ({
      %run_scoped3A_84 = tpu.sem_alloc : memref<!tpu.dma_semaphore, #tpu.memory_space<semaphore_mem>>
      %dma_start3A_85 = arith.constant 0 : i32
      %dma_start3A_86 = tpu.memref_slice %arg8[%run_scoped3A, %dma_start3A_85] : memref<64x80xi32, #tpu.memory_space<vmem>> -> memref<1x80xi32, #tpu.memory_space<vmem>>
      %dma_start3A_87 = tpu.memref_squeeze %dma_start3A_86 : memref<1x80xi32, #tpu.memory_space<vmem>> -> memref<80xi32, #tpu.memory_space<vmem>>
      %dma_start3A_88 = arith.constant 0 : i32
      %dma_start3A_89 = arith.constant 0 : i32
      %dma_start3A_90 = tpu.memref_slice %arg11[%dma_start3A_88, %dma_start3A_89] : memref<10240x128xf32, #tpu.memory_space<vmem_shared>> -> memref<10240x128xf32, #tpu.memory_space<vmem_shared>>
      tpu.enqueue_indirect_dma source(%arg9 : memref<80x128xf32, #tpu.memory_space<vmem>>) target(%dma_start3A_90 : memref<10240x128xf32, #tpu.memory_space<vmem_shared>>) offsets(%dma_start3A_87 : memref<80xi32, #tpu.memory_space<vmem>>) semaphore(%run_scoped3A_84 : memref<!tpu.dma_semaphore, #tpu.memory_space<semaphore_mem>>) {add = true}
      %dma_wait3A_91 = arith.constant 0 : i32
      %dma_wait3A_92 = tpu.memref_slice %arg8[%run_scoped3A, %dma_wait3A_91] : memref<64x80xi32, #tpu.memory_space<vmem>> -> memref<1x80xi32, #tpu.memory_space<vmem>>
      %dma_wait3A_93 = tpu.memref_squeeze %dma_wait3A_92 : memref<1x80xi32, #tpu.memory_space<vmem>> -> memref<80xi32, #tpu.memory_space<vmem>>
      %dma_wait3A_94 = arith.constant 0 : i32
      %dma_wait3A_95 = arith.constant 0 : i32
      %dma_wait3A_96 = tpu.memref_slice %arg11[%dma_wait3A_94, %dma_wait3A_95] : memref<10240x128xf32, #tpu.memory_space<vmem_shared>> -> memref<10240x128xf32, #tpu.memory_space<vmem_shared>>
      tpu.wait_indirect_dma semaphore(%run_scoped3A_84 : memref<!tpu.dma_semaphore, #tpu.memory_space<semaphore_mem>>) src(%arg9 : memref<80x128xf32, #tpu.memory_space<vmem>>) dst(%dma_wait3A_96 : memref<10240x128xf32, #tpu.memory_space<vmem_shared>>)
      tpu.yield
    }) : () -> ()
    %dma_wait3A_33 = arith.constant 63 : i32
    %dma_wait3A_34 = arith.constant 0 : i32
    %dma_wait3A_35 = tpu.memref_slice %arg7[%dma_wait3A_33, %dma_wait3A_34] : memref<64x80xi32, #tpu.memory_space<vmem>> -> memref<1x80xi32, #tpu.memory_space<vmem>>
    %dma_wait3A_36 = tpu.memref_squeeze %dma_wait3A_35 : memref<1x80xi32, #tpu.memory_space<vmem>> -> memref<80xi32, #tpu.memory_space<vmem>>
    %dma_wait3A_37 = arith.constant 0 : i32
    %dma_wait3A_38 = arith.constant 0 : i32
    %dma_wait3A_39 = tpu.memref_slice %arg2[%dma_wait3A_37, %dma_wait3A_38] : memref<10000x128xf32, #tpu.memory_space<hbm>> -> memref<10000x128xf32, #tpu.memory_space<hbm>>
    tpu.wait_indirect_dma semaphore(%arg13 : memref<!tpu.dma_semaphore, #tpu.memory_space<semaphore_mem>>) src(%dma_wait3A_39 : memref<10000x128xf32, #tpu.memory_space<hbm>>) dst(%arg10 : memref<80x128xf32, #tpu.memory_space<vmem>>)
    %run_scoped3A_40 = arith.constant 63 : i32
    "tpu.region"() ({
      %run_scoped3A_84 = tpu.sem_alloc : memref<!tpu.dma_semaphore, #tpu.memory_space<semaphore_mem>>
      %dma_start3A_85 = arith.constant 0 : i32
      %dma_start3A_86 = tpu.memref_slice %arg8[%run_scoped3A_40, %dma_start3A_85] : memref<64x80xi32, #tpu.memory_space<vmem>> -> memref<1x80xi32, #tpu.memory_space<vmem>>
      %dma_start3A_87 = tpu.memref_squeeze %dma_start3A_86 : memref<1x80xi32, #tpu.memory_space<vmem>> -> memref<80xi32, #tpu.memory_space<vmem>>
      %dma_start3A_88 = arith.constant 0 : i32
      %dma_start3A_89 = arith.constant 0 : i32
      %dma_start3A_90 = tpu.memref_slice %arg11[%dma_start3A_88, %dma_start3A_89] : memref<10240x128xf32, #tpu.memory_space<vmem_shared>> -> memref<10240x128xf32, #tpu.memory_space<vmem_shared>>
      tpu.enqueue_indirect_dma source(%arg10 : memref<80x128xf32, #tpu.memory_space<vmem>>) target(%dma_start3A_90 : memref<10240x128xf32, #tpu.memory_space<vmem_shared>>) offsets(%dma_start3A_87 : memref<80xi32, #tpu.memory_space<vmem>>) semaphore(%run_scoped3A_84 : memref<!tpu.dma_semaphore, #tpu.memory_space<semaphore_mem>>) {add = true}
      %dma_wait3A_91 = arith.constant 0 : i32
      %dma_wait3A_92 = tpu.memref_slice %arg8[%run_scoped3A_40, %dma_wait3A_91] : memref<64x80xi32, #tpu.memory_space<vmem>> -> memref<1x80xi32, #tpu.memory_space<vmem>>
      %dma_wait3A_93 = tpu.memref_squeeze %dma_wait3A_92 : memref<1x80xi32, #tpu.memory_space<vmem>> -> memref<80xi32, #tpu.memory_space<vmem>>
      %dma_wait3A_94 = arith.constant 0 : i32
      %dma_wait3A_95 = arith.constant 0 : i32
      %dma_wait3A_96 = tpu.memref_slice %arg11[%dma_wait3A_94, %dma_wait3A_95] : memref<10240x128xf32, #tpu.memory_space<vmem_shared>> -> memref<10240x128xf32, #tpu.memory_space<vmem_shared>>
      tpu.wait_indirect_dma semaphore(%run_scoped3A_84 : memref<!tpu.dma_semaphore, #tpu.memory_space<semaphore_mem>>) src(%arg10 : memref<80x128xf32, #tpu.memory_space<vmem>>) dst(%dma_wait3A_96 : memref<10240x128xf32, #tpu.memory_space<vmem_shared>>)
      tpu.yield
    }) : () -> ()
    "tpu.region"() ({
      %run_scoped3A_84 = tpu.sem_alloc : memref<!tpu.dma_semaphore, #tpu.memory_space<semaphore_mem>>
      %dma_start3A_85 = arith.constant 64 : i32
      %dma_start3A_86 = arith.constant 0 : i32
      %dma_start3A_87 = tpu.memref_slice %arg3[%add3A, %dma_start3A_85, %dma_start3A_86] : memref<32x128x80xi32, #tpu.memory_space<hbm>> -> memref<1x64x80xi32, #tpu.memory_space<hbm>>
      %dma_start3A_88 = tpu.memref_squeeze %dma_start3A_87 : memref<1x64x80xi32, #tpu.memory_space<hbm>> -> memref<64x80xi32, #tpu.memory_space<hbm>>
      %dma_start3A_89 = arith.constant 64 : i32
      %dma_start3A_90 = arith.constant 0 : i32
      %dma_start3A_91 = tpu.memref_slice %arg3[%add3A, %dma_start3A_89, %dma_start3A_90] : memref<32x128x80xi32, #tpu.memory_space<hbm>> -> memref<1x64x80xi32, #tpu.memory_space<hbm>>
      %dma_start3A_92 = tpu.memref_squeeze %dma_start3A_91 : memref<1x64x80xi32, #tpu.memory_space<hbm>> -> memref<64x80xi32, #tpu.memory_space<hbm>>
      tpu.enqueue_dma source(%dma_start3A_92 : memref<64x80xi32, #tpu.memory_space<hbm>>) target(%arg7 : memref<64x80xi32, #tpu.memory_space<vmem>>) target_semaphore(%run_scoped3A_84 : memref<!tpu.dma_semaphore, #tpu.memory_space<semaphore_mem>>)
      %dma_wait3A_93 = arith.constant 64 : i32
      %dma_wait3A_94 = arith.constant 0 : i32
      %dma_wait3A_95 = tpu.memref_slice %arg3[%add3A, %dma_wait3A_93, %dma_wait3A_94] : memref<32x128x80xi32, #tpu.memory_space<hbm>> -> memref<1x64x80xi32, #tpu.memory_space<hbm>>
      %dma_wait3A_96 = tpu.memref_squeeze %dma_wait3A_95 : memref<1x64x80xi32, #tpu.memory_space<hbm>> -> memref<64x80xi32, #tpu.memory_space<hbm>>
      %dma_wait3A_97 = arith.constant 64 : i32
      %dma_wait3A_98 = arith.constant 0 : i32
      %dma_wait3A_99 = tpu.memref_slice %arg3[%add3A, %dma_wait3A_97, %dma_wait3A_98] : memref<32x128x80xi32, #tpu.memory_space<hbm>> -> memref<1x64x80xi32, #tpu.memory_space<hbm>>
      %dma_wait3A_100 = tpu.memref_squeeze %dma_wait3A_99 : memref<1x64x80xi32, #tpu.memory_space<hbm>> -> memref<64x80xi32, #tpu.memory_space<hbm>>
      tpu.wait_dma2 semaphore(%run_scoped3A_84 : memref<!tpu.dma_semaphore, #tpu.memory_space<semaphore_mem>>) src(%dma_wait3A_100 : memref<64x80xi32, #tpu.memory_space<hbm>>) dst(%arg7 : memref<64x80xi32, #tpu.memory_space<vmem>>)
      tpu.yield
    }) : () -> ()
    "tpu.region"() ({
      %run_scoped3A_84 = tpu.sem_alloc : memref<!tpu.dma_semaphore, #tpu.memory_space<semaphore_mem>>
      %dma_start3A_85 = arith.constant 64 : i32
      %dma_start3A_86 = arith.constant 0 : i32
      %dma_start3A_87 = tpu.memref_slice %arg4[%add3A, %dma_start3A_85, %dma_start3A_86] : memref<32x128x80xi32, #tpu.memory_space<hbm>> -> memref<1x64x80xi32, #tpu.memory_space<hbm>>
      %dma_start3A_88 = tpu.memref_squeeze %dma_start3A_87 : memref<1x64x80xi32, #tpu.memory_space<hbm>> -> memref<64x80xi32, #tpu.memory_space<hbm>>
      %dma_start3A_89 = arith.constant 64 : i32
      %dma_start3A_90 = arith.constant 0 : i32
      %dma_start3A_91 = tpu.memref_slice %arg4[%add3A, %dma_start3A_89, %dma_start3A_90] : memref<32x128x80xi32, #tpu.memory_space<hbm>> -> memref<1x64x80xi32, #tpu.memory_space<hbm>>
      %dma_start3A_92 = tpu.memref_squeeze %dma_start3A_91 : memref<1x64x80xi32, #tpu.memory_space<hbm>> -> memref<64x80xi32, #tpu.memory_space<hbm>>
      tpu.enqueue_dma source(%dma_start3A_92 : memref<64x80xi32, #tpu.memory_space<hbm>>) target(%arg8 : memref<64x80xi32, #tpu.memory_space<vmem>>) target_semaphore(%run_scoped3A_84 : memref<!tpu.dma_semaphore, #tpu.memory_space<semaphore_mem>>)
      %dma_wait3A_93 = arith.constant 64 : i32
      %dma_wait3A_94 = arith.constant 0 : i32
      %dma_wait3A_95 = tpu.memref_slice %arg4[%add3A, %dma_wait3A_93, %dma_wait3A_94] : memref<32x128x80xi32, #tpu.memory_space<hbm>> -> memref<1x64x80xi32, #tpu.memory_space<hbm>>
      %dma_wait3A_96 = tpu.memref_squeeze %dma_wait3A_95 : memref<1x64x80xi32, #tpu.memory_space<hbm>> -> memref<64x80xi32, #tpu.memory_space<hbm>>
      %dma_wait3A_97 = arith.constant 64 : i32
      %dma_wait3A_98 = arith.constant 0 : i32
      %dma_wait3A_99 = tpu.memref_slice %arg4[%add3A, %dma_wait3A_97, %dma_wait3A_98] : memref<32x128x80xi32, #tpu.memory_space<hbm>> -> memref<1x64x80xi32, #tpu.memory_space<hbm>>
      %dma_wait3A_100 = tpu.memref_squeeze %dma_wait3A_99 : memref<1x64x80xi32, #tpu.memory_space<hbm>> -> memref<64x80xi32, #tpu.memory_space<hbm>>
      tpu.wait_dma2 semaphore(%run_scoped3A_84 : memref<!tpu.dma_semaphore, #tpu.memory_space<semaphore_mem>>) src(%dma_wait3A_100 : memref<64x80xi32, #tpu.memory_space<hbm>>) dst(%arg8 : memref<64x80xi32, #tpu.memory_space<vmem>>)
      tpu.yield
    }) : () -> ()
    %dma_start3A_41 = arith.constant 0 : i32
    %dma_start3A_42 = arith.constant 0 : i32
    %dma_start3A_43 = tpu.memref_slice %arg7[%dma_start3A_41, %dma_start3A_42] : memref<64x80xi32, #tpu.memory_space<vmem>> -> memref<1x80xi32, #tpu.memory_space<vmem>>
    %dma_start3A_44 = tpu.memref_squeeze %dma_start3A_43 : memref<1x80xi32, #tpu.memory_space<vmem>> -> memref<80xi32, #tpu.memory_space<vmem>>
    %dma_start3A_45 = arith.constant 0 : i32
    %dma_start3A_46 = arith.constant 0 : i32
    %dma_start3A_47 = tpu.memref_slice %arg2[%dma_start3A_45, %dma_start3A_46] : memref<10000x128xf32, #tpu.memory_space<hbm>> -> memref<10000x128xf32, #tpu.memory_space<hbm>>
    tpu.enqueue_indirect_dma source(%dma_start3A_47 : memref<10000x128xf32, #tpu.memory_space<hbm>>) target(%arg9 : memref<80x128xf32, #tpu.memory_space<vmem>>) offsets(%dma_start3A_44 : memref<80xi32, #tpu.memory_space<vmem>>) semaphore(%arg12 : memref<!tpu.dma_semaphore, #tpu.memory_space<semaphore_mem>>)
    %scan3A_48 = arith.constant 0 : i32
    %scan3A_49 = arith.constant 0 : i32
    %scan3A_50 = arith.constant 31 : i32
    %scan3A_51 = arith.addi %scan3A_49, %scan3A_50 : i32
    %scan3A_52 = arith.constant 1 : i32
    scf.for %scan3A_84 = %scan3A_49 to %scan3A_51 step %scan3A_52  : i32 {
      %mul3A_85 = arith.constant 2 : i32
      %mul3A_86 = arith.muli %mul3A_85, %scan3A_84 : i32
      %add3A_87 = arith.constant 1 : i32
      %add3A_88 = arith.addi %mul3A_86, %add3A_87 : i32
      %dma_start3A_89 = arith.constant 0 : i32
      %dma_start3A_90 = tpu.memref_slice %arg7[%add3A_88, %dma_start3A_89] : memref<64x80xi32, #tpu.memory_space<vmem>> -> memref<1x80xi32, #tpu.memory_space<vmem>>
      %dma_start3A_91 = tpu.memref_squeeze %dma_start3A_90 : memref<1x80xi32, #tpu.memory_space<vmem>> -> memref<80xi32, #tpu.memory_space<vmem>>
      %dma_start3A_92 = arith.constant 0 : i32
      %dma_start3A_93 = arith.constant 0 : i32
      %dma_start3A_94 = tpu.memref_slice %arg2[%dma_start3A_92, %dma_start3A_93] : memref<10000x128xf32, #tpu.memory_space<hbm>> -> memref<10000x128xf32, #tpu.memory_space<hbm>>
      tpu.enqueue_indirect_dma source(%dma_start3A_94 : memref<10000x128xf32, #tpu.memory_space<hbm>>) target(%arg10 : memref<80x128xf32, #tpu.memory_space<vmem>>) offsets(%dma_start3A_91 : memref<80xi32, #tpu.memory_space<vmem>>) semaphore(%arg13 : memref<!tpu.dma_semaphore, #tpu.memory_space<semaphore_mem>>)
      %dma_wait3A_95 = arith.constant 0 : i32
      %dma_wait3A_96 = tpu.memref_slice %arg7[%mul3A_86, %dma_wait3A_95] : memref<64x80xi32, #tpu.memory_space<vmem>> -> memref<1x80xi32, #tpu.memory_space<vmem>>
      %dma_wait3A_97 = tpu.memref_squeeze %dma_wait3A_96 : memref<1x80xi32, #tpu.memory_space<vmem>> -> memref<80xi32, #tpu.memory_space<vmem>>
      %dma_wait3A_98 = arith.constant 0 : i32
      %dma_wait3A_99 = arith.constant 0 : i32
      %dma_wait3A_100 = tpu.memref_slice %arg2[%dma_wait3A_98, %dma_wait3A_99] : memref<10000x128xf32, #tpu.memory_space<hbm>> -> memref<10000x128xf32, #tpu.memory_space<hbm>>
      tpu.wait_indirect_dma semaphore(%arg12 : memref<!tpu.dma_semaphore, #tpu.memory_space<semaphore_mem>>) src(%dma_wait3A_100 : memref<10000x128xf32, #tpu.memory_space<hbm>>) dst(%arg9 : memref<80x128xf32, #tpu.memory_space<vmem>>)
      "tpu.region"() ({
        %run_scoped3A_119 = tpu.sem_alloc : memref<!tpu.dma_semaphore, #tpu.memory_space<semaphore_mem>>
        %dma_start3A_120 = arith.constant 0 : i32
        %dma_start3A_121 = tpu.memref_slice %arg8[%mul3A_86, %dma_start3A_120] : memref<64x80xi32, #tpu.memory_space<vmem>> -> memref<1x80xi32, #tpu.memory_space<vmem>>
        %dma_start3A_122 = tpu.memref_squeeze %dma_start3A_121 : memref<1x80xi32, #tpu.memory_space<vmem>> -> memref<80xi32, #tpu.memory_space<vmem>>
        %dma_start3A_123 = arith.constant 0 : i32
        %dma_start3A_124 = arith.constant 0 : i32
        %dma_start3A_125 = tpu.memref_slice %arg11[%dma_start3A_123, %dma_start3A_124] : memref<10240x128xf32, #tpu.memory_space<vmem_shared>> -> memref<10240x128xf32, #tpu.memory_space<vmem_shared>>
        tpu.enqueue_indirect_dma source(%arg9 : memref<80x128xf32, #tpu.memory_space<vmem>>) target(%dma_start3A_125 : memref<10240x128xf32, #tpu.memory_space<vmem_shared>>) offsets(%dma_start3A_122 : memref<80xi32, #tpu.memory_space<vmem>>) semaphore(%run_scoped3A_119 : memref<!tpu.dma_semaphore, #tpu.memory_space<semaphore_mem>>) {add = true}
        %dma_wait3A_126 = arith.constant 0 : i32
        %dma_wait3A_127 = tpu.memref_slice %arg8[%mul3A_86, %dma_wait3A_126] : memref<64x80xi32, #tpu.memory_space<vmem>> -> memref<1x80xi32, #tpu.memory_space<vmem>>
        %dma_wait3A_128 = tpu.memref_squeeze %dma_wait3A_127 : memref<1x80xi32, #tpu.memory_space<vmem>> -> memref<80xi32, #tpu.memory_space<vmem>>
        %dma_wait3A_129 = arith.constant 0 : i32
        %dma_wait3A_130 = arith.constant 0 : i32
        %dma_wait3A_131 = tpu.memref_slice %arg11[%dma_wait3A_129, %dma_wait3A_130] : memref<10240x128xf32, #tpu.memory_space<vmem_shared>> -> memref<10240x128xf32, #tpu.memory_space<vmem_shared>>
        tpu.wait_indirect_dma semaphore(%run_scoped3A_119 : memref<!tpu.dma_semaphore, #tpu.memory_space<semaphore_mem>>) src(%arg9 : memref<80x128xf32, #tpu.memory_space<vmem>>) dst(%dma_wait3A_131 : memref<10240x128xf32, #tpu.memory_space<vmem_shared>>)
        tpu.yield
      }) : () -> ()
      %add3A_101 = arith.constant 2 : i32
      %add3A_102 = arith.addi %mul3A_86, %add3A_101 : i32
      %dma_start3A_103 = arith.constant 0 : i32
      %dma_start3A_104 = tpu.memref_slice %arg7[%add3A_102, %dma_start3A_103] : memref<64x80xi32, #tpu.memory_space<vmem>> -> memref<1x80xi32, #tpu.memory_space<vmem>>
      %dma_start3A_105 = tpu.memref_squeeze %dma_start3A_104 : memref<1x80xi32, #tpu.memory_space<vmem>> -> memref<80xi32, #tpu.memory_space<vmem>>
      %dma_start3A_106 = arith.constant 0 : i32
      %dma_start3A_107 = arith.constant 0 : i32
      %dma_start3A_108 = tpu.memref_slice %arg2[%dma_start3A_106, %dma_start3A_107] : memref<10000x128xf32, #tpu.memory_space<hbm>> -> memref<10000x128xf32, #tpu.memory_space<hbm>>
      tpu.enqueue_indirect_dma source(%dma_start3A_108 : memref<10000x128xf32, #tpu.memory_space<hbm>>) target(%arg9 : memref<80x128xf32, #tpu.memory_space<vmem>>) offsets(%dma_start3A_105 : memref<80xi32, #tpu.memory_space<vmem>>) semaphore(%arg12 : memref<!tpu.dma_semaphore, #tpu.memory_space<semaphore_mem>>)
      %add3A_109 = arith.constant 1 : i32
      %add3A_110 = arith.addi %mul3A_86, %add3A_109 : i32
      %dma_wait3A_111 = arith.constant 0 : i32
      %dma_wait3A_112 = tpu.memref_slice %arg7[%add3A_110, %dma_wait3A_111] : memref<64x80xi32, #tpu.memory_space<vmem>> -> memref<1x80xi32, #tpu.memory_space<vmem>>
      %dma_wait3A_113 = tpu.memref_squeeze %dma_wait3A_112 : memref<1x80xi32, #tpu.memory_space<vmem>> -> memref<80xi32, #tpu.memory_space<vmem>>
      %dma_wait3A_114 = arith.constant 0 : i32
      %dma_wait3A_115 = arith.constant 0 : i32
      %dma_wait3A_116 = tpu.memref_slice %arg2[%dma_wait3A_114, %dma_wait3A_115] : memref<10000x128xf32, #tpu.memory_space<hbm>> -> memref<10000x128xf32, #tpu.memory_space<hbm>>
      tpu.wait_indirect_dma semaphore(%arg13 : memref<!tpu.dma_semaphore, #tpu.memory_space<semaphore_mem>>) src(%dma_wait3A_116 : memref<10000x128xf32, #tpu.memory_space<hbm>>) dst(%arg10 : memref<80x128xf32, #tpu.memory_space<vmem>>)
      %add3A_117 = arith.constant 1 : i32
      %add3A_118 = arith.addi %mul3A_86, %add3A_117 : i32
      "tpu.region"() ({
        %run_scoped3A_119 = tpu.sem_alloc : memref<!tpu.dma_semaphore, #tpu.memory_space<semaphore_mem>>
        %dma_start3A_120 = arith.constant 0 : i32
        %dma_start3A_121 = tpu.memref_slice %arg8[%add3A_118, %dma_start3A_120] : memref<64x80xi32, #tpu.memory_space<vmem>> -> memref<1x80xi32, #tpu.memory_space<vmem>>
        %dma_start3A_122 = tpu.memref_squeeze %dma_start3A_121 : memref<1x80xi32, #tpu.memory_space<vmem>> -> memref<80xi32, #tpu.memory_space<vmem>>
        %dma_start3A_123 = arith.constant 0 : i32
        %dma_start3A_124 = arith.constant 0 : i32
        %dma_start3A_125 = tpu.memref_slice %arg11[%dma_start3A_123, %dma_start3A_124] : memref<10240x128xf32, #tpu.memory_space<vmem_shared>> -> memref<10240x128xf32, #tpu.memory_space<vmem_shared>>
        tpu.enqueue_indirect_dma source(%arg10 : memref<80x128xf32, #tpu.memory_space<vmem>>) target(%dma_start3A_125 : memref<10240x128xf32, #tpu.memory_space<vmem_shared>>) offsets(%dma_start3A_122 : memref<80xi32, #tpu.memory_space<vmem>>) semaphore(%run_scoped3A_119 : memref<!tpu.dma_semaphore, #tpu.memory_space<semaphore_mem>>) {add = true}
        %dma_wait3A_126 = arith.constant 0 : i32
        %dma_wait3A_127 = tpu.memref_slice %arg8[%add3A_118, %dma_wait3A_126] : memref<64x80xi32, #tpu.memory_space<vmem>> -> memref<1x80xi32, #tpu.memory_space<vmem>>
        %dma_wait3A_128 = tpu.memref_squeeze %dma_wait3A_127 : memref<1x80xi32, #tpu.memory_space<vmem>> -> memref<80xi32, #tpu.memory_space<vmem>>
        %dma_wait3A_129 = arith.constant 0 : i32
        %dma_wait3A_130 = arith.constant 0 : i32
        %dma_wait3A_131 = tpu.memref_slice %arg11[%dma_wait3A_129, %dma_wait3A_130] : memref<10240x128xf32, #tpu.memory_space<vmem_shared>> -> memref<10240x128xf32, #tpu.memory_space<vmem_shared>>
        tpu.wait_indirect_dma semaphore(%run_scoped3A_119 : memref<!tpu.dma_semaphore, #tpu.memory_space<semaphore_mem>>) src(%arg10 : memref<80x128xf32, #tpu.memory_space<vmem>>) dst(%dma_wait3A_131 : memref<10240x128xf32, #tpu.memory_space<vmem_shared>>)
        tpu.yield
      }) : () -> ()
    }
    %scan3A_53 = arith.constant 31 : i32
    %dma_start3A_54 = arith.constant 63 : i32
    %dma_start3A_55 = arith.constant 0 : i32
    %dma_start3A_56 = tpu.memref_slice %arg7[%dma_start3A_54, %dma_start3A_55] : memref<64x80xi32, #tpu.memory_space<vmem>> -> memref<1x80xi32, #tpu.memory_space<vmem>>
    %dma_start3A_57 = tpu.memref_squeeze %dma_start3A_56 : memref<1x80xi32, #tpu.memory_space<vmem>> -> memref<80xi32, #tpu.memory_space<vmem>>
    %dma_start3A_58 = arith.constant 0 : i32
    %dma_start3A_59 = arith.constant 0 : i32
    %dma_start3A_60 = tpu.memref_slice %arg2[%dma_start3A_58, %dma_start3A_59] : memref<10000x128xf32, #tpu.memory_space<hbm>> -> memref<10000x128xf32, #tpu.memory_space<hbm>>
    tpu.enqueue_indirect_dma source(%dma_start3A_60 : memref<10000x128xf32, #tpu.memory_space<hbm>>) target(%arg10 : memref<80x128xf32, #tpu.memory_space<vmem>>) offsets(%dma_start3A_57 : memref<80xi32, #tpu.memory_space<vmem>>) semaphore(%arg13 : memref<!tpu.dma_semaphore, #tpu.memory_space<semaphore_mem>>)
    %dma_wait3A_61 = arith.constant 62 : i32
    %dma_wait3A_62 = arith.constant 0 : i32
    %dma_wait3A_63 = tpu.memref_slice %arg7[%dma_wait3A_61, %dma_wait3A_62] : memref<64x80xi32, #tpu.memory_space<vmem>> -> memref<1x80xi32, #tpu.memory_space<vmem>>
    %dma_wait3A_64 = tpu.memref_squeeze %dma_wait3A_63 : memref<1x80xi32, #tpu.memory_space<vmem>> -> memref<80xi32, #tpu.memory_space<vmem>>
    %dma_wait3A_65 = arith.constant 0 : i32
    %dma_wait3A_66 = arith.constant 0 : i32
    %dma_wait3A_67 = tpu.memref_slice %arg2[%dma_wait3A_65, %dma_wait3A_66] : memref<10000x128xf32, #tpu.memory_space<hbm>> -> memref<10000x128xf32, #tpu.memory_space<hbm>>
    tpu.wait_indirect_dma semaphore(%arg12 : memref<!tpu.dma_semaphore, #tpu.memory_space<semaphore_mem>>) src(%dma_wait3A_67 : memref<10000x128xf32, #tpu.memory_space<hbm>>) dst(%arg9 : memref<80x128xf32, #tpu.memory_space<vmem>>)
    %run_scoped3A_68 = arith.constant 62 : i32
    "tpu.region"() ({
      %run_scoped3A_84 = tpu.sem_alloc : memref<!tpu.dma_semaphore, #tpu.memory_space<semaphore_mem>>
      %dma_start3A_85 = arith.constant 0 : i32
      %dma_start3A_86 = tpu.memref_slice %arg8[%run_scoped3A_68, %dma_start3A_85] : memref<64x80xi32, #tpu.memory_space<vmem>> -> memref<1x80xi32, #tpu.memory_space<vmem>>
      %dma_start3A_87 = tpu.memref_squeeze %dma_start3A_86 : memref<1x80xi32, #tpu.memory_space<vmem>> -> memref<80xi32, #tpu.memory_space<vmem>>
      %dma_start3A_88 = arith.constant 0 : i32
      %dma_start3A_89 = arith.constant 0 : i32
      %dma_start3A_90 = tpu.memref_slice %arg11[%dma_start3A_88, %dma_start3A_89] : memref<10240x128xf32, #tpu.memory_space<vmem_shared>> -> memref<10240x128xf32, #tpu.memory_space<vmem_shared>>
      tpu.enqueue_indirect_dma source(%arg9 : memref<80x128xf32, #tpu.memory_space<vmem>>) target(%dma_start3A_90 : memref<10240x128xf32, #tpu.memory_space<vmem_shared>>) offsets(%dma_start3A_87 : memref<80xi32, #tpu.memory_space<vmem>>) semaphore(%run_scoped3A_84 : memref<!tpu.dma_semaphore, #tpu.memory_space<semaphore_mem>>) {add = true}
      %dma_wait3A_91 = arith.constant 0 : i32
      %dma_wait3A_92 = tpu.memref_slice %arg8[%run_scoped3A_68, %dma_wait3A_91] : memref<64x80xi32, #tpu.memory_space<vmem>> -> memref<1x80xi32, #tpu.memory_space<vmem>>
      %dma_wait3A_93 = tpu.memref_squeeze %dma_wait3A_92 : memref<1x80xi32, #tpu.memory_space<vmem>> -> memref<80xi32, #tpu.memory_space<vmem>>
      %dma_wait3A_94 = arith.constant 0 : i32
      %dma_wait3A_95 = arith.constant 0 : i32
      %dma_wait3A_96 = tpu.memref_slice %arg11[%dma_wait3A_94, %dma_wait3A_95] : memref<10240x128xf32, #tpu.memory_space<vmem_shared>> -> memref<10240x128xf32, #tpu.memory_space<vmem_shared>>
      tpu.wait_indirect_dma semaphore(%run_scoped3A_84 : memref<!tpu.dma_semaphore, #tpu.memory_space<semaphore_mem>>) src(%arg9 : memref<80x128xf32, #tpu.memory_space<vmem>>) dst(%dma_wait3A_96 : memref<10240x128xf32, #tpu.memory_space<vmem_shared>>)
      tpu.yield
    }) : () -> ()
    %dma_wait3A_69 = arith.constant 63 : i32
    %dma_wait3A_70 = arith.constant 0 : i32
    %dma_wait3A_71 = tpu.memref_slice %arg7[%dma_wait3A_69, %dma_wait3A_70] : memref<64x80xi32, #tpu.memory_space<vmem>> -> memref<1x80xi32, #tpu.memory_space<vmem>>
    %dma_wait3A_72 = tpu.memref_squeeze %dma_wait3A_71 : memref<1x80xi32, #tpu.memory_space<vmem>> -> memref<80xi32, #tpu.memory_space<vmem>>
    %dma_wait3A_73 = arith.constant 0 : i32
    %dma_wait3A_74 = arith.constant 0 : i32
    %dma_wait3A_75 = tpu.memref_slice %arg2[%dma_wait3A_73, %dma_wait3A_74] : memref<10000x128xf32, #tpu.memory_space<hbm>> -> memref<10000x128xf32, #tpu.memory_space<hbm>>
    tpu.wait_indirect_dma semaphore(%arg13 : memref<!tpu.dma_semaphore, #tpu.memory_space<semaphore_mem>>) src(%dma_wait3A_75 : memref<10000x128xf32, #tpu.memory_space<hbm>>) dst(%arg10 : memref<80x128xf32, #tpu.memory_space<vmem>>)
    %run_scoped3A_76 = arith.constant 63 : i32
    "tpu.region"() ({
      %run_scoped3A_84 = tpu.sem_alloc : memref<!tpu.dma_semaphore, #tpu.memory_space<semaphore_mem>>
      %dma_start3A_85 = arith.constant 0 : i32
      %dma_start3A_86 = tpu.memref_slice %arg8[%run_scoped3A_76, %dma_start3A_85] : memref<64x80xi32, #tpu.memory_space<vmem>> -> memref<1x80xi32, #tpu.memory_space<vmem>>
      %dma_start3A_87 = tpu.memref_squeeze %dma_start3A_86 : memref<1x80xi32, #tpu.memory_space<vmem>> -> memref<80xi32, #tpu.memory_space<vmem>>
      %dma_start3A_88 = arith.constant 0 : i32
      %dma_start3A_89 = arith.constant 0 : i32
      %dma_start3A_90 = tpu.memref_slice %arg11[%dma_start3A_88, %dma_start3A_89] : memref<10240x128xf32, #tpu.memory_space<vmem_shared>> -> memref<10240x128xf32, #tpu.memory_space<vmem_shared>>
      tpu.enqueue_indirect_dma source(%arg10 : memref<80x128xf32, #tpu.memory_space<vmem>>) target(%dma_start3A_90 : memref<10240x128xf32, #tpu.memory_space<vmem_shared>>) offsets(%dma_start3A_87 : memref<80xi32, #tpu.memory_space<vmem>>) semaphore(%run_scoped3A_84 : memref<!tpu.dma_semaphore, #tpu.memory_space<semaphore_mem>>) {add = true}
      %dma_wait3A_91 = arith.constant 0 : i32
      %dma_wait3A_92 = tpu.memref_slice %arg8[%run_scoped3A_76, %dma_wait3A_91] : memref<64x80xi32, #tpu.memory_space<vmem>> -> memref<1x80xi32, #tpu.memory_space<vmem>>
      %dma_wait3A_93 = tpu.memref_squeeze %dma_wait3A_92 : memref<1x80xi32, #tpu.memory_space<vmem>> -> memref<80xi32, #tpu.memory_space<vmem>>
      %dma_wait3A_94 = arith.constant 0 : i32
      %dma_wait3A_95 = arith.constant 0 : i32
      %dma_wait3A_96 = tpu.memref_slice %arg11[%dma_wait3A_94, %dma_wait3A_95] : memref<10240x128xf32, #tpu.memory_space<vmem_shared>> -> memref<10240x128xf32, #tpu.memory_space<vmem_shared>>
      tpu.wait_indirect_dma semaphore(%run_scoped3A_84 : memref<!tpu.dma_semaphore, #tpu.memory_space<semaphore_mem>>) src(%arg10 : memref<80x128xf32, #tpu.memory_space<vmem>>) dst(%dma_wait3A_96 : memref<10240x128xf32, #tpu.memory_space<vmem_shared>>)
      tpu.yield
    }) : () -> ()
    %barrier3A_77 = arith.constant 0 : index
    tpu.barrier barrier_id(%barrier3A_77)
    %scan3A_78 = arith.constant 0 : i32
    %scan3A_79 = arith.constant 0 : i32
    %scan3A_80 = arith.constant 8 : i32
    %scan3A_81 = arith.addi %scan3A_79, %scan3A_80 : i32
    %scan3A_82 = arith.constant 1 : i32
    scf.for %scan3A_84 = %scan3A_79 to %scan3A_81 step %scan3A_82  : i32 {
      %mul3A_85 = arith.constant 80 : i32
      %mul3A_86 = arith.muli %scan3A_84, %mul3A_85 : i32
      %add3A_87 = arith.addi %mul3A_0, %mul3A_86 : i32
      "tpu.region"() ({
        %run_scoped3A_91 = tpu.sem_alloc : memref<!tpu.dma_semaphore, #tpu.memory_space<semaphore_mem>>
        %dma_start3A_92 = arith.constant 0 : i32
        %dma_start3A_93 = tpu.memref_slice %arg11[%add3A_87, %dma_start3A_92] : memref<10240x128xf32, #tpu.memory_space<vmem_shared>> -> memref<80x128xf32, #tpu.memory_space<vmem_shared>>
        %dma_start3A_94 = arith.constant 0 : i32
        %dma_start3A_95 = tpu.memref_slice %arg11[%add3A_87, %dma_start3A_94] : memref<10240x128xf32, #tpu.memory_space<vmem_shared>> -> memref<80x128xf32, #tpu.memory_space<vmem_shared>>
        tpu.enqueue_dma source(%dma_start3A_95 : memref<80x128xf32, #tpu.memory_space<vmem_shared>>) target(%arg9 : memref<80x128xf32, #tpu.memory_space<vmem>>) target_semaphore(%run_scoped3A_91 : memref<!tpu.dma_semaphore, #tpu.memory_space<semaphore_mem>>)
        %dma_wait3A_96 = arith.constant 0 : i32
        %dma_wait3A_97 = tpu.memref_slice %arg11[%add3A_87, %dma_wait3A_96] : memref<10240x128xf32, #tpu.memory_space<vmem_shared>> -> memref<80x128xf32, #tpu.memory_space<vmem_shared>>
        %dma_wait3A_98 = arith.constant 0 : i32
        %dma_wait3A_99 = tpu.memref_slice %arg11[%add3A_87, %dma_wait3A_98] : memref<10240x128xf32, #tpu.memory_space<vmem_shared>> -> memref<80x128xf32, #tpu.memory_space<vmem_shared>>
        tpu.wait_dma2 semaphore(%run_scoped3A_91 : memref<!tpu.dma_semaphore, #tpu.memory_space<semaphore_mem>>) src(%dma_wait3A_99 : memref<80x128xf32, #tpu.memory_space<vmem_shared>>) dst(%arg9 : memref<80x128xf32, #tpu.memory_space<vmem>>)
        tpu.yield
      }) : () -> ()
      %mul3A_88 = arith.constant 80 : i32
      %mul3A_89 = arith.muli %scan3A_84, %mul3A_88 : i32
      %add3A_90 = arith.addi %mul3A_0, %mul3A_89 : i32
      "tpu.region"() ({
        %run_scoped3A_91 = tpu.sem_alloc : memref<!tpu.dma_semaphore, #tpu.memory_space<semaphore_mem>>
        %dma_start3A_92 = arith.constant 0 : i32
        %dma_start3A_93 = tpu.memref_slice %arg6[%arg0, %add3A_90, %dma_start3A_92] : memref<2x10240x128xf32, #tpu.memory_space<hbm>> -> memref<1x80x128xf32, #tpu.memory_space<hbm>>
        %dma_start3A_94 = tpu.memref_squeeze %dma_start3A_93 : memref<1x80x128xf32, #tpu.memory_space<hbm>> -> memref<80x128xf32, #tpu.memory_space<hbm>>
        %dma_start3A_95 = arith.constant 0 : i32
        %dma_start3A_96 = tpu.memref_slice %arg6[%arg0, %add3A_90, %dma_start3A_95] : memref<2x10240x128xf32, #tpu.memory_space<hbm>> -> memref<1x80x128xf32, #tpu.memory_space<hbm>>
        %dma_start3A_97 = tpu.memref_squeeze %dma_start3A_96 : memref<1x80x128xf32, #tpu.memory_space<hbm>> -> memref<80x128xf32, #tpu.memory_space<hbm>>
        tpu.enqueue_dma source(%arg9 : memref<80x128xf32, #tpu.memory_space<vmem>>) target(%dma_start3A_97 : memref<80x128xf32, #tpu.memory_space<hbm>>) target_semaphore(%run_scoped3A_91 : memref<!tpu.dma_semaphore, #tpu.memory_space<semaphore_mem>>)
        %dma_wait3A_98 = arith.constant 0 : i32
        %dma_wait3A_99 = tpu.memref_slice %arg6[%arg0, %add3A_90, %dma_wait3A_98] : memref<2x10240x128xf32, #tpu.memory_space<hbm>> -> memref<1x80x128xf32, #tpu.memory_space<hbm>>
        %dma_wait3A_100 = tpu.memref_squeeze %dma_wait3A_99 : memref<1x80x128xf32, #tpu.memory_space<hbm>> -> memref<80x128xf32, #tpu.memory_space<hbm>>
        %dma_wait3A_101 = arith.constant 0 : i32
        %dma_wait3A_102 = tpu.memref_slice %arg6[%arg0, %add3A_90, %dma_wait3A_101] : memref<2x10240x128xf32, #tpu.memory_space<hbm>> -> memref<1x80x128xf32, #tpu.memory_space<hbm>>
        %dma_wait3A_103 = tpu.memref_squeeze %dma_wait3A_102 : memref<1x80x128xf32, #tpu.memory_space<hbm>> -> memref<80x128xf32, #tpu.memory_space<hbm>>
        tpu.wait_dma2 semaphore(%run_scoped3A_91 : memref<!tpu.dma_semaphore, #tpu.memory_space<semaphore_mem>>) src(%arg9 : memref<80x128xf32, #tpu.memory_space<vmem>>) dst(%dma_wait3A_103 : memref<80x128xf32, #tpu.memory_space<hbm>>)
        tpu.yield
      }) : () -> ()
    }
    %scan3A_83 = arith.constant 8 : i32
    return
  }
}

module attributes {stable_mosaic.version = 14 : i64} {
  func.func @_tc1_body(%arg0: i32, %arg1: memref<1000x128xf32, #tpu.memory_space<vmem>>, %arg2: memref<128x128xf32, #tpu.memory_space<vmem>>, %arg3: memref<1x1000x128xf32, #tpu.memory_space<vmem>>, %arg4: memref<1x1000x128xf32, #tpu.memory_space<vmem>>, %arg5: memref<1000x128xf32, #tpu.memory_space<vmem>>) attributes {dimension_semantics = [#tpu.dimension_semantics<arbitrary>], iteration_bounds = array<i64: 10>, scalar_prefetch = 0 : i64, scratch_operands = 0 : i64, tpu.core_type = #tpu.core_type<tc>, window_params = [{transform_indices = @transform_0, window_bounds = array<i64: 1000, 128>}, {pipeline_mode = #tpu.pipeline_mode<synchronous>, transform_indices = @transform_1, window_bounds = array<i64: 128, 128>}, {transform_indices = @transform_2, window_bounds = array<i64: 1, 1000, 128>}, {transform_indices = @transform_3, window_bounds = array<i64: 1, 1000, 128>}, {transform_indices = @transform_4, window_bounds = array<i64: 1000, 128>}]} {
    %get3A = arith.constant 0 : index
    %get3A_0 = arith.constant 0 : index
    %get3A_1 = arith.constant 0 : index
    %get3A_2 = vector.load %arg3[%get3A, %get3A_0, %get3A_1] : memref<1x1000x128xf32, #tpu.memory_space<vmem>>, vector<1x1000x128xf32>
    %get3A_3 = vector.shape_cast %get3A_2 : vector<1x1000x128xf32> to vector<1000x128xf32>
    %slice3A = vector.extract_strided_slice %get3A_3 {offsets = [0, 0], sizes = [1000, 1], strides = [1, 1]} : vector<1000x128xf32> to vector<1000x1xf32>
    %add3A = arith.constant 1.000000e+00 : f32
    %add3A_4 = vector.broadcast %add3A : f32 to vector<1000x1xf32>
    %add3A_5 = arith.addf %add3A_4, %slice3A : vector<1000x1xf32>
    %get3A_6 = arith.constant 0 : index
    %get3A_7 = arith.constant 0 : index
    %get3A_8 = arith.constant 0 : index
    %get3A_9 = vector.load %arg4[%get3A_6, %get3A_7, %get3A_8] : memref<1x1000x128xf32, #tpu.memory_space<vmem>>, vector<1x1000x128xf32>
    %get3A_10 = vector.shape_cast %get3A_9 : vector<1x1000x128xf32> to vector<1000x128xf32>
    %slice3A_11 = vector.extract_strided_slice %get3A_10 {offsets = [0, 0], sizes = [1000, 1], strides = [1, 1]} : vector<1000x128xf32> to vector<1000x1xf32>
    %add3A_12 = arith.addf %add3A_5, %slice3A_11 : vector<1000x1xf32>
    %rsqrt3A = math.rsqrt %add3A_12 : vector<1000x1xf32>
    %get3A_13 = arith.constant 0 : index
    %get3A_14 = arith.constant 0 : index
    %get3A_15 = vector.load %arg1[%get3A_13, %get3A_14] : memref<1000x128xf32, #tpu.memory_space<vmem>>, vector<1000x128xf32>
    %get3A_16 = arith.constant 0 : index
    %get3A_17 = arith.constant 0 : index
    %get3A_18 = vector.load %arg2[%get3A_16, %get3A_17] : memref<128x128xf32, #tpu.memory_space<vmem>>, vector<128x128xf32>
    %dot_general3A = arith.constant dense<0.000000e+00> : vector<1000x128xf32>
    %dot_general3A_19 = tpu.matmul %get3A_15, %get3A_18, %dot_general3A {dimension_numbers = #tpu.dot_dimension_numbers<[1], [0], [0], [1], [0, 0, 1, 1], [], []>, transpose_lhs_hint = false} : vector<1000x128xf32>, vector<128x128xf32>, vector<1000x128xf32> -> vector<1000x128xf32>
    %mul3A = vector.broadcast %rsqrt3A : vector<1000x1xf32> to vector<1000x128xf32>
    %mul3A_20 = arith.mulf %dot_general3A_19, %mul3A : vector<1000x128xf32>
    %swap3A = arith.constant 0 : index
    %swap3A_21 = arith.constant 0 : index
    %swap3A_22 = vector.load %arg5[%swap3A, %swap3A_21] : memref<1000x128xf32, #tpu.memory_space<vmem>>, vector<1000x128xf32>
    tpu.vector_store %arg5[%swap3A, %swap3A_21], %mul3A_20 {strides = array<i32>} : memref<1000x128xf32, #tpu.memory_space<vmem>>, vector<1000x128xf32>,
    return
  }
  func.func @transform_0(%arg0: i32) -> (i32, i32) {
    %c0_i32 = arith.constant 0 : i32
    %c0_i32_0 = arith.constant 0 : i32
    return %arg0, %c0_i32 : i32, i32
  }
  func.func @transform_1(%arg0: i32) -> (i32, i32) {
    %c0_i32 = arith.constant 0 : i32
    %c0_i32_0 = arith.constant 0 : i32
    %c0_i32_1 = arith.constant 0 : i32
    return %c0_i32, %c0_i32_0 : i32, i32
  }
  func.func @transform_2(%arg0: i32) -> (i32, i32, i32) {
    %c0_i32 = arith.constant 0 : i32
    %c0_i32_0 = arith.constant 0 : i32
    %c0_i32_1 = arith.constant 0 : i32
    return %c0_i32, %arg0, %c0_i32_0 : i32, i32, i32
  }
  func.func @transform_3(%arg0: i32) -> (i32, i32, i32) {
    %c1_i32 = arith.constant 1 : i32
    %c0_i32 = arith.constant 0 : i32
    %c0_i32_0 = arith.constant 0 : i32
    return %c1_i32, %arg0, %c0_i32 : i32, i32, i32
  }
  func.func @transform_4(%arg0: i32) -> (i32, i32) {
    %c0_i32 = arith.constant 0 : i32
    %c0_i32_0 = arith.constant 0 : i32
    return %arg0, %c0_i32 : i32, i32
  }
}

module attributes {stable_mosaic.version = 14 : i64} {
  func.func @_tc2_body(%arg0: i32, %arg1: memref<1x1000x128xf32, #tpu.memory_space<vmem>>, %arg2: memref<1x1000x128xf32, #tpu.memory_space<vmem>>, %arg3: memref<1000x128xf32, #tpu.memory_space<vmem>>, %arg4: memref<1x1000x128xf32, #tpu.memory_space<vmem>>, %arg5: memref<1x1000x128xf32, #tpu.memory_space<vmem>>, %arg6: memref<1x128xf32, #tpu.memory_space<vmem>>, %arg7: memref<128x128xf32, #tpu.memory_space<vmem>>, %arg8: memref<1000x128xf32, #tpu.memory_space<vmem>>) attributes {dimension_semantics = [#tpu.dimension_semantics<arbitrary>], iteration_bounds = array<i64: 10>, scalar_prefetch = 0 : i64, scratch_operands = 0 : i64, tpu.core_type = #tpu.core_type<tc>, window_params = [{transform_indices = @transform_0, window_bounds = array<i64: 1, 1000, 128>}, {transform_indices = @transform_1, window_bounds = array<i64: 1, 1000, 128>}, {transform_indices = @transform_2, window_bounds = array<i64: 1000, 128>}, {transform_indices = @transform_3, window_bounds = array<i64: 1, 1000, 128>}, {transform_indices = @transform_4, window_bounds = array<i64: 1, 1000, 128>}, {pipeline_mode = #tpu.pipeline_mode<synchronous>, transform_indices = @transform_5, window_bounds = array<i64: 1, 128>}, {pipeline_mode = #tpu.pipeline_mode<synchronous>, transform_indices = @transform_6, window_bounds = array<i64: 128, 128>}, {transform_indices = @transform_7, window_bounds = array<i64: 1000, 128>}]} {
    %get3A = arith.constant 0 : index
    %get3A_0 = arith.constant 0 : index
    %get3A_1 = arith.constant 0 : index
    %get3A_2 = vector.load %arg4[%get3A, %get3A_0, %get3A_1] : memref<1x1000x128xf32, #tpu.memory_space<vmem>>, vector<1x1000x128xf32>
    %get3A_3 = vector.shape_cast %get3A_2 : vector<1x1000x128xf32> to vector<1000x128xf32>
    %slice3A = vector.extract_strided_slice %get3A_3 {offsets = [0, 0], sizes = [1000, 1], strides = [1, 1]} : vector<1000x128xf32> to vector<1000x1xf32>
    %add3A = arith.constant 1.000000e+00 : f32
    %add3A_4 = vector.broadcast %add3A : f32 to vector<1000x1xf32>
    %add3A_5 = arith.addf %add3A_4, %slice3A : vector<1000x1xf32>
    %get3A_6 = arith.constant 0 : index
    %get3A_7 = arith.constant 0 : index
    %get3A_8 = arith.constant 0 : index
    %get3A_9 = vector.load %arg5[%get3A_6, %get3A_7, %get3A_8] : memref<1x1000x128xf32, #tpu.memory_space<vmem>>, vector<1x1000x128xf32>
    %get3A_10 = vector.shape_cast %get3A_9 : vector<1x1000x128xf32> to vector<1000x128xf32>
    %slice3A_11 = vector.extract_strided_slice %get3A_10 {offsets = [0, 0], sizes = [1000, 1], strides = [1, 1]} : vector<1000x128xf32> to vector<1000x1xf32>
    %add3A_12 = arith.addf %add3A_5, %slice3A_11 : vector<1000x1xf32>
    %rsqrt3A = math.rsqrt %add3A_12 : vector<1000x1xf32>
    %get3A_13 = arith.constant 0 : index
    %get3A_14 = arith.constant 0 : index
    %get3A_15 = arith.constant 0 : index
    %get3A_16 = vector.load %arg1[%get3A_13, %get3A_14, %get3A_15] : memref<1x1000x128xf32, #tpu.memory_space<vmem>>, vector<1x1000x128xf32>
    %get3A_17 = vector.shape_cast %get3A_16 : vector<1x1000x128xf32> to vector<1000x128xf32>
    %get3A_18 = arith.constant 0 : index
    %get3A_19 = arith.constant 0 : index
    %get3A_20 = arith.constant 0 : index
    %get3A_21 = vector.load %arg2[%get3A_18, %get3A_19, %get3A_20] : memref<1x1000x128xf32, #tpu.memory_space<vmem>>, vector<1x1000x128xf32>
    %get3A_22 = vector.shape_cast %get3A_21 : vector<1x1000x128xf32> to vector<1000x128xf32>
    %add3A_23 = arith.addf %get3A_17, %get3A_22 : vector<1000x128xf32>
    %get3A_24 = arith.constant 0 : index
    %get3A_25 = arith.constant 0 : index
    %get3A_26 = vector.load %arg3[%get3A_24, %get3A_25] : memref<1000x128xf32, #tpu.memory_space<vmem>>, vector<1000x128xf32>
    %add3A_27 = arith.addf %add3A_23, %get3A_26 : vector<1000x128xf32>
    %mul3A = vector.broadcast %rsqrt3A : vector<1000x1xf32> to vector<1000x128xf32>
    %mul3A_28 = arith.mulf %add3A_27, %mul3A : vector<1000x128xf32>
    %get3A_29 = arith.constant 0 : index
    %get3A_30 = arith.constant 0 : index
    %get3A_31 = vector.load %arg6[%get3A_29, %get3A_30] : memref<1x128xf32, #tpu.memory_space<vmem>>, vector<1x128xf32>
    %add3A_32 = vector.broadcast %get3A_31 : vector<1x128xf32> to vector<1000x128xf32>
    %add3A_33 = arith.addf %mul3A_28, %add3A_32 : vector<1000x128xf32>
    %max3A = arith.constant 0.000000e+00 : f32
    %max3A_34 = vector.broadcast %max3A : f32 to vector<1000x128xf32>
    %max3A_35 = arith.maximumf %add3A_33, %max3A_34 : vector<1000x128xf32>
    %get3A_36 = arith.constant 0 : index
    %get3A_37 = arith.constant 0 : index
    %get3A_38 = vector.load %arg7[%get3A_36, %get3A_37] : memref<128x128xf32, #tpu.memory_space<vmem>>, vector<128x128xf32>
    %dot_general3A = arith.constant dense<0.000000e+00> : vector<1000x128xf32>
    %dot_general3A_39 = tpu.matmul %max3A_35, %get3A_38, %dot_general3A {dimension_numbers = #tpu.dot_dimension_numbers<[1], [0], [0], [1], [0, 0, 1, 1], [], []>, transpose_lhs_hint = false} : vector<1000x128xf32>, vector<128x128xf32>, vector<1000x128xf32> -> vector<1000x128xf32>
    %mul3A_40 = vector.broadcast %rsqrt3A : vector<1000x1xf32> to vector<1000x128xf32>
    %mul3A_41 = arith.mulf %dot_general3A_39, %mul3A_40 : vector<1000x128xf32>
    %swap3A = arith.constant 0 : index
    %swap3A_42 = arith.constant 0 : index
    %swap3A_43 = vector.load %arg8[%swap3A, %swap3A_42] : memref<1000x128xf32, #tpu.memory_space<vmem>>, vector<1000x128xf32>
    tpu.vector_store %arg8[%swap3A, %swap3A_42], %mul3A_41 {strides = array<i32>} : memref<1000x128xf32, #tpu.memory_space<vmem>>, vector<1000x128xf32>,
    return
  }
  func.func @transform_0(%arg0: i32) -> (i32, i32, i32) {
    %c0_i32 = arith.constant 0 : i32
    %c0_i32_0 = arith.constant 0 : i32
    %c0_i32_1 = arith.constant 0 : i32
    return %c0_i32, %arg0, %c0_i32_0 : i32, i32, i32
  }
  func.func @transform_1(%arg0: i32) -> (i32, i32, i32) {
    %c1_i32 = arith.constant 1 : i32
    %c0_i32 = arith.constant 0 : i32
    %c0_i32_0 = arith.constant 0 : i32
    return %c1_i32, %arg0, %c0_i32 : i32, i32, i32
  }
  func.func @transform_2(%arg0: i32) -> (i32, i32) {
    %c0_i32 = arith.constant 0 : i32
    %c0_i32_0 = arith.constant 0 : i32
    return %arg0, %c0_i32 : i32, i32
  }
  func.func @transform_3(%arg0: i32) -> (i32, i32, i32) {
    %c0_i32 = arith.constant 0 : i32
    %c0_i32_0 = arith.constant 0 : i32
    %c0_i32_1 = arith.constant 0 : i32
    return %c0_i32, %arg0, %c0_i32_0 : i32, i32, i32
  }
  func.func @transform_4(%arg0: i32) -> (i32, i32, i32) {
    %c1_i32 = arith.constant 1 : i32
    %c0_i32 = arith.constant 0 : i32
    %c0_i32_0 = arith.constant 0 : i32
    return %c1_i32, %arg0, %c0_i32 : i32, i32, i32
  }
  func.func @transform_5(%arg0: i32) -> (i32, i32) {
    %c0_i32 = arith.constant 0 : i32
    %c0_i32_0 = arith.constant 0 : i32
    %c0_i32_1 = arith.constant 0 : i32
    return %c0_i32, %c0_i32_0 : i32, i32
  }
  func.func @transform_6(%arg0: i32) -> (i32, i32) {
    %c0_i32 = arith.constant 0 : i32
    %c0_i32_0 = arith.constant 0 : i32
    %c0_i32_1 = arith.constant 0 : i32
    return %c0_i32, %c0_i32_0 : i32, i32
  }
  func.func @transform_7(%arg0: i32) -> (i32, i32) {
    %c0_i32 = arith.constant 0 : i32
    %c0_i32_0 = arith.constant 0 : i32
    return %arg0, %c0_i32 : i32, i32
  }
}

module attributes {stable_mosaic.version = 14 : i64} {
  func.func @_tc3_body(%arg0: i32, %arg1: memref<1x1000x128xf32, #tpu.memory_space<vmem>>, %arg2: memref<1x1000x128xf32, #tpu.memory_space<vmem>>, %arg3: memref<1000x128xf32, #tpu.memory_space<vmem>>, %arg4: memref<1x1000x128xf32, #tpu.memory_space<vmem>>, %arg5: memref<1x1000x128xf32, #tpu.memory_space<vmem>>, %arg6: memref<1x128xf32, #tpu.memory_space<vmem>>, %arg7: memref<1000x128xf32, #tpu.memory_space<vmem>>) attributes {dimension_semantics = [#tpu.dimension_semantics<arbitrary>], iteration_bounds = array<i64: 10>, scalar_prefetch = 0 : i64, scratch_operands = 0 : i64, tpu.core_type = #tpu.core_type<tc>, window_params = [{transform_indices = @transform_0, window_bounds = array<i64: 1, 1000, 128>}, {transform_indices = @transform_1, window_bounds = array<i64: 1, 1000, 128>}, {transform_indices = @transform_2, window_bounds = array<i64: 1000, 128>}, {transform_indices = @transform_3, window_bounds = array<i64: 1, 1000, 128>}, {transform_indices = @transform_4, window_bounds = array<i64: 1, 1000, 128>}, {pipeline_mode = #tpu.pipeline_mode<synchronous>, transform_indices = @transform_5, window_bounds = array<i64: 1, 128>}, {transform_indices = @transform_6, window_bounds = array<i64: 1000, 128>}]} {
    %get3A = arith.constant 0 : index
    %get3A_0 = arith.constant 0 : index
    %get3A_1 = arith.constant 0 : index
    %get3A_2 = vector.load %arg4[%get3A, %get3A_0, %get3A_1] : memref<1x1000x128xf32, #tpu.memory_space<vmem>>, vector<1x1000x128xf32>
    %get3A_3 = vector.shape_cast %get3A_2 : vector<1x1000x128xf32> to vector<1000x128xf32>
    %slice3A = vector.extract_strided_slice %get3A_3 {offsets = [0, 0], sizes = [1000, 1], strides = [1, 1]} : vector<1000x128xf32> to vector<1000x1xf32>
    %add3A = arith.constant 1.000000e+00 : f32
    %add3A_4 = vector.broadcast %add3A : f32 to vector<1000x1xf32>
    %add3A_5 = arith.addf %add3A_4, %slice3A : vector<1000x1xf32>
    %get3A_6 = arith.constant 0 : index
    %get3A_7 = arith.constant 0 : index
    %get3A_8 = arith.constant 0 : index
    %get3A_9 = vector.load %arg5[%get3A_6, %get3A_7, %get3A_8] : memref<1x1000x128xf32, #tpu.memory_space<vmem>>, vector<1x1000x128xf32>
    %get3A_10 = vector.shape_cast %get3A_9 : vector<1x1000x128xf32> to vector<1000x128xf32>
    %slice3A_11 = vector.extract_strided_slice %get3A_10 {offsets = [0, 0], sizes = [1000, 1], strides = [1, 1]} : vector<1000x128xf32> to vector<1000x1xf32>
    %add3A_12 = arith.addf %add3A_5, %slice3A_11 : vector<1000x1xf32>
    %rsqrt3A = math.rsqrt %add3A_12 : vector<1000x1xf32>
    %get3A_13 = arith.constant 0 : index
    %get3A_14 = arith.constant 0 : index
    %get3A_15 = arith.constant 0 : index
    %get3A_16 = vector.load %arg1[%get3A_13, %get3A_14, %get3A_15] : memref<1x1000x128xf32, #tpu.memory_space<vmem>>, vector<1x1000x128xf32>
    %get3A_17 = vector.shape_cast %get3A_16 : vector<1x1000x128xf32> to vector<1000x128xf32>
    %get3A_18 = arith.constant 0 : index
    %get3A_19 = arith.constant 0 : index
    %get3A_20 = arith.constant 0 : index
    %get3A_21 = vector.load %arg2[%get3A_18, %get3A_19, %get3A_20] : memref<1x1000x128xf32, #tpu.memory_space<vmem>>, vector<1x1000x128xf32>
    %get3A_22 = vector.shape_cast %get3A_21 : vector<1x1000x128xf32> to vector<1000x128xf32>
    %add3A_23 = arith.addf %get3A_17, %get3A_22 : vector<1000x128xf32>
    %get3A_24 = arith.constant 0 : index
    %get3A_25 = arith.constant 0 : index
    %get3A_26 = vector.load %arg3[%get3A_24, %get3A_25] : memref<1000x128xf32, #tpu.memory_space<vmem>>, vector<1000x128xf32>
    %add3A_27 = arith.addf %add3A_23, %get3A_26 : vector<1000x128xf32>
    %mul3A = vector.broadcast %rsqrt3A : vector<1000x1xf32> to vector<1000x128xf32>
    %mul3A_28 = arith.mulf %add3A_27, %mul3A : vector<1000x128xf32>
    %get3A_29 = arith.constant 0 : index
    %get3A_30 = arith.constant 0 : index
    %get3A_31 = vector.load %arg6[%get3A_29, %get3A_30] : memref<1x128xf32, #tpu.memory_space<vmem>>, vector<1x128xf32>
    %add3A_32 = vector.broadcast %get3A_31 : vector<1x128xf32> to vector<1000x128xf32>
    %add3A_33 = arith.addf %mul3A_28, %add3A_32 : vector<1000x128xf32>
    %swap3A = arith.constant 0 : index
    %swap3A_34 = arith.constant 0 : index
    %swap3A_35 = vector.load %arg7[%swap3A, %swap3A_34] : memref<1000x128xf32, #tpu.memory_space<vmem>>, vector<1000x128xf32>
    tpu.vector_store %arg7[%swap3A, %swap3A_34], %add3A_33 {strides = array<i32>} : memref<1000x128xf32, #tpu.memory_space<vmem>>, vector<1000x128xf32>,
    return
  }
  func.func @transform_0(%arg0: i32) -> (i32, i32, i32) {
    %c0_i32 = arith.constant 0 : i32
    %c0_i32_0 = arith.constant 0 : i32
    %c0_i32_1 = arith.constant 0 : i32
    return %c0_i32, %arg0, %c0_i32_0 : i32, i32, i32
  }
  func.func @transform_1(%arg0: i32) -> (i32, i32, i32) {
    %c1_i32 = arith.constant 1 : i32
    %c0_i32 = arith.constant 0 : i32
    %c0_i32_0 = arith.constant 0 : i32
    return %c1_i32, %arg0, %c0_i32 : i32, i32, i32
  }
  func.func @transform_2(%arg0: i32) -> (i32, i32) {
    %c0_i32 = arith.constant 0 : i32
    %c0_i32_0 = arith.constant 0 : i32
    return %arg0, %c0_i32 : i32, i32
  }
  func.func @transform_3(%arg0: i32) -> (i32, i32, i32) {
    %c0_i32 = arith.constant 0 : i32
    %c0_i32_0 = arith.constant 0 : i32
    %c0_i32_1 = arith.constant 0 : i32
    return %c0_i32, %arg0, %c0_i32_0 : i32, i32, i32
  }
  func.func @transform_4(%arg0: i32) -> (i32, i32, i32) {
    %c1_i32 = arith.constant 1 : i32
    %c0_i32 = arith.constant 0 : i32
    %c0_i32_0 = arith.constant 0 : i32
    return %c1_i32, %arg0, %c0_i32 : i32, i32, i32
  }
  func.func @transform_5(%arg0: i32) -> (i32, i32) {
    %c0_i32 = arith.constant 0 : i32
    %c0_i32_0 = arith.constant 0 : i32
    %c0_i32_1 = arith.constant 0 : i32
    return %c0_i32, %c0_i32_0 : i32, i32
  }
  func.func @transform_6(%arg0: i32) -> (i32, i32) {
    %c0_i32 = arith.constant 0 : i32
    %c0_i32_0 = arith.constant 0 : i32
    return %arg0, %c0_i32 : i32, i32
  }
}

</mosaic_0001>

<sc_bundles>
// kernel: kernel.11.cloned.1.call-start
scs
__scs_entry_jumppad:
0x0: {  	(pc) =	sbr.rel $0x88, $3  }
0x1: {  	(tag) =	ssettag $0x0;
	lr =	simm.s32 $0x1  }
0x2: {  	[smem:$0x3F9B] =	sst lr;
	_ =	strace $0xD0000000  }
0x3: {  	_ = 	snop  }
0x4: {  	_ = 	snop  }
0x5: {  	_ = 	snop  }
0x6: {  	_ = 	snop  }
0x7: {  	_ = 	snop  }
__scs_overlays_trampoline_lowered:
0x8: {  	[smem:$0x3FAA] =	sst s0  }
0x9: {  	[smem:$0x3FAB] =	sst s1  }
0xa: {  	[smem:$0x3FAC] =	sst s2  }
0xb: {  	[smem:$0x3FAD] =	sst s3  }
0xc: {  	[smem:$0x3FAE] =	sst s4  }
0xd: {  	[smem:$0x3FAF] =	sst s5  }
0xe: {  	[smem:$0x3FB0] =	sst s6  }
0xf: {  	[smem:$0x3FB1] =	sst s7  }
0x10: {  	[smem:$0x3FB2] =	sst s8  }
0x11: {  	[smem:$0x3FB3] =	sst s9;
	s0 =	simm.s32 @!p0 $0x0  }
0x12: {  	s1 =	sld [smem:$0x3F99];
	s0 =	simm.s32 @p0 $0x1  }
0x13: {  	[smem:$0x3FB4] =	sst s0;
	s0 =	simm.s32 @!p1 $0x0  }
0x14: {  	s2 =	sld [smem:$0x3F98];
	s0 =	simm.s32 @p1 $0x1  }
0x15: {  	[smem:$0x3FB5] =	sst s0;
	s0 =	simm.s32 @!p2 $0x0  }
0x16: {  	s3 =	sld [smem:$0x3FDB];
	s0 =	simm.s32 @p2 $0x1  }
0x17: {  	s4 =	simm.s32 $0x1BF5;
	[smem:$0x3FB7] =	sst s0  }
0x18: {  	s0 =	sld [smem:$0x3F9A];
	_ =	swait.ge [sflag:s4], $0x0  }
0x19: {  	s7 =	sld [smem:$0x3F9B]  }
0x1a: {  	s8 =	sadd.s32 $0xFFFFE003, lr  }
0x1b: {  	s9 =	sadd.s32 $0xFFFFFEF7, lr;
	s5 =	simm.s32 $0xFFFFFFFF;
	p2 =	slt.u32 s8, $0xFFFFF086  }
0x1c: {  	p1 =	slt.u32 s9, $0xF7A;
	s5 =	simm.s32 @!p2 $0x0  }
0x1d: {  	s5 =	simm.s32 @p1 $0x1;
	p0 =	seq.s32 s7, s2  }
0x1e: {  	s7 =	smul.u32 @!p0 $0xF7A, s2;
	p2 =	seq.s32 @!p0 s5, $0x0  }
0x1f: {  	s9 =	smul.u32 $0xF7A, s1;
	s8 =	simm.s32 @!p0 $0x1BF5;
	p2 =	por !p2, p0  }
0x20: {  	[sflag:s8] =	ssyncset.s32 @!p0 $0xFFFFF086;
	s6 =	sadd.s32 @!p0 s3, s7;
	s7 =	simm.s32 @!p0 $0x108  }
0x21: {  	s3 =	sadd.s32 s3, s9;
	s6 =	sadd.s32 @!p0 $0x88, s6;
	s7 =	simm.s32 @p2 $0x1082  }
0x22: {  	[simem:s7], [sflag:s8] =	dma.local @!p0 [hbm:s6], $0xF7A  }
0x23: {  	s9 =	sor.u32 $0xD0000000, s2;
	s6 =	simm.s32 $0x108;
	_ =	swait.ge @!p0 [sflag:s8], $0x0  }
0x24: {  	s3 =	sadd.s32 $0x88, s3;
	s6 =	simm.s32 @!p1 $0x1082;
	[sflag:s4] =	ssyncset.s32 $0xFFFFF086  }
0x25: {  	[simem:s6], [sflag:s4] =	dma.local [hbm:s3], $0xF7A  }
0x26: {  	[smem:$0x3F9B] =	sst s1;
	(tag) =	ssettag s2;
	_ =	strace s9  }
0x27: {  	s1 =	sld [smem:$0x3FAB]  }
0x28: {  	s2 =	sld [smem:$0x3FAC]  }
0x29: {  	s4 =	sld [smem:$0x3FAE]  }
0x2a: {  	p0 =	seq.s32 s5, $0x0;
	s5 =	sld [smem:$0x3FAF]  }
0x2b: {  	s6 =	sld [smem:$0x3FB0]  }
0x2c: {  	s7 =	sld [smem:$0x3FB1]  }
0x2d: {  	s3 =	simm.s32 $0x108;
	s8 =	sld [smem:$0x3FB2]  }
0x2e: {  	s3 =	simm.s32 @!p0 $0x1082;
	s9 =	sld [smem:$0x3FB3]  }
0x2f: {  	lr =	sadd.s32 s0, s3;
	s0 =	sld [smem:$0x3FAA]  }
0x30: {  	s3 =	sld [smem:$0x3FAD]  }
0x31: {  	[smem:$0x3FB6] =	sst s10  }
0x32: {  	s10 =	sld [smem:$0x3FB4];
	_ =	sdelay $0x3  }
0x33: {  	p0 =	seq.s32 s10, $0x1;
	s10 =	sld [smem:$0x3FB6];
	_ =	sdelay $0x3  }
0x34: {  	[smem:$0x3FB6] =	sst s10  }
0x35: {  	s10 =	sld [smem:$0x3FB5];
	_ =	sdelay $0x3  }
0x36: {  	p1 =	seq.s32 s10, $0x1;
	s10 =	sld [smem:$0x3FB6];
	_ =	sdelay $0x3  }
0x37: {  	[smem:$0x3FB6] =	sst s10  }
0x38: {  	s10 =	sld [smem:$0x3FB7]  }
0x39: {  	_ = 	snop;
	(pc) =	sbr.ind lr, $3  }
0x3a: {  	_ = 	snop  }
0x3b: {  	_ = 	snop  }
0x3c: {  	p2 =	seq.s32 s10, $0x1;
	s10 =	sld [smem:$0x3FB6]  }
0x3d: {  	_ =	shalt  }
0x3e: {  	_ =	shalt  }
0x3f: {  	_ =	shalt  }
0x40: {  	_ =	shalt  }
0x41: {  	_ =	shalt  }
0x42: {  	_ =	shalt  }
0x43: {  	_ =	shalt  }
0x44: {  	_ =	shalt  }
0x45: {  	_ =	shalt  }
0x46: {  	_ =	shalt  }
0x47: {  	_ =	shalt  }
0x48: {  	_ =	shalt  }
0x49: {  	_ =	shalt  }
0x4a: {  	_ =	shalt  }
0x4b: {  	_ =	shalt  }
0x4c: {  	_ =	shalt  }
0x4d: {  	_ =	shalt  }
0x4e: {  	_ =	shalt  }
0x4f: {  	_ =	shalt  }
0x50: {  	_ =	shalt  }
0x51: {  	_ =	shalt  }
0x52: {  	_ =	shalt  }
0x53: {  	_ =	shalt  }
0x54: {  	_ =	shalt  }
0x55: {  	_ =	shalt  }
0x56: {  	_ =	shalt  }
0x57: {  	_ =	shalt  }
0x58: {  	_ =	shalt  }
0x59: {  	_ =	shalt  }
0x5a: {  	_ =	shalt  }
0x5b: {  	_ =	shalt  }
0x5c: {  	_ =	shalt  }
0x5d: {  	_ =	shalt  }
0x5e: {  	_ =	shalt  }
0x5f: {  	_ =	shalt  }
0x60: {  	_ =	shalt  }
0x61: {  	_ =	shalt  }
0x62: {  	_ =	shalt  }
0x63: {  	_ =	shalt  }
0x64: {  	_ =	shalt  }
0x65: {  	_ =	shalt  }
0x66: {  	_ =	shalt  }
0x67: {  	_ =	shalt  }
0x68: {  	_ =	shalt  }
0x69: {  	_ =	shalt  }
0x6a: {  	_ =	shalt  }
0x6b: {  	_ =	shalt  }
0x6c: {  	_ =	shalt  }
0x6d: {  	_ =	shalt  }
0x6e: {  	_ =	shalt  }
0x6f: {  	_ =	shalt  }
0x70: {  	_ =	shalt  }
0x71: {  	_ =	shalt  }
0x72: {  	_ =	shalt  }
0x73: {  	_ =	shalt  }
0x74: {  	_ =	shalt  }
0x75: {  	_ =	shalt  }
0x76: {  	_ =	shalt  }
0x77: {  	_ =	shalt  }
0x78: {  	_ =	shalt  }
0x79: {  	_ =	shalt  }
0x7a: {  	_ =	shalt  }
0x7b: {  	_ =	shalt  }
0x7c: {  	_ =	shalt  }
0x7d: {  	_ =	shalt  }
0x7e: {  	_ =	shalt  }
0x7f: {  	_ =	shalt  }
0x80: {  	_ =	shalt  }
0x81: {  	_ =	shalt  }
0x82: {  	_ =	shalt  }
0x83: {  	_ =	shalt  }
0x84: {  	_ =	shalt  }
0x85: {  	_ =	shalt  }
0x86: {  	_ =	shalt  }
0x87: {  	_ =	shalt  }
.Lfunc_end0:
.L_simem_size_0:
called_computation.1_lowered:
.L_overlay_start_0:
0x88: {  	s2 =	sld [smem:$0x3FD9]  }
0x89: {  	s3 =	sld [smem:$0x3FFE];
	_ =	sdelay $0x1  }
0x8a: {  	s1 =	srdreg.scid  }
0x8b: {  	s0 =	sand.u32 $0x1, s1  }
0x8c: {  	s17 =	sshll.u32 s0, $0xA;
	s2 =	sadd.s32 s3, s2  }
0x8d: {  	s2 =	sadd.s32 s2, s17  }
0x8e: {  	[smem:$0x3FC2] =	sst s2  }
0x8f: {  	_ = 	snop  }
0x90: {  	s2 =	sld [smem:$0x3FD0];
	(tm) =	ssettm $0x1  }
0x91: {  	s18 =	sld [smem:$0x3FFB];
	_ =	sdelay $0x3  }
0x92: {  	_ =	strace s18  }
0x93: {  	s3 =	sld [smem:$0x3FFC];
	_ =	sdelay $0x3  }
0x94: {  	_ =	strace s3  }
0x95: {  	s3 =	sld [smem:$0x3FFD];
	_ =	sdelay $0x3  }
0x96: {  	_ =	strace s3  }
0x97: {  	_ =	strace $0x8FFFFFFF  }
0x98: {  	s19 =	sld [smem:$0x3FDB];
	_ =	sdelay $0x1  }
0x99: {  	s4 =	simm.s32 $_scs_section_size  }
0x9a: {  	s5 =	simm.s32 $_size__tile_overlayer_lowered;
	s6 =	simm.s32 $_tile_overlayer_lowered  }
0x9b: {  	s22 =	simm.s32 $0x1BFF;
	s21 =	sshll.u32 s6, $0x1;
	s3 =	sadd.s32 s4, s19  }
0x9c: {  	s7 =	simm.s32 $0x0;
	s20 =	sshll.u32 s5, $0x1;
	s5 =	sadd.s32 s21, s3  }
0x9d: {  	[timem:s7], [sflag:s22] =	dma.local [hbm:s5], s20  }
0x9e: {  	_ =	swait.ge [sflag:s22], s20  }
0x9f: {  	s4 =	ssub.s32 $0x0, s20;
	[sflag:s22] =	ssyncset.done $0x0  }
0xa0: {  	[sflag:s22] =	ssyncadd.s32 s4;
	_ =	sdelay $0x1  }
0xa1: {  	s23 =	simm.s32 $0x1B8B  }
0xa2: {  	_ =	swait.ge [sflag:s23], $0x1  }
0xa3: {  	[sflag:s23] =	ssyncset.done $0x0  }
0xa4: {  	s25 =	simm.s32 $0x1B8E;
	s24 =	sld [smem:$0x3FFE];
	[sflag:s23] =	ssyncadd.s32 $0xFFFFFFFF  }
0xa5: {  	s26 =	simm.s32 $execute0_lowered;
	[smem:$0x3FD2] =	sst s25  }
0xa6: {  	s5 =	sshll.u32 s26, $0x1;
	_ =	strace $0x80000049;
	[dreg:$0x1] =	wrdreg $0xFFFFFFFF  }
0xa7: {  	s28 =	simm.s32 $_size_execute0_lowered;
	s3 =	sadd.s32 s3, s5;
	[dreg:$0x0] =	wrdreg $0x0  }
0xa8: {  	s5 =	sshll.u32 s28, $0x1;
	[dreg:$0x2] =	wrdreg s3  }
0xa9: {  	[dreg:$0x3] =	wrdreg s5  }
0xaa: {  	[dreg:$0x4] =	wrdreg $0xC0  }
0xab: {  	_ =	task [dreg:s7], $0x5FFFF  }
0xac: {  	[dreg:$0x1] =	wrdreg $0xFFFFFFFF  }
0xad: {  	[dreg:$0x0] =	wrdreg $0x60  }
0xae: {  	[dreg:$0x2] =	wrdreg s2  }
0xaf: {  	[dreg:$0x3] =	wrdreg s24  }
0xb0: {  	[dreg:$0x4] =	wrdreg $0x90000  }
0xb1: {  	[dreg:$0x5] =	wrdreg $0x9  }
0xb2: {  	_ =	task.clear_ibuf [dreg:s7], $0x6FFFF;
	_ =	strace $0x90000049  }
0xb3: {  	s29 =	simm.s32 $0x9;
	_ =	strace $0x8000004B  }
0xb4: {  	_ =	swait.ge [sflag:s29], $0x1  }
0xb5: {  	[sflag:s29] =	ssyncadd.s32 $0xFFFFFFFF  }
0xb6: {  	_ =	strace $0x9000004B  }
0xb7: {  	_ =	sfence  }
0xb8: {  	s30 =	sld [smem:$0x0];
	_ =	sdelay $0x2  }
0xb9: {  	s31 =	sshll.u32 s1, $0xD;
	s1 =	sshrl.u32 s1, $0x2  }
0xba: {  	s3 =	sand.u32 $0x4000, s31;
	s1 =	sadd.s32 s1, s30  }
0xbb: {  	s0 =	sor.u32 s3, s0;
	s1 =	sshll.u32 s1, $0x11  }
0xbc: {  	s0 =	sor.u32 s1, s0  }
0xbd: {  	s0 =	sadd.s32 $0x8F2B, s0  }
0xbe: {  	[sflag:s0] =	ssyncadd.remote.s32 $0x1  }
0xbf: {  	_ =	sfence.sel $0xFFFF  }
0xc0: {  	[dreg:$0x0] =	wrdreg $0xFFFFFFFF;
	(pc) =	sbr.abs _section_cstart, $3  }
0xc1: {  	[dreg:$0x1] =	wrdreg $0xFFFFFFFF  }
0xc2: {  	_ =	task.clear_ibuf [dreg:s7], $0x2FFFF;
	_ =	strace $0x9FFFFFFF  }
0xc3: {  	(tm) =	ssettm $0x7FFFFFFF  }
tec
execute0_lowered:
.L_overlay_start_1:
0x0: {  	(tag) =	ssettag $0x1  }
0x1: {  	s0 =	rddreg [dreg:$0x0]  }
0x2: {  	s3 =	rddreg [dreg:$0x1]  }
0x3: {  	s1 =	rddreg [dreg:$0x2];
	s2 =	simm.s32 $0x0;
	s4 =	srdreg.scid  }
0x4: {  	s15 =	stileid.u32;
	s28 =	simm.s32 $0x4000;
	s29 =	simm.s32 $0x3  }
0x5: {  	s30 =	simm.s32 $0x2000;
	s31 =	simm.s32 $0x50;
	[smem:$0x7FF] =	sst s2  }
0x6: {  	s5 =	sadd.s32 $0x62800, s3;
	s4 =	sand.u32 $0x1, s4;
	s6 =	sadd.s32 $0x2200, s3  }
0x7: {  	s10 =	sshll.u32 s15, $0xB;
	s14 =	sadd.s32 $0x72800, s3;
	s11 =	smul.u32 $0x14000, s15  }
0x8: {  	s7 =	ssub.s32 $0x2, s4;
	s9 =	sshll.u32 s4, $0xF;
	s4 =	smul.u32 $0x140000, s4  }
0x9: {  	s8 =	sshrl.u32 s7, $0x1;
	s26 =	sor.u32 s10, s9;
	s24 =	sadd.s32 $0xC800, s11  }
0xa: {  	s25 =	sadd.s32 $0xF000, s11;
	s7 =	ssub.s32 s7, s8;
	s9 =	sadd.s32 s5, s26  }
0xb: {  	s10 =	sor.u32 $0x400, s26;
	s8 =	sadd.s32 s6, s26;
	s26 =	sadd.s32 $0x11800, s11  }
0xc: {  	s22 =	sadd.s32 s4, s25;
	s25 =	sadd.s32 s25, s1;
	[dreg:$0x4] =	wrdreg s9  }
0xd: {  	[dreg:$0x5] =	wrdreg s8;
	s5 =	sadd.s32 s5, s10;
	s12 =	sadd.s32 s6, s10  }
0xe: {  	s6 =	sadd.s32 $0x5000, s11;
	s8 =	sadd.s32 $0x7800, s11;
	[dreg:$0x6] =	wrdreg s5  }
0xf: {  	s9 =	sadd.s32 $0xA000, s11;
	s10 =	sadd.s32 s4, s11;
	[dreg:$0x7] =	wrdreg s12  }
0x10: {  	s5 =	sor.u32 $0x2800, s11;
	s10 =	sshrl.u32 s10, $0x3;
	s12 =	sadd.s32 s4, s6  }
0x11: {  	s18 =	sadd.s32 s4, s8;
	s19 =	sadd.s32 s4, s9;
	s11 =	sadd.s32 s4, s5  }
0x12: {  	s10 =	sadd.s32 s14, s10;
	s16 =	sshrl.u32 s12, $0x3;
	s20 =	sshrl.u32 s19, $0x3  }
0x13: {  	s19 =	smax.u32 s7, $0x1;
	s7 =	simm.s32 $0x3F80;
	s13 =	sshrl.u32 s11, $0x3  }
0x14: {  	[dreg:$0x8] =	wrdreg s10;
	s17 =	sadd.s32 s14, s16;
	s10 =	sadd.s32 s14, s13  }
0x15: {  	[dreg:$0xa] =	wrdreg s17;
	s13 =	sadd.s32 s4, s24;
	s4 =	sadd.s32 s4, s26  }
0x16: {  	s17 =	smul.u32 $0x50000, s15;
	s24 =	sadd.s32 s24, s1;
	s26 =	sadd.s32 s26, s1  }
0x17: {  	[dreg:$0x9] =	wrdreg s10;
	s10 =	sshrl.u32 s18, $0x3;
	s13 =	sshrl.u32 s13, $0x3  }
0x18: {  	s4 =	sshrl.u32 s4, $0x3;
	s10 =	sadd.s32 s14, s10;
	s21 =	sadd.s32 s14, s13  }
0x19: {  	s16 =	sadd.s32 s14, s4;
	s23 =	sshrl.u32 s17, $0x2;
	s17 =	sadd.s32 $0x12200, s3  }
0x1a: {  	s3 =	simm.s32 $0x1;
	s4 =	simm.s32 $0x2;
	[dreg:$0xb] =	wrdreg s10  }
0x1b: {  	s10 =	sadd.s32 s14, s20;
	[dreg:$0xd] =	wrdreg s21;
	s18 =	sadd.s32 s23, s1  }
0x1c: {  	s20 =	sadd.s32 s5, s1;
	s21 =	sadd.s32 s6, s1;
	s23 =	sadd.s32 s9, s1  }
0x1d: {  	s5 =	simm.s32 $0x1F80;
	s6 =	simm.s32 $0x3F00;
	[dreg:$0xc] =	wrdreg s10  }
0x1e: {  	s10 =	sshrl.u32 s22, $0x3;
	s22 =	sadd.s32 s8, s1;
	s8 =	simm.s32 $0x0  }
0x1f: {  	s15 =	sadd.s32 s14, s10;
	_ =	strace $0x8000004A;
	s14 =	simm.s32 $0x6800  }
.LBB2_1:
0x20: {  	[tilespmem:s28], [sflag:$0x3] =	stream.linear.gather [hbm4b:s17+s2], $0x2800, $0x38;
	[tilespmem:$0x1D000] =	vst v63  }
0x21: {  	_ =	swait.ge [sflag:s29], $0x2800  }
0x22: {  	[sflag:s29] =	ssyncset.done $0x0  }
0x23: {  	[sflag:s29] =	ssyncadd.s32 $0xFFFFD800  }
0x24: {  	[spmem:s18] =	stream.linear.scatter [tilespmem:s28], [sflag:$0x3], $0x2800, $0x38;
	[tilespmem:$0x1D000] =	vst v63  }
0x25: {  	_ =	swait.ge [sflag:s29], $0x2800  }
0x26: {  	[sflag:s29] =	ssyncset.done $0x0  }
0x27: {  	[sflag:s29] =	ssyncadd.s32 $0xFFFFD800  }
0x28: {  	[spmem:s20] =	stream.linear.scatter [tilespmem:s28], [sflag:$0x3], $0x2800, $0x38;
	[tilespmem:$0x1D000] =	vst v63  }
0x29: {  	_ =	swait.ge [sflag:s29], $0x2800  }
0x2a: {  	[sflag:s29] =	ssyncset.done $0x0  }
0x2b: {  	[sflag:s29] =	ssyncadd.s32 $0xFFFFD800  }
0x2c: {  	[spmem:s21] =	stream.linear.scatter [tilespmem:s28], [sflag:$0x3], $0x2800, $0x38;
	[tilespmem:$0x1D000] =	vst v63  }
0x2d: {  	_ =	swait.ge [sflag:s29], $0x2800  }
0x2e: {  	[sflag:s29] =	ssyncset.done $0x0  }
0x2f: {  	[sflag:s29] =	ssyncadd.s32 $0xFFFFD800  }
0x30: {  	[spmem:s22] =	stream.linear.scatter [tilespmem:s28], [sflag:$0x3], $0x2800, $0x38;
	[tilespmem:$0x1D000] =	vst v63  }
0x31: {  	_ =	swait.ge [sflag:s29], $0x2800  }
0x32: {  	[sflag:s29] =	ssyncset.done $0x0  }
0x33: {  	[sflag:s29] =	ssyncadd.s32 $0xFFFFD800  }
0x34: {  	[spmem:s23] =	stream.linear.scatter [tilespmem:s28], [sflag:$0x3], $0x2800, $0x38;
	[tilespmem:$0x1D000] =	vst v63  }
0x35: {  	_ =	swait.ge [sflag:s29], $0x2800  }
0x36: {  	[sflag:s29] =	ssyncset.done $0x0  }
0x37: {  	[sflag:s29] =	ssyncadd.s32 $0xFFFFD800  }
0x38: {  	[spmem:s24] =	stream.linear.scatter [tilespmem:s28], [sflag:$0x3], $0x2800, $0x38;
	[tilespmem:$0x1D000] =	vst v63  }
0x39: {  	_ =	swait.ge [sflag:s29], $0x2800  }
0x3a: {  	[sflag:s29] =	ssyncset.done $0x0  }
0x3b: {  	[sflag:s29] =	ssyncadd.s32 $0xFFFFD800  }
0x3c: {  	[spmem:s25] =	stream.linear.scatter [tilespmem:s28], [sflag:$0x3], $0x2800, $0x38;
	[tilespmem:$0x1D000] =	vst v63  }
0x3d: {  	_ =	swait.ge [sflag:s29], $0x2800  }
0x3e: {  	[sflag:s29] =	ssyncset.done $0x0  }
0x3f: {  	[sflag:s29] =	ssyncadd.s32 $0xFFFFD800  }
0x40: {  	[spmem:s26] =	stream.linear.scatter [tilespmem:s28], [sflag:$0x3], $0x2800, $0x38;
	[tilespmem:$0x1D000] =	vst v63  }
0x41: {  	_ =	swait.ge [sflag:s29], $0x2800  }
0x42: {  	[sflag:s29] =	ssyncset.done $0x0  }
0x43: {  	[sflag:s29] =	ssyncadd.s32 $0xFFFFD800  }
0x44: {  	[bflag:$0x0] =	sbarrier.arrive $0xFFFF  }
0x45: {  	s9 =	rddreg [dreg:$0x4]  }
0x46: {  	[tilespmem:s2], [sflag:$0x3] =	stream.linear.gather [hbm4b:s9+s2], $0x2000, $0x38;
	[tilespmem:$0x1D000] =	vst v63  }
0x47: {  	_ =	swait.ge [sflag:s29], $0x2000  }
0x48: {  	[sflag:s29] =	ssyncset.done $0x0  }
0x49: {  	s13 =	rddreg [dreg:$0x5];
	[sflag:s29] =	ssyncadd.s32 $0xFFFFE000  }
0x4a: {  	[tilespmem:s30], [sflag:$0x3] =	stream.linear.gather [hbm4b:s13+s2], $0x2000, $0x38;
	[tilespmem:$0x1D000] =	vst v63  }
0x4b: {  	_ =	swait.ge [sflag:s29], $0x2000  }
0x4c: {  	[sflag:s29] =	ssyncset.done $0x0  }
0x4d: {  	[sflag:s29] =	ssyncadd.s32 $0xFFFFE000  }
0x4e: {  	[tilespmem:s28], [sflag:$0x1] =	stream.indirect.gather [hbm4b:s0+s31], $0x80, s2, s31, $0xb8;
	[tilespmem:$0x1D000] =	vst v63  }
0x4f: {  	s10 =	simm.s32 $0x80  }
0x50: {  	[tilespmem:s14], [sflag:$0x2] =	stream.indirect.gather [hbm4b:s0+s31], $0x80, s10, s31, $0xb8;
	[tilespmem:$0x1D000] =	vst v63  }
0x51: {  	_ =	swait.ge [sflag:s3], $0x2800  }
0x52: {  	[sflag:s3] =	ssyncset.done $0x0  }
0x53: {  	s11 =	simm.s32 $0x2000;
	[sflag:s3] =	ssyncadd.s32 $0xFFFFD800  }
0x54: {  	[spmem:s1] =	stream.indirect.scatter.add.f32 [tilespmem:s28], [sflag:$0x3], $0x80, s11, s31, $0xb8;
	[tilespmem:$0x1D000] =	vst v63  }
0x55: {  	_ =	swait.ge [sflag:s29], $0x2800  }
0x56: {  	[sflag:s29] =	ssyncset.done $0x0  }
0x57: {  	s12 =	simm.s32 $0x100;
	[sflag:s29] =	ssyncadd.s32 $0xFFFFD800  }
0x58: {  	[tilespmem:s28], [sflag:$0x1] =	stream.indirect.gather [hbm4b:s0+s31], $0x80, s12, s31, $0xb8;
	[tilespmem:$0x1D000] =	vst v63  }
0x59: {  	_ =	swait.ge [sflag:s4], $0x2800  }
0x5a: {  	[sflag:s4] =	ssyncset.done $0x0  }
0x5b: {  	s13 =	simm.s32 $0x2080;
	[sflag:s4] =	ssyncadd.s32 $0xFFFFD800  }
0x5c: {  	[spmem:s1] =	stream.indirect.scatter.add.f32 [tilespmem:s14], [sflag:$0x3], $0x80, s13, s31, $0xb8;
	[tilespmem:$0x1D000] =	vst v63  }
0x5d: {  	_ =	swait.ge [sflag:s29], $0x2800  }
0x5e: {  	s9 =	simm.s32 $0x100;
	s10 =	simm.s32 $0x800;
	[sflag:s29] =	ssyncset.done $0x0  }
.LBB2_2:
0x5f: {  	s11 =	sadd.s32 $0x80, s9  }
0x60: {  	[sflag:s29] =	ssyncadd.s32 $0xFFFFD800;
	s12 =	smov.u32 s10;
	s13 =	sadd.s32 $0x400, s10  }
0x61: {  	[tilespmem:s14], [sflag:$0x2] =	stream.indirect.gather [hbm4b:s0+s31], $0x80, s11, s31, $0xb8;
	[tilespmem:$0x1D000] =	vst v63  }
0x62: {  	p0 =	sne.s32 s10, $0x7800;
	_ =	swait.ge [sflag:s3], $0x2800  }
0x63: {  	[sflag:s3] =	ssyncset.done $0x0  }
0x64: {  	s10 =	sadd.s32 $0x2000, s9;
	[sflag:s3] =	ssyncadd.s32 $0xFFFFD800  }
0x65: {  	[spmem:s1] =	stream.indirect.scatter.add.f32 [tilespmem:s28], [sflag:$0x3], $0x80, s10, s31, $0xb8;
	[tilespmem:$0x1D000] =	vst v63  }
0x66: {  	_ =	swait.ge [sflag:s29], $0x2800  }
0x67: {  	[sflag:s29] =	ssyncset.done $0x0  }
0x68: {  	s10 =	sadd.s32 $0x100, s9;
	[sflag:s29] =	ssyncadd.s32 $0xFFFFD800  }
0x69: {  	[tilespmem:s28], [sflag:$0x1] =	stream.indirect.gather [hbm4b:s0+s31], $0x80, s10, s31, $0xb8;
	[tilespmem:$0x1D000] =	vst v63  }
0x6a: {  	_ =	swait.ge [sflag:s4], $0x2800  }
.Ltmp0:
0x6b: {  	[sflag:s4] =	ssyncset.done $0x0;
	(pc) =	sbr.rel @p0 .LBB2_2-.Ltmp0, $4  }
0x6c: {  	s9 =	sadd.s32 $0x2080, s9;
	[sflag:s4] =	ssyncadd.s32 $0xFFFFD800  }
0x6d: {  	[spmem:s1] =	stream.indirect.scatter.add.f32 [tilespmem:s14], [sflag:$0x3], $0x80, s9, s31, $0xb8;
	[tilespmem:$0x1D000] =	vst v63  }
0x6e: {  	_ =	swait.ge [sflag:s29], $0x2800  }
0x6f: {  	s10 =	smov.u32 s13;
	s9 =	sshra.s32 s12, $0x2;
	[sflag:s29] =	ssyncset.done $0x0  }
0x70: {  	s10 =	sadd.s32 $0x80, s9;
	[sflag:s29] =	ssyncadd.s32 $0xFFFFD800  }
0x71: {  	[tilespmem:s14], [sflag:$0x2] =	stream.indirect.gather [hbm4b:s0+s31], $0x80, s10, s31, $0xb8;
	[tilespmem:$0x1D000] =	vst v63  }
0x72: {  	_ =	swait.ge [sflag:s3], $0x2800  }
0x73: {  	[sflag:s3] =	ssyncset.done $0x0  }
0x74: {  	s12 =	sadd.s32 $0x2000, s9;
	[sflag:s3] =	ssyncadd.s32 $0xFFFFD800  }
0x75: {  	[spmem:s1] =	stream.indirect.scatter.add.f32 [tilespmem:s28], [sflag:$0x3], $0x80, s12, s31, $0xb8;
	[tilespmem:$0x1D000] =	vst v63  }
0x76: {  	_ =	swait.ge [sflag:s29], $0x2800  }
0x77: {  	[sflag:s29] =	ssyncset.done $0x0  }
0x78: {  	s13 =	sadd.s32 $0x100, s9;
	[sflag:s29] =	ssyncadd.s32 $0xFFFFD800  }
0x79: {  	[tilespmem:s28], [sflag:$0x1] =	stream.indirect.gather [hbm4b:s0+s31], $0x80, s13, s31, $0xb8;
	[tilespmem:$0x1D000] =	vst v63  }
0x7a: {  	_ =	swait.ge [sflag:s4], $0x2800  }
0x7b: {  	[sflag:s4] =	ssyncset.done $0x0  }
0x7c: {  	s10 =	sadd.s32 $0x2080, s9;
	[sflag:s4] =	ssyncadd.s32 $0xFFFFD800  }
0x7d: {  	[spmem:s1] =	stream.indirect.scatter.add.f32 [tilespmem:s14], [sflag:$0x3], $0x80, s10, s31, $0xb8;
	[tilespmem:$0x1D000] =	vst v63  }
0x7e: {  	_ =	swait.ge [sflag:s29], $0x2800  }
0x7f: {  	[sflag:s29] =	ssyncset.done $0x0  }
0x80: {  	[sflag:s29] =	ssyncadd.s32 $0xFFFFD800  }
0x81: {  	[tilespmem:s14], [sflag:$0x2] =	stream.indirect.gather [hbm4b:s0+s31], $0x80, s5, s31, $0xb8;
	[tilespmem:$0x1D000] =	vst v63  }
0x82: {  	_ =	swait.ge [sflag:s3], $0x2800  }
0x83: {  	[sflag:s3] =	ssyncset.done $0x0  }
0x84: {  	[sflag:s3] =	ssyncadd.s32 $0xFFFFD800  }
0x85: {  	[spmem:s1] =	stream.indirect.scatter.add.f32 [tilespmem:s28], [sflag:$0x3], $0x80, s6, s31, $0xb8;
	[tilespmem:$0x1D000] =	vst v63  }
0x86: {  	_ =	swait.ge [sflag:s29], $0x2800  }
0x87: {  	[sflag:s29] =	ssyncset.done $0x0  }
0x88: {  	[sflag:s29] =	ssyncadd.s32 $0xFFFFD800  }
0x89: {  	_ =	swait.ge [sflag:s4], $0x2800  }
0x8a: {  	[sflag:s4] =	ssyncset.done $0x0  }
0x8b: {  	[sflag:s4] =	ssyncadd.s32 $0xFFFFD800  }
0x8c: {  	[spmem:s1] =	stream.indirect.scatter.add.f32 [tilespmem:s14], [sflag:$0x3], $0x80, s7, s31, $0xb8;
	[tilespmem:$0x1D000] =	vst v63  }
0x8d: {  	_ =	swait.ge [sflag:s29], $0x2800  }
0x8e: {  	[sflag:s29] =	ssyncset.done $0x0  }
0x8f: {  	s11 =	simm.s32 $0x0;
	s12 =	rddreg [dreg:$0x6];
	[sflag:s29] =	ssyncadd.s32 $0xFFFFD800  }
0x90: {  	[tilespmem:s11], [sflag:$0x3] =	stream.linear.gather [hbm4b:s12+s11], $0x2000, $0x38;
	[tilespmem:$0x1D000] =	vst v63  }
0x91: {  	_ =	swait.ge [sflag:s29], $0x2000  }
0x92: {  	[sflag:s29] =	ssyncset.done $0x0  }
0x93: {  	s13 =	rddreg [dreg:$0x7];
	[sflag:s29] =	ssyncadd.s32 $0xFFFFE000  }
0x94: {  	[tilespmem:s30], [sflag:$0x3] =	stream.linear.gather [hbm4b:s13+s11], $0x2000, $0x38;
	[tilespmem:$0x1D000] =	vst v63  }
0x95: {  	_ =	swait.ge [sflag:s29], $0x2000  }
0x96: {  	[sflag:s29] =	ssyncset.done $0x0  }
0x97: {  	[sflag:s29] =	ssyncadd.s32 $0xFFFFE000  }
0x98: {  	[tilespmem:s28], [sflag:$0x1] =	stream.indirect.gather [hbm4b:s0+s31], $0x80, s11, s31, $0xb8;
	[tilespmem:$0x1D000] =	vst v63  }
0x99: {  	s10 =	simm.s32 $0x80  }
0x9a: {  	[tilespmem:s14], [sflag:$0x2] =	stream.indirect.gather [hbm4b:s0+s31], $0x80, s10, s31, $0xb8;
	[tilespmem:$0x1D000] =	vst v63  }
0x9b: {  	_ =	swait.ge [sflag:s3], $0x2800  }
0x9c: {  	[sflag:s3] =	ssyncset.done $0x0  }
0x9d: {  	s11 =	simm.s32 $0x2000;
	[sflag:s3] =	ssyncadd.s32 $0xFFFFD800  }
0x9e: {  	[spmem:s1] =	stream.indirect.scatter.add.f32 [tilespmem:s28], [sflag:$0x3], $0x80, s11, s31, $0xb8;
	[tilespmem:$0x1D000] =	vst v63  }
0x9f: {  	_ =	swait.ge [sflag:s29], $0x2800  }
0xa0: {  	[sflag:s29] =	ssyncset.done $0x0  }
0xa1: {  	s12 =	simm.s32 $0x100;
	[sflag:s29] =	ssyncadd.s32 $0xFFFFD800  }
0xa2: {  	[tilespmem:s28], [sflag:$0x1] =	stream.indirect.gather [hbm4b:s0+s31], $0x80, s12, s31, $0xb8;
	[tilespmem:$0x1D000] =	vst v63  }
0xa3: {  	_ =	swait.ge [sflag:s4], $0x2800  }
0xa4: {  	[sflag:s4] =	ssyncset.done $0x0  }
0xa5: {  	s13 =	simm.s32 $0x2080;
	[sflag:s4] =	ssyncadd.s32 $0xFFFFD800  }
0xa6: {  	[spmem:s1] =	stream.indirect.scatter.add.f32 [tilespmem:s14], [sflag:$0x3], $0x80, s13, s31, $0xb8;
	[tilespmem:$0x1D000] =	vst v63  }
0xa7: {  	_ =	swait.ge [sflag:s29], $0x2800  }
0xa8: {  	s9 =	simm.s32 $0x100;
	s10 =	simm.s32 $0x800;
	[sflag:s29] =	ssyncset.done $0x0  }
.LBB2_4:
0xa9: {  	s11 =	sadd.s32 $0x80, s9  }
0xaa: {  	[sflag:s29] =	ssyncadd.s32 $0xFFFFD800;
	s12 =	smov.u32 s10;
	s13 =	sadd.s32 $0x400, s10  }
0xab: {  	[tilespmem:s14], [sflag:$0x2] =	stream.indirect.gather [hbm4b:s0+s31], $0x80, s11, s31, $0xb8;
	[tilespmem:$0x1D000] =	vst v63  }
0xac: {  	p0 =	sne.s32 s10, $0x7800;
	_ =	swait.ge [sflag:s3], $0x2800  }
0xad: {  	[sflag:s3] =	ssyncset.done $0x0  }
0xae: {  	s10 =	sadd.s32 $0x2000, s9;
	[sflag:s3] =	ssyncadd.s32 $0xFFFFD800  }
0xaf: {  	[spmem:s1] =	stream.indirect.scatter.add.f32 [tilespmem:s28], [sflag:$0x3], $0x80, s10, s31, $0xb8;
	[tilespmem:$0x1D000] =	vst v63  }
0xb0: {  	_ =	swait.ge [sflag:s29], $0x2800  }
0xb1: {  	[sflag:s29] =	ssyncset.done $0x0  }
0xb2: {  	s10 =	sadd.s32 $0x100, s9;
	[sflag:s29] =	ssyncadd.s32 $0xFFFFD800  }
0xb3: {  	[tilespmem:s28], [sflag:$0x1] =	stream.indirect.gather [hbm4b:s0+s31], $0x80, s10, s31, $0xb8;
	[tilespmem:$0x1D000] =	vst v63  }
0xb4: {  	_ =	swait.ge [sflag:s4], $0x2800  }
.Ltmp1:
0xb5: {  	[sflag:s4] =	ssyncset.done $0x0;
	(pc) =	sbr.rel @p0 .LBB2_4-.Ltmp1, $4  }
0xb6: {  	s9 =	sadd.s32 $0x2080, s9;
	[sflag:s4] =	ssyncadd.s32 $0xFFFFD800  }
0xb7: {  	[spmem:s1] =	stream.indirect.scatter.add.f32 [tilespmem:s14], [sflag:$0x3], $0x80, s9, s31, $0xb8;
	[tilespmem:$0x1D000] =	vst v63  }
0xb8: {  	_ =	swait.ge [sflag:s29], $0x2800  }
0xb9: {  	s10 =	smov.u32 s13;
	s9 =	sshra.s32 s12, $0x2;
	[sflag:s29] =	ssyncset.done $0x0  }
0xba: {  	s10 =	sadd.s32 $0x80, s9;
	[sflag:s29] =	ssyncadd.s32 $0xFFFFD800  }
0xbb: {  	[tilespmem:s14], [sflag:$0x2] =	stream.indirect.gather [hbm4b:s0+s31], $0x80, s10, s31, $0xb8;
	[tilespmem:$0x1D000] =	vst v63  }
0xbc: {  	_ =	swait.ge [sflag:s3], $0x2800  }
0xbd: {  	[sflag:s3] =	ssyncset.done $0x0  }
0xbe: {  	s12 =	sadd.s32 $0x2000, s9;
	[sflag:s3] =	ssyncadd.s32 $0xFFFFD800  }
0xbf: {  	[spmem:s1] =	stream.indirect.scatter.add.f32 [tilespmem:s28], [sflag:$0x3], $0x80, s12, s31, $0xb8;
	[tilespmem:$0x1D000] =	vst v63  }
0xc0: {  	_ =	swait.ge [sflag:s29], $0x2800  }
0xc1: {  	[sflag:s29] =	ssyncset.done $0x0  }
0xc2: {  	s13 =	sadd.s32 $0x100, s9;
	[sflag:s29] =	ssyncadd.s32 $0xFFFFD800  }
0xc3: {  	[tilespmem:s28], [sflag:$0x1] =	stream.indirect.gather [hbm4b:s0+s31], $0x80, s13, s31, $0xb8;
	[tilespmem:$0x1D000] =	vst v63  }
0xc4: {  	_ =	swait.ge [sflag:s4], $0x2800  }
0xc5: {  	[sflag:s4] =	ssyncset.done $0x0  }
0xc6: {  	s11 =	sadd.s32 $0x2080, s9;
	[sflag:s4] =	ssyncadd.s32 $0xFFFFD800  }
0xc7: {  	[spmem:s1] =	stream.indirect.scatter.add.f32 [tilespmem:s14], [sflag:$0x3], $0x80, s11, s31, $0xb8;
	[tilespmem:$0x1D000] =	vst v63  }
0xc8: {  	_ =	swait.ge [sflag:s29], $0x2800  }
0xc9: {  	[sflag:s29] =	ssyncset.done $0x0  }
0xca: {  	[sflag:s29] =	ssyncadd.s32 $0xFFFFD800  }
0xcb: {  	[tilespmem:s14], [sflag:$0x2] =	stream.indirect.gather [hbm4b:s0+s31], $0x80, s5, s31, $0xb8;
	[tilespmem:$0x1D000] =	vst v63  }
0xcc: {  	_ =	swait.ge [sflag:s3], $0x2800  }
0xcd: {  	[sflag:s3] =	ssyncset.done $0x0  }
0xce: {  	[sflag:s3] =	ssyncadd.s32 $0xFFFFD800  }
0xcf: {  	[spmem:s1] =	stream.indirect.scatter.add.f32 [tilespmem:s28], [sflag:$0x3], $0x80, s6, s31, $0xb8;
	[tilespmem:$0x1D000] =	vst v63  }
0xd0: {  	_ =	swait.ge [sflag:s29], $0x2800  }
0xd1: {  	[sflag:s29] =	ssyncset.done $0x0  }
0xd2: {  	[sflag:s29] =	ssyncadd.s32 $0xFFFFD800  }
0xd3: {  	_ =	swait.ge [sflag:s4], $0x2800  }
0xd4: {  	[sflag:s4] =	ssyncset.done $0x0  }
0xd5: {  	[sflag:s4] =	ssyncadd.s32 $0xFFFFD800  }
0xd6: {  	[spmem:s1] =	stream.indirect.scatter.add.f32 [tilespmem:s14], [sflag:$0x3], $0x80, s7, s31, $0xb8;
	[tilespmem:$0x1D000] =	vst v63  }
0xd7: {  	_ =	swait.ge [sflag:s29], $0x2800  }
0xd8: {  	[sflag:s29] =	ssyncset.done $0x0  }
0xd9: {  	[sflag:s29] =	ssyncadd.s32 $0xFFFFD800  }
0xda: {  	[bflag:$0x0] =	sbarrier.arrive $0xFFFF  }
0xdb: {  	[tilespmem:s28], [sflag:$0x3] =	stream.linear.gather [spmem:s18], $0x2800, $0x38;
	[tilespmem:$0x1D000] =	vst v63  }
0xdc: {  	_ =	swait.ge [sflag:s29], $0x2800  }
0xdd: {  	[sflag:s29] =	ssyncset.done $0x0  }
0xde: {  	s12 =	rddreg [dreg:$0x8];
	[sflag:s29] =	ssyncadd.s32 $0xFFFFD800  }
0xdf: {  	[hbm4b:s12+s2] =	stream.linear.scatter [tilespmem:s28], [sflag:$0x3], $0x2800, $0x38;
	[tilespmem:$0x1D000] =	vst v63  }
0xe0: {  	_ =	swait.ge [sflag:s29], $0x2800  }
0xe1: {  	[sflag:s29] =	ssyncset.done $0x0  }
0xe2: {  	[sflag:s29] =	ssyncadd.s32 $0xFFFFD800  }
0xe3: {  	[tilespmem:s28], [sflag:$0x3] =	stream.linear.gather [spmem:s20], $0x2800, $0x38;
	[tilespmem:$0x1D000] =	vst v63  }
0xe4: {  	_ =	swait.ge [sflag:s29], $0x2800  }
0xe5: {  	[sflag:s29] =	ssyncset.done $0x0  }
0xe6: {  	s13 =	rddreg [dreg:$0x9];
	[sflag:s29] =	ssyncadd.s32 $0xFFFFD800  }
0xe7: {  	[hbm4b:s13+s2] =	stream.linear.scatter [tilespmem:s28], [sflag:$0x3], $0x2800, $0x38;
	[tilespmem:$0x1D000] =	vst v63  }
0xe8: {  	_ =	swait.ge [sflag:s29], $0x2800  }
0xe9: {  	[sflag:s29] =	ssyncset.done $0x0  }
0xea: {  	[sflag:s29] =	ssyncadd.s32 $0xFFFFD800  }
0xeb: {  	[tilespmem:s28], [sflag:$0x3] =	stream.linear.gather [spmem:s21], $0x2800, $0x38;
	[tilespmem:$0x1D000] =	vst v63  }
0xec: {  	_ =	swait.ge [sflag:s29], $0x2800  }
0xed: {  	[sflag:s29] =	ssyncset.done $0x0  }
0xee: {  	s10 =	rddreg [dreg:$0xa];
	[sflag:s29] =	ssyncadd.s32 $0xFFFFD800  }
0xef: {  	[hbm4b:s10+s2] =	stream.linear.scatter [tilespmem:s28], [sflag:$0x3], $0x2800, $0x38;
	[tilespmem:$0x1D000] =	vst v63  }
0xf0: {  	_ =	swait.ge [sflag:s29], $0x2800  }
0xf1: {  	[sflag:s29] =	ssyncset.done $0x0  }
0xf2: {  	[sflag:s29] =	ssyncadd.s32 $0xFFFFD800  }
0xf3: {  	[tilespmem:s28], [sflag:$0x3] =	stream.linear.gather [spmem:s22], $0x2800, $0x38;
	[tilespmem:$0x1D000] =	vst v63  }
0xf4: {  	_ =	swait.ge [sflag:s29], $0x2800  }
0xf5: {  	[sflag:s29] =	ssyncset.done $0x0  }
0xf6: {  	s11 =	rddreg [dreg:$0xb];
	[sflag:s29] =	ssyncadd.s32 $0xFFFFD800  }
0xf7: {  	[hbm4b:s11+s2] =	stream.linear.scatter [tilespmem:s28], [sflag:$0x3], $0x2800, $0x38;
	[tilespmem:$0x1D000] =	vst v63  }
0xf8: {  	_ =	swait.ge [sflag:s29], $0x2800  }
0xf9: {  	[sflag:s29] =	ssyncset.done $0x0  }
0xfa: {  	[sflag:s29] =	ssyncadd.s32 $0xFFFFD800  }
0xfb: {  	[tilespmem:s28], [sflag:$0x3] =	stream.linear.gather [spmem:s23], $0x2800, $0x38;
	[tilespmem:$0x1D000] =	vst v63  }
0xfc: {  	_ =	swait.ge [sflag:s29], $0x2800  }
0xfd: {  	[sflag:s29] =	ssyncset.done $0x0  }
0xfe: {  	s12 =	rddreg [dreg:$0xc];
	[sflag:s29] =	ssyncadd.s32 $0xFFFFD800  }
0xff: {  	[hbm4b:s12+s2] =	stream.linear.scatter [tilespmem:s28], [sflag:$0x3], $0x2800, $0x38;
	[tilespmem:$0x1D000] =	vst v63  }
0x100: {  	_ =	swait.ge [sflag:s29], $0x2800  }
0x101: {  	[sflag:s29] =	ssyncset.done $0x0  }
0x102: {  	[sflag:s29] =	ssyncadd.s32 $0xFFFFD800  }
0x103: {  	[tilespmem:s28], [sflag:$0x3] =	stream.linear.gather [spmem:s24], $0x2800, $0x38;
	[tilespmem:$0x1D000] =	vst v63  }
0x104: {  	_ =	swait.ge [sflag:s29], $0x2800  }
0x105: {  	[sflag:s29] =	ssyncset.done $0x0  }
0x106: {  	s13 =	rddreg [dreg:$0xd];
	[sflag:s29] =	ssyncadd.s32 $0xFFFFD800  }
0x107: {  	[hbm4b:s13+s2] =	stream.linear.scatter [tilespmem:s28], [sflag:$0x3], $0x2800, $0x38;
	[tilespmem:$0x1D000] =	vst v63  }
0x108: {  	_ =	swait.ge [sflag:s29], $0x2800  }
0x109: {  	[sflag:s29] =	ssyncset.done $0x0  }
0x10a: {  	[sflag:s29] =	ssyncadd.s32 $0xFFFFD800  }
0x10b: {  	[tilespmem:s28], [sflag:$0x3] =	stream.linear.gather [spmem:s25], $0x2800, $0x38;
	[tilespmem:$0x1D000] =	vst v63  }
0x10c: {  	_ =	swait.ge [sflag:s29], $0x2800  }
0x10d: {  	[sflag:s29] =	ssyncset.done $0x0  }
0x10e: {  	[sflag:s29] =	ssyncadd.s32 $0xFFFFD800  }
0x10f: {  	[hbm4b:s15+s2] =	stream.linear.scatter [tilespmem:s28], [sflag:$0x3], $0x2800, $0x38;
	[tilespmem:$0x1D000] =	vst v63  }
0x110: {  	_ =	swait.ge [sflag:s29], $0x2800  }
0x111: {  	[sflag:s29] =	ssyncset.done $0x0  }
0x112: {  	[sflag:s29] =	ssyncadd.s32 $0xFFFFD800  }
0x113: {  	[tilespmem:s28], [sflag:$0x3] =	stream.linear.gather [spmem:s26], $0x2800, $0x38;
	[tilespmem:$0x1D000] =	vst v63  }
0x114: {  	s8 =	sadd.s32 $0x1, s8;
	_ =	swait.ge [sflag:s29], $0x2800  }
0x115: {  	p0 =	sne.s32 s8, s19;
	[sflag:s29] =	ssyncset.done $0x0  }
.Ltmp2:
0x116: {  	[sflag:s29] =	ssyncadd.s32 $0xFFFFD800;
	(pc) =	sbr.rel @p0 .LBB2_1-.Ltmp2, $4  }
0x117: {  	[hbm4b:s16+s2] =	stream.linear.scatter [tilespmem:s28], [sflag:$0x3], $0x2800, $0x38;
	[tilespmem:$0x1D000] =	vst v63  }
0x118: {  	_ =	swait.ge [sflag:s29], $0x2800  }
0x119: {  	[sflag:s29] =	ssyncset.done $0x0  }
0x11a: {  	[sflag:s29] =	ssyncadd.s32 $0xFFFFD800  }
0x11b: {  	_ =	sfence.sel $0x180000  }
0x11c: {  	[bflag:$0x0] =	sbarrier.arrive $0xFFFF  }
0x11d: {  	_ =	strace $0x9000004A  }
0x11e: {  	s0 =	stileid.u32;
	[bflag:$0x2] =	sbarrier.arrive $0xFFFF  }
0x11f: {  	p0 =	sne.s32 s0, $0x0;
	s0 =	rddreg [dreg:$0x3]  }
0x120: {  	s0 =	sadd.s32 @!p0 $0x100000, s0  }
0x121: {  	[sflag:s0] =	ssyncadd.tile.s32 @!p0 $0x1;
	_ =	shalt  }
.Lfunc_end2:
_tile_overlayer_lowered:
.L_overlay_start_2:
0x122: {  	(tag) =	ssettag $0x2  }
0x123: {  	s0 =	rddreg [dreg:$0x0];
	s2 =	stileid.u32  }
0x124: {  	s1 =	rddreg [dreg:$0x1];
	p0 =	sne.s32 s2, $0x0  }
0x125: {  	s3 =	rddreg [dreg:$0x2];
	[bflag:$0x3] =	sbarrier.arrive $0xFFFF;
	s2 =	simm.s32 @!p0 $0x1C03  }
0x126: {  	[timem:s3], [sflag:s2] =	dma.local @!p0 [hbm:s0], s1  }
0x127: {  	s0 =	simm.s32 @!p0 $0x3  }
0x128: {  	_ =	swait.ge @!p0 [sflag:s0], s1  }
0x129: {  	s1 =	ssub.s32 @!p0 $0x0, s1;
	[sflag:s0] =	ssyncset.done @!p0 $0x0  }
0x12a: {  	[sflag:s0] =	ssyncadd.s32 @!p0 s1  }
0x12b: {  	[bflag:$0x3] =	sbarrier.arrive $0xFFFF  }
0x12c: {  	_ =	shalt  }

// kernel: kernel.14.cloned.1.call-start
scs
__scs_entry_jumppad:
0x0: {  	(pc) =	sbr.rel $0x88, $3  }
0x1: {  	(tag) =	ssettag $0x0;
	lr =	simm.s32 $0x1  }
0x2: {  	[smem:$0x3F9B] =	sst lr;
	_ =	strace $0xD0000000  }
0x3: {  	_ = 	snop  }
0x4: {  	_ = 	snop  }
0x5: {  	_ = 	snop  }
0x6: {  	_ = 	snop  }
0x7: {  	_ = 	snop  }
__scs_overlays_trampoline_lowered:
0x8: {  	[smem:$0x3FAA] =	sst s0  }
0x9: {  	[smem:$0x3FAB] =	sst s1  }
0xa: {  	[smem:$0x3FAC] =	sst s2  }
0xb: {  	[smem:$0x3FAD] =	sst s3  }
0xc: {  	[smem:$0x3FAE] =	sst s4  }
0xd: {  	[smem:$0x3FAF] =	sst s5  }
0xe: {  	[smem:$0x3FB0] =	sst s6  }
0xf: {  	[smem:$0x3FB1] =	sst s7  }
0x10: {  	[smem:$0x3FB2] =	sst s8  }
0x11: {  	[smem:$0x3FB3] =	sst s9;
	s0 =	simm.s32 @!p0 $0x0  }
0x12: {  	s1 =	sld [smem:$0x3F99];
	s0 =	simm.s32 @p0 $0x1  }
0x13: {  	[smem:$0x3FB4] =	sst s0;
	s0 =	simm.s32 @!p1 $0x0  }
0x14: {  	s2 =	sld [smem:$0x3F98];
	s0 =	simm.s32 @p1 $0x1  }
0x15: {  	[smem:$0x3FB5] =	sst s0;
	s0 =	simm.s32 @!p2 $0x0  }
0x16: {  	s3 =	sld [smem:$0x3FDB];
	s0 =	simm.s32 @p2 $0x1  }
0x17: {  	s4 =	simm.s32 $0x1BF5;
	[smem:$0x3FB7] =	sst s0  }
0x18: {  	s0 =	sld [smem:$0x3F9A];
	_ =	swait.ge [sflag:s4], $0x0  }
0x19: {  	s7 =	sld [smem:$0x3F9B]  }
0x1a: {  	s8 =	sadd.s32 $0xFFFFE003, lr  }
0x1b: {  	s9 =	sadd.s32 $0xFFFFFEF7, lr;
	s5 =	simm.s32 $0xFFFFFFFF;
	p2 =	slt.u32 s8, $0xFFFFF086  }
0x1c: {  	p1 =	slt.u32 s9, $0xF7A;
	s5 =	simm.s32 @!p2 $0x0  }
0x1d: {  	s5 =	simm.s32 @p1 $0x1;
	p0 =	seq.s32 s7, s2  }
0x1e: {  	s7 =	smul.u32 @!p0 $0xF7A, s2;
	p2 =	seq.s32 @!p0 s5, $0x0  }
0x1f: {  	s9 =	smul.u32 $0xF7A, s1;
	s8 =	simm.s32 @!p0 $0x1BF5;
	p2 =	por !p2, p0  }
0x20: {  	[sflag:s8] =	ssyncset.s32 @!p0 $0xFFFFF086;
	s6 =	sadd.s32 @!p0 s3, s7;
	s7 =	simm.s32 @!p0 $0x108  }
0x21: {  	s3 =	sadd.s32 s3, s9;
	s6 =	sadd.s32 @!p0 $0x88, s6;
	s7 =	simm.s32 @p2 $0x1082  }
0x22: {  	[simem:s7], [sflag:s8] =	dma.local @!p0 [hbm:s6], $0xF7A  }
0x23: {  	s9 =	sor.u32 $0xD0000000, s2;
	s6 =	simm.s32 $0x108;
	_ =	swait.ge @!p0 [sflag:s8], $0x0  }
0x24: {  	s3 =	sadd.s32 $0x88, s3;
	s6 =	simm.s32 @!p1 $0x1082;
	[sflag:s4] =	ssyncset.s32 $0xFFFFF086  }
0x25: {  	[simem:s6], [sflag:s4] =	dma.local [hbm:s3], $0xF7A  }
0x26: {  	[smem:$0x3F9B] =	sst s1;
	(tag) =	ssettag s2;
	_ =	strace s9  }
0x27: {  	s1 =	sld [smem:$0x3FAB]  }
0x28: {  	s2 =	sld [smem:$0x3FAC]  }
0x29: {  	s4 =	sld [smem:$0x3FAE]  }
0x2a: {  	p0 =	seq.s32 s5, $0x0;
	s5 =	sld [smem:$0x3FAF]  }
0x2b: {  	s6 =	sld [smem:$0x3FB0]  }
0x2c: {  	s7 =	sld [smem:$0x3FB1]  }
0x2d: {  	s3 =	simm.s32 $0x108;
	s8 =	sld [smem:$0x3FB2]  }
0x2e: {  	s3 =	simm.s32 @!p0 $0x1082;
	s9 =	sld [smem:$0x3FB3]  }
0x2f: {  	lr =	sadd.s32 s0, s3;
	s0 =	sld [smem:$0x3FAA]  }
0x30: {  	s3 =	sld [smem:$0x3FAD]  }
0x31: {  	[smem:$0x3FB6] =	sst s10  }
0x32: {  	s10 =	sld [smem:$0x3FB4];
	_ =	sdelay $0x3  }
0x33: {  	p0 =	seq.s32 s10, $0x1;
	s10 =	sld [smem:$0x3FB6];
	_ =	sdelay $0x3  }
0x34: {  	[smem:$0x3FB6] =	sst s10  }
0x35: {  	s10 =	sld [smem:$0x3FB5];
	_ =	sdelay $0x3  }
0x36: {  	p1 =	seq.s32 s10, $0x1;
	s10 =	sld [smem:$0x3FB6];
	_ =	sdelay $0x3  }
0x37: {  	[smem:$0x3FB6] =	sst s10  }
0x38: {  	s10 =	sld [smem:$0x3FB7]  }
0x39: {  	_ = 	snop;
	(pc) =	sbr.ind lr, $3  }
0x3a: {  	_ = 	snop  }
0x3b: {  	_ = 	snop  }
0x3c: {  	p2 =	seq.s32 s10, $0x1;
	s10 =	sld [smem:$0x3FB6]  }
0x3d: {  	_ =	shalt  }
0x3e: {  	_ =	shalt  }
0x3f: {  	_ =	shalt  }
0x40: {  	_ =	shalt  }
0x41: {  	_ =	shalt  }
0x42: {  	_ =	shalt  }
0x43: {  	_ =	shalt  }
0x44: {  	_ =	shalt  }
0x45: {  	_ =	shalt  }
0x46: {  	_ =	shalt  }
0x47: {  	_ =	shalt  }
0x48: {  	_ =	shalt  }
0x49: {  	_ =	shalt  }
0x4a: {  	_ =	shalt  }
0x4b: {  	_ =	shalt  }
0x4c: {  	_ =	shalt  }
0x4d: {  	_ =	shalt  }
0x4e: {  	_ =	shalt  }
0x4f: {  	_ =	shalt  }
0x50: {  	_ =	shalt  }
0x51: {  	_ =	shalt  }
0x52: {  	_ =	shalt  }
0x53: {  	_ =	shalt  }
0x54: {  	_ =	shalt  }
0x55: {  	_ =	shalt  }
0x56: {  	_ =	shalt  }
0x57: {  	_ =	shalt  }
0x58: {  	_ =	shalt  }
0x59: {  	_ =	shalt  }
0x5a: {  	_ =	shalt  }
0x5b: {  	_ =	shalt  }
0x5c: {  	_ =	shalt  }
0x5d: {  	_ =	shalt  }
0x5e: {  	_ =	shalt  }
0x5f: {  	_ =	shalt  }
0x60: {  	_ =	shalt  }
0x61: {  	_ =	shalt  }
0x62: {  	_ =	shalt  }
0x63: {  	_ =	shalt  }
0x64: {  	_ =	shalt  }
0x65: {  	_ =	shalt  }
0x66: {  	_ =	shalt  }
0x67: {  	_ =	shalt  }
0x68: {  	_ =	shalt  }
0x69: {  	_ =	shalt  }
0x6a: {  	_ =	shalt  }
0x6b: {  	_ =	shalt  }
0x6c: {  	_ =	shalt  }
0x6d: {  	_ =	shalt  }
0x6e: {  	_ =	shalt  }
0x6f: {  	_ =	shalt  }
0x70: {  	_ =	shalt  }
0x71: {  	_ =	shalt  }
0x72: {  	_ =	shalt  }
0x73: {  	_ =	shalt  }
0x74: {  	_ =	shalt  }
0x75: {  	_ =	shalt  }
0x76: {  	_ =	shalt  }
0x77: {  	_ =	shalt  }
0x78: {  	_ =	shalt  }
0x79: {  	_ =	shalt  }
0x7a: {  	_ =	shalt  }
0x7b: {  	_ =	shalt  }
0x7c: {  	_ =	shalt  }
0x7d: {  	_ =	shalt  }
0x7e: {  	_ =	shalt  }
0x7f: {  	_ =	shalt  }
0x80: {  	_ =	shalt  }
0x81: {  	_ =	shalt  }
0x82: {  	_ =	shalt  }
0x83: {  	_ =	shalt  }
0x84: {  	_ =	shalt  }
0x85: {  	_ =	shalt  }
0x86: {  	_ =	shalt  }
0x87: {  	_ =	shalt  }
.Lfunc_end0:
.L_simem_size_0:
called_computation.2_lowered:
.L_overlay_start_0:
0x88: {  	s2 =	sld [smem:$0x3FD9]  }
0x89: {  	s3 =	sld [smem:$0x3FFE];
	_ =	sdelay $0x1  }
0x8a: {  	s1 =	srdreg.scid  }
0x8b: {  	s0 =	sand.u32 $0x1, s1  }
0x8c: {  	s17 =	sshll.u32 s0, $0xA;
	s2 =	sadd.s32 s3, s2  }
0x8d: {  	s2 =	sadd.s32 s2, s17  }
0x8e: {  	[smem:$0x3FC2] =	sst s2  }
0x8f: {  	_ = 	snop  }
0x90: {  	s2 =	sld [smem:$0x3FD0];
	(tm) =	ssettm $0x1  }
0x91: {  	s18 =	sld [smem:$0x3FFB];
	_ =	sdelay $0x3  }
0x92: {  	_ =	strace s18  }
0x93: {  	s3 =	sld [smem:$0x3FFC];
	_ =	sdelay $0x3  }
0x94: {  	_ =	strace s3  }
0x95: {  	s3 =	sld [smem:$0x3FFD];
	_ =	sdelay $0x3  }
0x96: {  	_ =	strace s3  }
0x97: {  	_ =	strace $0x8FFFFFFF  }
0x98: {  	s19 =	sld [smem:$0x3FDB];
	_ =	sdelay $0x1  }
0x99: {  	s4 =	simm.s32 $_scs_section_size  }
0x9a: {  	s5 =	simm.s32 $_size__tile_overlayer_lowered;
	s6 =	simm.s32 $_tile_overlayer_lowered  }
0x9b: {  	s22 =	simm.s32 $0x1BFF;
	s21 =	sshll.u32 s6, $0x1;
	s3 =	sadd.s32 s4, s19  }
0x9c: {  	s7 =	simm.s32 $0x0;
	s20 =	sshll.u32 s5, $0x1;
	s5 =	sadd.s32 s21, s3  }
0x9d: {  	[timem:s7], [sflag:s22] =	dma.local [hbm:s5], s20  }
0x9e: {  	_ =	swait.ge [sflag:s22], s20  }
0x9f: {  	s4 =	ssub.s32 $0x0, s20;
	[sflag:s22] =	ssyncset.done $0x0  }
0xa0: {  	[sflag:s22] =	ssyncadd.s32 s4;
	_ =	sdelay $0x1  }
0xa1: {  	s23 =	simm.s32 $0x1B8B  }
0xa2: {  	_ =	swait.ge [sflag:s23], $0x1  }
0xa3: {  	[sflag:s23] =	ssyncset.done $0x0  }
0xa4: {  	s25 =	simm.s32 $0x1B8E;
	s24 =	sld [smem:$0x3FFE];
	[sflag:s23] =	ssyncadd.s32 $0xFFFFFFFF  }
0xa5: {  	s26 =	simm.s32 $execute0_lowered;
	[smem:$0x3FD2] =	sst s25  }
0xa6: {  	s5 =	sshll.u32 s26, $0x1;
	_ =	strace $0x8000004C;
	[dreg:$0x1] =	wrdreg $0xFFFFFFFF  }
0xa7: {  	s28 =	simm.s32 $_size_execute0_lowered;
	s3 =	sadd.s32 s3, s5;
	[dreg:$0x0] =	wrdreg $0x0  }
0xa8: {  	s5 =	sshll.u32 s28, $0x1;
	[dreg:$0x2] =	wrdreg s3  }
0xa9: {  	[dreg:$0x3] =	wrdreg s5  }
0xaa: {  	[dreg:$0x4] =	wrdreg $0xC0  }
0xab: {  	_ =	task [dreg:s7], $0x5FFFF  }
0xac: {  	[dreg:$0x1] =	wrdreg $0xFFFFFFFF  }
0xad: {  	[dreg:$0x0] =	wrdreg $0x60  }
0xae: {  	[dreg:$0x2] =	wrdreg s2  }
0xaf: {  	[dreg:$0x3] =	wrdreg s24  }
0xb0: {  	[dreg:$0x4] =	wrdreg $0x90000  }
0xb1: {  	[dreg:$0x5] =	wrdreg $0x9  }
0xb2: {  	_ =	task.clear_ibuf [dreg:s7], $0x6FFFF;
	_ =	strace $0x9000004C  }
0xb3: {  	s29 =	simm.s32 $0x9;
	_ =	strace $0x8000004E  }
0xb4: {  	_ =	swait.ge [sflag:s29], $0x1  }
0xb5: {  	[sflag:s29] =	ssyncadd.s32 $0xFFFFFFFF  }
0xb6: {  	_ =	strace $0x9000004E  }
0xb7: {  	_ =	sfence  }
0xb8: {  	s30 =	sld [smem:$0x0];
	_ =	sdelay $0x2  }
0xb9: {  	s31 =	sshll.u32 s1, $0xD;
	s1 =	sshrl.u32 s1, $0x2  }
0xba: {  	s3 =	sand.u32 $0x4000, s31;
	s1 =	sadd.s32 s1, s30  }
0xbb: {  	s0 =	sor.u32 s3, s0;
	s1 =	sshll.u32 s1, $0x11  }
0xbc: {  	s0 =	sor.u32 s1, s0  }
0xbd: {  	s0 =	sadd.s32 $0x8F2B, s0  }
0xbe: {  	[sflag:s0] =	ssyncadd.remote.s32 $0x1  }
0xbf: {  	_ =	sfence.sel $0xFFFF  }
0xc0: {  	[dreg:$0x0] =	wrdreg $0xFFFFFFFF;
	(pc) =	sbr.abs _section_cstart, $3  }
0xc1: {  	[dreg:$0x1] =	wrdreg $0xFFFFFFFF  }
0xc2: {  	_ =	task.clear_ibuf [dreg:s7], $0x2FFFF;
	_ =	strace $0x9FFFFFFF  }
0xc3: {  	(tm) =	ssettm $0x7FFFFFFF  }
tec
execute0_lowered:
.L_overlay_start_1:
0x0: {  	(tag) =	ssettag $0x1  }
0x1: {  	s0 =	rddreg [dreg:$0x0]  }
0x2: {  	s3 =	rddreg [dreg:$0x1]  }
0x3: {  	s1 =	rddreg [dreg:$0x2];
	s2 =	simm.s32 $0x0;
	s4 =	srdreg.scid  }
0x4: {  	s15 =	stileid.u32;
	s28 =	simm.s32 $0x4000;
	s29 =	simm.s32 $0x3  }
0x5: {  	s30 =	simm.s32 $0x2000;
	s31 =	simm.s32 $0x50;
	[smem:$0x7FF] =	sst s2  }
0x6: {  	s5 =	sadd.s32 $0x62800, s3;
	s4 =	sand.u32 $0x1, s4;
	s6 =	sadd.s32 $0x2200, s3  }
0x7: {  	s10 =	sshll.u32 s15, $0xB;
	s14 =	sadd.s32 $0x72800, s3;
	s11 =	smul.u32 $0x14000, s15  }
0x8: {  	s7 =	ssub.s32 $0x2, s4;
	s9 =	sshll.u32 s4, $0xF;
	s4 =	smul.u32 $0x140000, s4  }
0x9: {  	s8 =	sshrl.u32 s7, $0x1;
	s26 =	sor.u32 s10, s9;
	s24 =	sadd.s32 $0xC800, s11  }
0xa: {  	s25 =	sadd.s32 $0xF000, s11;
	s7 =	ssub.s32 s7, s8;
	s9 =	sadd.s32 s5, s26  }
0xb: {  	s10 =	sor.u32 $0x400, s26;
	s8 =	sadd.s32 s6, s26;
	s26 =	sadd.s32 $0x11800, s11  }
0xc: {  	s22 =	sadd.s32 s4, s25;
	s25 =	sadd.s32 s25, s1;
	[dreg:$0x4] =	wrdreg s9  }
0xd: {  	[dreg:$0x5] =	wrdreg s8;
	s5 =	sadd.s32 s5, s10;
	s12 =	sadd.s32 s6, s10  }
0xe: {  	s6 =	sadd.s32 $0x5000, s11;
	s8 =	sadd.s32 $0x7800, s11;
	[dreg:$0x6] =	wrdreg s5  }
0xf: {  	s9 =	sadd.s32 $0xA000, s11;
	s10 =	sadd.s32 s4, s11;
	[dreg:$0x7] =	wrdreg s12  }
0x10: {  	s5 =	sor.u32 $0x2800, s11;
	s10 =	sshrl.u32 s10, $0x3;
	s12 =	sadd.s32 s4, s6  }
0x11: {  	s18 =	sadd.s32 s4, s8;
	s19 =	sadd.s32 s4, s9;
	s11 =	sadd.s32 s4, s5  }
0x12: {  	s10 =	sadd.s32 s14, s10;
	s16 =	sshrl.u32 s12, $0x3;
	s20 =	sshrl.u32 s19, $0x3  }
0x13: {  	s19 =	smax.u32 s7, $0x1;
	s7 =	simm.s32 $0x3F80;
	s13 =	sshrl.u32 s11, $0x3  }
0x14: {  	[dreg:$0x8] =	wrdreg s10;
	s17 =	sadd.s32 s14, s16;
	s10 =	sadd.s32 s14, s13  }
0x15: {  	[dreg:$0xa] =	wrdreg s17;
	s13 =	sadd.s32 s4, s24;
	s4 =	sadd.s32 s4, s26  }
0x16: {  	s17 =	smul.u32 $0x50000, s15;
	s24 =	sadd.s32 s24, s1;
	s26 =	sadd.s32 s26, s1  }
0x17: {  	[dreg:$0x9] =	wrdreg s10;
	s10 =	sshrl.u32 s18, $0x3;
	s13 =	sshrl.u32 s13, $0x3  }
0x18: {  	s4 =	sshrl.u32 s4, $0x3;
	s10 =	sadd.s32 s14, s10;
	s21 =	sadd.s32 s14, s13  }
0x19: {  	s16 =	sadd.s32 s14, s4;
	s23 =	sshrl.u32 s17, $0x2;
	s17 =	sadd.s32 $0x12200, s3  }
0x1a: {  	s3 =	simm.s32 $0x1;
	s4 =	simm.s32 $0x2;
	[dreg:$0xb] =	wrdreg s10  }
0x1b: {  	s10 =	sadd.s32 s14, s20;
	[dreg:$0xd] =	wrdreg s21;
	s18 =	sadd.s32 s23, s1  }
0x1c: {  	s20 =	sadd.s32 s5, s1;
	s21 =	sadd.s32 s6, s1;
	s23 =	sadd.s32 s9, s1  }
0x1d: {  	s5 =	simm.s32 $0x1F80;
	s6 =	simm.s32 $0x3F00;
	[dreg:$0xc] =	wrdreg s10  }
0x1e: {  	s10 =	sshrl.u32 s22, $0x3;
	s22 =	sadd.s32 s8, s1;
	s8 =	simm.s32 $0x0  }
0x1f: {  	s15 =	sadd.s32 s14, s10;
	_ =	strace $0x8000004D;
	s14 =	simm.s32 $0x6800  }
.LBB2_1:
0x20: {  	[tilespmem:s28], [sflag:$0x3] =	stream.linear.gather [hbm4b:s17+s2], $0x2800, $0x38;
	[tilespmem:$0x1D000] =	vst v63  }
0x21: {  	_ =	swait.ge [sflag:s29], $0x2800  }
0x22: {  	[sflag:s29] =	ssyncset.done $0x0  }
0x23: {  	[sflag:s29] =	ssyncadd.s32 $0xFFFFD800  }
0x24: {  	[spmem:s18] =	stream.linear.scatter [tilespmem:s28], [sflag:$0x3], $0x2800, $0x38;
	[tilespmem:$0x1D000] =	vst v63  }
0x25: {  	_ =	swait.ge [sflag:s29], $0x2800  }
0x26: {  	[sflag:s29] =	ssyncset.done $0x0  }
0x27: {  	[sflag:s29] =	ssyncadd.s32 $0xFFFFD800  }
0x28: {  	[spmem:s20] =	stream.linear.scatter [tilespmem:s28], [sflag:$0x3], $0x2800, $0x38;
	[tilespmem:$0x1D000] =	vst v63  }
0x29: {  	_ =	swait.ge [sflag:s29], $0x2800  }
0x2a: {  	[sflag:s29] =	ssyncset.done $0x0  }
0x2b: {  	[sflag:s29] =	ssyncadd.s32 $0xFFFFD800  }
0x2c: {  	[spmem:s21] =	stream.linear.scatter [tilespmem:s28], [sflag:$0x3], $0x2800, $0x38;
	[tilespmem:$0x1D000] =	vst v63  }
0x2d: {  	_ =	swait.ge [sflag:s29], $0x2800  }
0x2e: {  	[sflag:s29] =	ssyncset.done $0x0  }
0x2f: {  	[sflag:s29] =	ssyncadd.s32 $0xFFFFD800  }
0x30: {  	[spmem:s22] =	stream.linear.scatter [tilespmem:s28], [sflag:$0x3], $0x2800, $0x38;
	[tilespmem:$0x1D000] =	vst v63  }
0x31: {  	_ =	swait.ge [sflag:s29], $0x2800  }
0x32: {  	[sflag:s29] =	ssyncset.done $0x0  }
0x33: {  	[sflag:s29] =	ssyncadd.s32 $0xFFFFD800  }
0x34: {  	[spmem:s23] =	stream.linear.scatter [tilespmem:s28], [sflag:$0x3], $0x2800, $0x38;
	[tilespmem:$0x1D000] =	vst v63  }
0x35: {  	_ =	swait.ge [sflag:s29], $0x2800  }
0x36: {  	[sflag:s29] =	ssyncset.done $0x0  }
0x37: {  	[sflag:s29] =	ssyncadd.s32 $0xFFFFD800  }
0x38: {  	[spmem:s24] =	stream.linear.scatter [tilespmem:s28], [sflag:$0x3], $0x2800, $0x38;
	[tilespmem:$0x1D000] =	vst v63  }
0x39: {  	_ =	swait.ge [sflag:s29], $0x2800  }
0x3a: {  	[sflag:s29] =	ssyncset.done $0x0  }
0x3b: {  	[sflag:s29] =	ssyncadd.s32 $0xFFFFD800  }
0x3c: {  	[spmem:s25] =	stream.linear.scatter [tilespmem:s28], [sflag:$0x3], $0x2800, $0x38;
	[tilespmem:$0x1D000] =	vst v63  }
0x3d: {  	_ =	swait.ge [sflag:s29], $0x2800  }
0x3e: {  	[sflag:s29] =	ssyncset.done $0x0  }
0x3f: {  	[sflag:s29] =	ssyncadd.s32 $0xFFFFD800  }
0x40: {  	[spmem:s26] =	stream.linear.scatter [tilespmem:s28], [sflag:$0x3], $0x2800, $0x38;
	[tilespmem:$0x1D000] =	vst v63  }
0x41: {  	_ =	swait.ge [sflag:s29], $0x2800  }
0x42: {  	[sflag:s29] =	ssyncset.done $0x0  }
0x43: {  	[sflag:s29] =	ssyncadd.s32 $0xFFFFD800  }
0x44: {  	[bflag:$0x0] =	sbarrier.arrive $0xFFFF  }
0x45: {  	s9 =	rddreg [dreg:$0x4]  }
0x46: {  	[tilespmem:s2], [sflag:$0x3] =	stream.linear.gather [hbm4b:s9+s2], $0x2000, $0x38;
	[tilespmem:$0x1D000] =	vst v63  }
0x47: {  	_ =	swait.ge [sflag:s29], $0x2000  }
0x48: {  	[sflag:s29] =	ssyncset.done $0x0  }
0x49: {  	s13 =	rddreg [dreg:$0x5];
	[sflag:s29] =	ssyncadd.s32 $0xFFFFE000  }
0x4a: {  	[tilespmem:s30], [sflag:$0x3] =	stream.linear.gather [hbm4b:s13+s2], $0x2000, $0x38;
	[tilespmem:$0x1D000] =	vst v63  }
0x4b: {  	_ =	swait.ge [sflag:s29], $0x2000  }
0x4c: {  	[sflag:s29] =	ssyncset.done $0x0  }
0x4d: {  	[sflag:s29] =	ssyncadd.s32 $0xFFFFE000  }
0x4e: {  	[tilespmem:s28], [sflag:$0x1] =	stream.indirect.gather [hbm4b:s0+s31], $0x80, s2, s31, $0xb8;
	[tilespmem:$0x1D000] =	vst v63  }
0x4f: {  	s10 =	simm.s32 $0x80  }
0x50: {  	[tilespmem:s14], [sflag:$0x2] =	stream.indirect.gather [hbm4b:s0+s31], $0x80, s10, s31, $0xb8;
	[tilespmem:$0x1D000] =	vst v63  }
0x51: {  	_ =	swait.ge [sflag:s3], $0x2800  }
0x52: {  	[sflag:s3] =	ssyncset.done $0x0  }
0x53: {  	s11 =	simm.s32 $0x2000;
	[sflag:s3] =	ssyncadd.s32 $0xFFFFD800  }
0x54: {  	[spmem:s1] =	stream.indirect.scatter.add.f32 [tilespmem:s28], [sflag:$0x3], $0x80, s11, s31, $0xb8;
	[tilespmem:$0x1D000] =	vst v63  }
0x55: {  	_ =	swait.ge [sflag:s29], $0x2800  }
0x56: {  	[sflag:s29] =	ssyncset.done $0x0  }
0x57: {  	s12 =	simm.s32 $0x100;
	[sflag:s29] =	ssyncadd.s32 $0xFFFFD800  }
0x58: {  	[tilespmem:s28], [sflag:$0x1] =	stream.indirect.gather [hbm4b:s0+s31], $0x80, s12, s31, $0xb8;
	[tilespmem:$0x1D000] =	vst v63  }
0x59: {  	_ =	swait.ge [sflag:s4], $0x2800  }
0x5a: {  	[sflag:s4] =	ssyncset.done $0x0  }
0x5b: {  	s13 =	simm.s32 $0x2080;
	[sflag:s4] =	ssyncadd.s32 $0xFFFFD800  }
0x5c: {  	[spmem:s1] =	stream.indirect.scatter.add.f32 [tilespmem:s14], [sflag:$0x3], $0x80, s13, s31, $0xb8;
	[tilespmem:$0x1D000] =	vst v63  }
0x5d: {  	_ =	swait.ge [sflag:s29], $0x2800  }
0x5e: {  	s9 =	simm.s32 $0x100;
	s10 =	simm.s32 $0x800;
	[sflag:s29] =	ssyncset.done $0x0  }
.LBB2_2:
0x5f: {  	s11 =	sadd.s32 $0x80, s9  }
0x60: {  	[sflag:s29] =	ssyncadd.s32 $0xFFFFD800;
	s12 =	smov.u32 s10;
	s13 =	sadd.s32 $0x400, s10  }
0x61: {  	[tilespmem:s14], [sflag:$0x2] =	stream.indirect.gather [hbm4b:s0+s31], $0x80, s11, s31, $0xb8;
	[tilespmem:$0x1D000] =	vst v63  }
0x62: {  	p0 =	sne.s32 s10, $0x7800;
	_ =	swait.ge [sflag:s3], $0x2800  }
0x63: {  	[sflag:s3] =	ssyncset.done $0x0  }
0x64: {  	s10 =	sadd.s32 $0x2000, s9;
	[sflag:s3] =	ssyncadd.s32 $0xFFFFD800  }
0x65: {  	[spmem:s1] =	stream.indirect.scatter.add.f32 [tilespmem:s28], [sflag:$0x3], $0x80, s10, s31, $0xb8;
	[tilespmem:$0x1D000] =	vst v63  }
0x66: {  	_ =	swait.ge [sflag:s29], $0x2800  }
0x67: {  	[sflag:s29] =	ssyncset.done $0x0  }
0x68: {  	s10 =	sadd.s32 $0x100, s9;
	[sflag:s29] =	ssyncadd.s32 $0xFFFFD800  }
0x69: {  	[tilespmem:s28], [sflag:$0x1] =	stream.indirect.gather [hbm4b:s0+s31], $0x80, s10, s31, $0xb8;
	[tilespmem:$0x1D000] =	vst v63  }
0x6a: {  	_ =	swait.ge [sflag:s4], $0x2800  }
.Ltmp0:
0x6b: {  	[sflag:s4] =	ssyncset.done $0x0;
	(pc) =	sbr.rel @p0 .LBB2_2-.Ltmp0, $4  }
0x6c: {  	s9 =	sadd.s32 $0x2080, s9;
	[sflag:s4] =	ssyncadd.s32 $0xFFFFD800  }
0x6d: {  	[spmem:s1] =	stream.indirect.scatter.add.f32 [tilespmem:s14], [sflag:$0x3], $0x80, s9, s31, $0xb8;
	[tilespmem:$0x1D000] =	vst v63  }
0x6e: {  	_ =	swait.ge [sflag:s29], $0x2800  }
0x6f: {  	s10 =	smov.u32 s13;
	s9 =	sshra.s32 s12, $0x2;
	[sflag:s29] =	ssyncset.done $0x0  }
0x70: {  	s10 =	sadd.s32 $0x80, s9;
	[sflag:s29] =	ssyncadd.s32 $0xFFFFD800  }
0x71: {  	[tilespmem:s14], [sflag:$0x2] =	stream.indirect.gather [hbm4b:s0+s31], $0x80, s10, s31, $0xb8;
	[tilespmem:$0x1D000] =	vst v63  }
0x72: {  	_ =	swait.ge [sflag:s3], $0x2800  }
0x73: {  	[sflag:s3] =	ssyncset.done $0x0  }
0x74: {  	s12 =	sadd.s32 $0x2000, s9;
	[sflag:s3] =	ssyncadd.s32 $0xFFFFD800  }
0x75: {  	[spmem:s1] =	stream.indirect.scatter.add.f32 [tilespmem:s28], [sflag:$0x3], $0x80, s12, s31, $0xb8;
	[tilespmem:$0x1D000] =	vst v63  }
0x76: {  	_ =	swait.ge [sflag:s29], $0x2800  }
0x77: {  	[sflag:s29] =	ssyncset.done $0x0  }
0x78: {  	s13 =	sadd.s32 $0x100, s9;
	[sflag:s29] =	ssyncadd.s32 $0xFFFFD800  }
0x79: {  	[tilespmem:s28], [sflag:$0x1] =	stream.indirect.gather [hbm4b:s0+s31], $0x80, s13, s31, $0xb8;
	[tilespmem:$0x1D000] =	vst v63  }
0x7a: {  	_ =	swait.ge [sflag:s4], $0x2800  }
0x7b: {  	[sflag:s4] =	ssyncset.done $0x0  }
0x7c: {  	s10 =	sadd.s32 $0x2080, s9;
	[sflag:s4] =	ssyncadd.s32 $0xFFFFD800  }
0x7d: {  	[spmem:s1] =	stream.indirect.scatter.add.f32 [tilespmem:s14], [sflag:$0x3], $0x80, s10, s31, $0xb8;
	[tilespmem:$0x1D000] =	vst v63  }
0x7e: {  	_ =	swait.ge [sflag:s29], $0x2800  }
0x7f: {  	[sflag:s29] =	ssyncset.done $0x0  }
0x80: {  	[sflag:s29] =	ssyncadd.s32 $0xFFFFD800  }
0x81: {  	[tilespmem:s14], [sflag:$0x2] =	stream.indirect.gather [hbm4b:s0+s31], $0x80, s5, s31, $0xb8;
	[tilespmem:$0x1D000] =	vst v63  }
0x82: {  	_ =	swait.ge [sflag:s3], $0x2800  }
0x83: {  	[sflag:s3] =	ssyncset.done $0x0  }
0x84: {  	[sflag:s3] =	ssyncadd.s32 $0xFFFFD800  }
0x85: {  	[spmem:s1] =	stream.indirect.scatter.add.f32 [tilespmem:s28], [sflag:$0x3], $0x80, s6, s31, $0xb8;
	[tilespmem:$0x1D000] =	vst v63  }
0x86: {  	_ =	swait.ge [sflag:s29], $0x2800  }
0x87: {  	[sflag:s29] =	ssyncset.done $0x0  }
0x88: {  	[sflag:s29] =	ssyncadd.s32 $0xFFFFD800  }
0x89: {  	_ =	swait.ge [sflag:s4], $0x2800  }
0x8a: {  	[sflag:s4] =	ssyncset.done $0x0  }
0x8b: {  	[sflag:s4] =	ssyncadd.s32 $0xFFFFD800  }
0x8c: {  	[spmem:s1] =	stream.indirect.scatter.add.f32 [tilespmem:s14], [sflag:$0x3], $0x80, s7, s31, $0xb8;
	[tilespmem:$0x1D000] =	vst v63  }
0x8d: {  	_ =	swait.ge [sflag:s29], $0x2800  }
0x8e: {  	[sflag:s29] =	ssyncset.done $0x0  }
0x8f: {  	s11 =	simm.s32 $0x0;
	s12 =	rddreg [dreg:$0x6];
	[sflag:s29] =	ssyncadd.s32 $0xFFFFD800  }
0x90: {  	[tilespmem:s11], [sflag:$0x3] =	stream.linear.gather [hbm4b:s12+s11], $0x2000, $0x38;
	[tilespmem:$0x1D000] =	vst v63  }
0x91: {  	_ =	swait.ge [sflag:s29], $0x2000  }
0x92: {  	[sflag:s29] =	ssyncset.done $0x0  }
0x93: {  	s13 =	rddreg [dreg:$0x7];
	[sflag:s29] =	ssyncadd.s32 $0xFFFFE000  }
0x94: {  	[tilespmem:s30], [sflag:$0x3] =	stream.linear.gather [hbm4b:s13+s11], $0x2000, $0x38;
	[tilespmem:$0x1D000] =	vst v63  }
0x95: {  	_ =	swait.ge [sflag:s29], $0x2000  }
0x96: {  	[sflag:s29] =	ssyncset.done $0x0  }
0x97: {  	[sflag:s29] =	ssyncadd.s32 $0xFFFFE000  }
0x98: {  	[tilespmem:s28], [sflag:$0x1] =	stream.indirect.gather [hbm4b:s0+s31], $0x80, s11, s31, $0xb8;
	[tilespmem:$0x1D000] =	vst v63  }
0x99: {  	s10 =	simm.s32 $0x80  }
0x9a: {  	[tilespmem:s14], [sflag:$0x2] =	stream.indirect.gather [hbm4b:s0+s31], $0x80, s10, s31, $0xb8;
	[tilespmem:$0x1D000] =	vst v63  }
0x9b: {  	_ =	swait.ge [sflag:s3], $0x2800  }
0x9c: {  	[sflag:s3] =	ssyncset.done $0x0  }
0x9d: {  	s11 =	simm.s32 $0x2000;
	[sflag:s3] =	ssyncadd.s32 $0xFFFFD800  }
0x9e: {  	[spmem:s1] =	stream.indirect.scatter.add.f32 [tilespmem:s28], [sflag:$0x3], $0x80, s11, s31, $0xb8;
	[tilespmem:$0x1D000] =	vst v63  }
0x9f: {  	_ =	swait.ge [sflag:s29], $0x2800  }
0xa0: {  	[sflag:s29] =	ssyncset.done $0x0  }
0xa1: {  	s12 =	simm.s32 $0x100;
	[sflag:s29] =	ssyncadd.s32 $0xFFFFD800  }
0xa2: {  	[tilespmem:s28], [sflag:$0x1] =	stream.indirect.gather [hbm4b:s0+s31], $0x80, s12, s31, $0xb8;
	[tilespmem:$0x1D000] =	vst v63  }
0xa3: {  	_ =	swait.ge [sflag:s4], $0x2800  }
0xa4: {  	[sflag:s4] =	ssyncset.done $0x0  }
0xa5: {  	s13 =	simm.s32 $0x2080;
	[sflag:s4] =	ssyncadd.s32 $0xFFFFD800  }
0xa6: {  	[spmem:s1] =	stream.indirect.scatter.add.f32 [tilespmem:s14], [sflag:$0x3], $0x80, s13, s31, $0xb8;
	[tilespmem:$0x1D000] =	vst v63  }
0xa7: {  	_ =	swait.ge [sflag:s29], $0x2800  }
0xa8: {  	s9 =	simm.s32 $0x100;
	s10 =	simm.s32 $0x800;
	[sflag:s29] =	ssyncset.done $0x0  }
.LBB2_4:
0xa9: {  	s11 =	sadd.s32 $0x80, s9  }
0xaa: {  	[sflag:s29] =	ssyncadd.s32 $0xFFFFD800;
	s12 =	smov.u32 s10;
	s13 =	sadd.s32 $0x400, s10  }
0xab: {  	[tilespmem:s14], [sflag:$0x2] =	stream.indirect.gather [hbm4b:s0+s31], $0x80, s11, s31, $0xb8;
	[tilespmem:$0x1D000] =	vst v63  }
0xac: {  	p0 =	sne.s32 s10, $0x7800;
	_ =	swait.ge [sflag:s3], $0x2800  }
0xad: {  	[sflag:s3] =	ssyncset.done $0x0  }
0xae: {  	s10 =	sadd.s32 $0x2000, s9;
	[sflag:s3] =	ssyncadd.s32 $0xFFFFD800  }
0xaf: {  	[spmem:s1] =	stream.indirect.scatter.add.f32 [tilespmem:s28], [sflag:$0x3], $0x80, s10, s31, $0xb8;
	[tilespmem:$0x1D000] =	vst v63  }
0xb0: {  	_ =	swait.ge [sflag:s29], $0x2800  }
0xb1: {  	[sflag:s29] =	ssyncset.done $0x0  }
0xb2: {  	s10 =	sadd.s32 $0x100, s9;
	[sflag:s29] =	ssyncadd.s32 $0xFFFFD800  }
0xb3: {  	[tilespmem:s28], [sflag:$0x1] =	stream.indirect.gather [hbm4b:s0+s31], $0x80, s10, s31, $0xb8;
	[tilespmem:$0x1D000] =	vst v63  }
0xb4: {  	_ =	swait.ge [sflag:s4], $0x2800  }
.Ltmp1:
0xb5: {  	[sflag:s4] =	ssyncset.done $0x0;
	(pc) =	sbr.rel @p0 .LBB2_4-.Ltmp1, $4  }
0xb6: {  	s9 =	sadd.s32 $0x2080, s9;
	[sflag:s4] =	ssyncadd.s32 $0xFFFFD800  }
0xb7: {  	[spmem:s1] =	stream.indirect.scatter.add.f32 [tilespmem:s14], [sflag:$0x3], $0x80, s9, s31, $0xb8;
	[tilespmem:$0x1D000] =	vst v63  }
0xb8: {  	_ =	swait.ge [sflag:s29], $0x2800  }
0xb9: {  	s10 =	smov.u32 s13;
	s9 =	sshra.s32 s12, $0x2;
	[sflag:s29] =	ssyncset.done $0x0  }
0xba: {  	s10 =	sadd.s32 $0x80, s9;
	[sflag:s29] =	ssyncadd.s32 $0xFFFFD800  }
0xbb: {  	[tilespmem:s14], [sflag:$0x2] =	stream.indirect.gather [hbm4b:s0+s31], $0x80, s10, s31, $0xb8;
	[tilespmem:$0x1D000] =	vst v63  }
0xbc: {  	_ =	swait.ge [sflag:s3], $0x2800  }
0xbd: {  	[sflag:s3] =	ssyncset.done $0x0  }
0xbe: {  	s12 =	sadd.s32 $0x2000, s9;
	[sflag:s3] =	ssyncadd.s32 $0xFFFFD800  }
0xbf: {  	[spmem:s1] =	stream.indirect.scatter.add.f32 [tilespmem:s28], [sflag:$0x3], $0x80, s12, s31, $0xb8;
	[tilespmem:$0x1D000] =	vst v63  }
0xc0: {  	_ =	swait.ge [sflag:s29], $0x2800  }
0xc1: {  	[sflag:s29] =	ssyncset.done $0x0  }
0xc2: {  	s13 =	sadd.s32 $0x100, s9;
	[sflag:s29] =	ssyncadd.s32 $0xFFFFD800  }
0xc3: {  	[tilespmem:s28], [sflag:$0x1] =	stream.indirect.gather [hbm4b:s0+s31], $0x80, s13, s31, $0xb8;
	[tilespmem:$0x1D000] =	vst v63  }
0xc4: {  	_ =	swait.ge [sflag:s4], $0x2800  }
0xc5: {  	[sflag:s4] =	ssyncset.done $0x0  }
0xc6: {  	s11 =	sadd.s32 $0x2080, s9;
	[sflag:s4] =	ssyncadd.s32 $0xFFFFD800  }
0xc7: {  	[spmem:s1] =	stream.indirect.scatter.add.f32 [tilespmem:s14], [sflag:$0x3], $0x80, s11, s31, $0xb8;
	[tilespmem:$0x1D000] =	vst v63  }
0xc8: {  	_ =	swait.ge [sflag:s29], $0x2800  }
0xc9: {  	[sflag:s29] =	ssyncset.done $0x0  }
0xca: {  	[sflag:s29] =	ssyncadd.s32 $0xFFFFD800  }
0xcb: {  	[tilespmem:s14], [sflag:$0x2] =	stream.indirect.gather [hbm4b:s0+s31], $0x80, s5, s31, $0xb8;
	[tilespmem:$0x1D000] =	vst v63  }
0xcc: {  	_ =	swait.ge [sflag:s3], $0x2800  }
0xcd: {  	[sflag:s3] =	ssyncset.done $0x0  }
0xce: {  	[sflag:s3] =	ssyncadd.s32 $0xFFFFD800  }
0xcf: {  	[spmem:s1] =	stream.indirect.scatter.add.f32 [tilespmem:s28], [sflag:$0x3], $0x80, s6, s31, $0xb8;
	[tilespmem:$0x1D000] =	vst v63  }
0xd0: {  	_ =	swait.ge [sflag:s29], $0x2800  }
0xd1: {  	[sflag:s29] =	ssyncset.done $0x0  }
0xd2: {  	[sflag:s29] =	ssyncadd.s32 $0xFFFFD800  }
0xd3: {  	_ =	swait.ge [sflag:s4], $0x2800  }
0xd4: {  	[sflag:s4] =	ssyncset.done $0x0  }
0xd5: {  	[sflag:s4] =	ssyncadd.s32 $0xFFFFD800  }
0xd6: {  	[spmem:s1] =	stream.indirect.scatter.add.f32 [tilespmem:s14], [sflag:$0x3], $0x80, s7, s31, $0xb8;
	[tilespmem:$0x1D000] =	vst v63  }
0xd7: {  	_ =	swait.ge [sflag:s29], $0x2800  }
0xd8: {  	[sflag:s29] =	ssyncset.done $0x0  }
0xd9: {  	[sflag:s29] =	ssyncadd.s32 $0xFFFFD800  }
0xda: {  	[bflag:$0x0] =	sbarrier.arrive $0xFFFF  }
0xdb: {  	[tilespmem:s28], [sflag:$0x3] =	stream.linear.gather [spmem:s18], $0x2800, $0x38;
	[tilespmem:$0x1D000] =	vst v63  }
0xdc: {  	_ =	swait.ge [sflag:s29], $0x2800  }
0xdd: {  	[sflag:s29] =	ssyncset.done $0x0  }
0xde: {  	s12 =	rddreg [dreg:$0x8];
	[sflag:s29] =	ssyncadd.s32 $0xFFFFD800  }
0xdf: {  	[hbm4b:s12+s2] =	stream.linear.scatter [tilespmem:s28], [sflag:$0x3], $0x2800, $0x38;
	[tilespmem:$0x1D000] =	vst v63  }
0xe0: {  	_ =	swait.ge [sflag:s29], $0x2800  }
0xe1: {  	[sflag:s29] =	ssyncset.done $0x0  }
0xe2: {  	[sflag:s29] =	ssyncadd.s32 $0xFFFFD800  }
0xe3: {  	[tilespmem:s28], [sflag:$0x3] =	stream.linear.gather [spmem:s20], $0x2800, $0x38;
	[tilespmem:$0x1D000] =	vst v63  }
0xe4: {  	_ =	swait.ge [sflag:s29], $0x2800  }
0xe5: {  	[sflag:s29] =	ssyncset.done $0x0  }
0xe6: {  	s13 =	rddreg [dreg:$0x9];
	[sflag:s29] =	ssyncadd.s32 $0xFFFFD800  }
0xe7: {  	[hbm4b:s13+s2] =	stream.linear.scatter [tilespmem:s28], [sflag:$0x3], $0x2800, $0x38;
	[tilespmem:$0x1D000] =	vst v63  }
0xe8: {  	_ =	swait.ge [sflag:s29], $0x2800  }
0xe9: {  	[sflag:s29] =	ssyncset.done $0x0  }
0xea: {  	[sflag:s29] =	ssyncadd.s32 $0xFFFFD800  }
0xeb: {  	[tilespmem:s28], [sflag:$0x3] =	stream.linear.gather [spmem:s21], $0x2800, $0x38;
	[tilespmem:$0x1D000] =	vst v63  }
0xec: {  	_ =	swait.ge [sflag:s29], $0x2800  }
0xed: {  	[sflag:s29] =	ssyncset.done $0x0  }
0xee: {  	s10 =	rddreg [dreg:$0xa];
	[sflag:s29] =	ssyncadd.s32 $0xFFFFD800  }
0xef: {  	[hbm4b:s10+s2] =	stream.linear.scatter [tilespmem:s28], [sflag:$0x3], $0x2800, $0x38;
	[tilespmem:$0x1D000] =	vst v63  }
0xf0: {  	_ =	swait.ge [sflag:s29], $0x2800  }
0xf1: {  	[sflag:s29] =	ssyncset.done $0x0  }
0xf2: {  	[sflag:s29] =	ssyncadd.s32 $0xFFFFD800  }
0xf3: {  	[tilespmem:s28], [sflag:$0x3] =	stream.linear.gather [spmem:s22], $0x2800, $0x38;
	[tilespmem:$0x1D000] =	vst v63  }
0xf4: {  	_ =	swait.ge [sflag:s29], $0x2800  }
0xf5: {  	[sflag:s29] =	ssyncset.done $0x0  }
0xf6: {  	s11 =	rddreg [dreg:$0xb];
	[sflag:s29] =	ssyncadd.s32 $0xFFFFD800  }
0xf7: {  	[hbm4b:s11+s2] =	stream.linear.scatter [tilespmem:s28], [sflag:$0x3], $0x2800, $0x38;
	[tilespmem:$0x1D000] =	vst v63  }
0xf8: {  	_ =	swait.ge [sflag:s29], $0x2800  }
0xf9: {  	[sflag:s29] =	ssyncset.done $0x0  }
0xfa: {  	[sflag:s29] =	ssyncadd.s32 $0xFFFFD800  }
0xfb: {  	[tilespmem:s28], [sflag:$0x3] =	stream.linear.gather [spmem:s23], $0x2800, $0x38;
	[tilespmem:$0x1D000] =	vst v63  }
0xfc: {  	_ =	swait.ge [sflag:s29], $0x2800  }
0xfd: {  	[sflag:s29] =	ssyncset.done $0x0  }
0xfe: {  	s12 =	rddreg [dreg:$0xc];
	[sflag:s29] =	ssyncadd.s32 $0xFFFFD800  }
0xff: {  	[hbm4b:s12+s2] =	stream.linear.scatter [tilespmem:s28], [sflag:$0x3], $0x2800, $0x38;
	[tilespmem:$0x1D000] =	vst v63  }
0x100: {  	_ =	swait.ge [sflag:s29], $0x2800  }
0x101: {  	[sflag:s29] =	ssyncset.done $0x0  }
0x102: {  	[sflag:s29] =	ssyncadd.s32 $0xFFFFD800  }
0x103: {  	[tilespmem:s28], [sflag:$0x3] =	stream.linear.gather [spmem:s24], $0x2800, $0x38;
	[tilespmem:$0x1D000] =	vst v63  }
0x104: {  	_ =	swait.ge [sflag:s29], $0x2800  }
0x105: {  	[sflag:s29] =	ssyncset.done $0x0  }
0x106: {  	s13 =	rddreg [dreg:$0xd];
	[sflag:s29] =	ssyncadd.s32 $0xFFFFD800  }
0x107: {  	[hbm4b:s13+s2] =	stream.linear.scatter [tilespmem:s28], [sflag:$0x3], $0x2800, $0x38;
	[tilespmem:$0x1D000] =	vst v63  }
0x108: {  	_ =	swait.ge [sflag:s29], $0x2800  }
0x109: {  	[sflag:s29] =	ssyncset.done $0x0  }
0x10a: {  	[sflag:s29] =	ssyncadd.s32 $0xFFFFD800  }
0x10b: {  	[tilespmem:s28], [sflag:$0x3] =	stream.linear.gather [spmem:s25], $0x2800, $0x38;
	[tilespmem:$0x1D000] =	vst v63  }
0x10c: {  	_ =	swait.ge [sflag:s29], $0x2800  }
0x10d: {  	[sflag:s29] =	ssyncset.done $0x0  }
0x10e: {  	[sflag:s29] =	ssyncadd.s32 $0xFFFFD800  }
0x10f: {  	[hbm4b:s15+s2] =	stream.linear.scatter [tilespmem:s28], [sflag:$0x3], $0x2800, $0x38;
	[tilespmem:$0x1D000] =	vst v63  }
0x110: {  	_ =	swait.ge [sflag:s29], $0x2800  }
0x111: {  	[sflag:s29] =	ssyncset.done $0x0  }
0x112: {  	[sflag:s29] =	ssyncadd.s32 $0xFFFFD800  }
0x113: {  	[tilespmem:s28], [sflag:$0x3] =	stream.linear.gather [spmem:s26], $0x2800, $0x38;
	[tilespmem:$0x1D000] =	vst v63  }
0x114: {  	s8 =	sadd.s32 $0x1, s8;
	_ =	swait.ge [sflag:s29], $0x2800  }
0x115: {  	p0 =	sne.s32 s8, s19;
	[sflag:s29] =	ssyncset.done $0x0  }
.Ltmp2:
0x116: {  	[sflag:s29] =	ssyncadd.s32 $0xFFFFD800;
	(pc) =	sbr.rel @p0 .LBB2_1-.Ltmp2, $4  }
0x117: {  	[hbm4b:s16+s2] =	stream.linear.scatter [tilespmem:s28], [sflag:$0x3], $0x2800, $0x38;
	[tilespmem:$0x1D000] =	vst v63  }
0x118: {  	_ =	swait.ge [sflag:s29], $0x2800  }
0x119: {  	[sflag:s29] =	ssyncset.done $0x0  }
0x11a: {  	[sflag:s29] =	ssyncadd.s32 $0xFFFFD800  }
0x11b: {  	_ =	sfence.sel $0x180000  }
0x11c: {  	[bflag:$0x0] =	sbarrier.arrive $0xFFFF  }
0x11d: {  	_ =	strace $0x9000004D  }
0x11e: {  	s0 =	stileid.u32;
	[bflag:$0x2] =	sbarrier.arrive $0xFFFF  }
0x11f: {  	p0 =	sne.s32 s0, $0x0;
	s0 =	rddreg [dreg:$0x3]  }
0x120: {  	s0 =	sadd.s32 @!p0 $0x100000, s0  }
0x121: {  	[sflag:s0] =	ssyncadd.tile.s32 @!p0 $0x1;
	_ =	shalt  }
.Lfunc_end2:
_tile_overlayer_lowered:
.L_overlay_start_2:
0x122: {  	(tag) =	ssettag $0x2  }
0x123: {  	s0 =	rddreg [dreg:$0x0];
	s2 =	stileid.u32  }
0x124: {  	s1 =	rddreg [dreg:$0x1];
	p0 =	sne.s32 s2, $0x0  }
0x125: {  	s3 =	rddreg [dreg:$0x2];
	[bflag:$0x3] =	sbarrier.arrive $0xFFFF;
	s2 =	simm.s32 @!p0 $0x1C03  }
0x126: {  	[timem:s3], [sflag:s2] =	dma.local @!p0 [hbm:s0], s1  }
0x127: {  	s0 =	simm.s32 @!p0 $0x3  }
0x128: {  	_ =	swait.ge @!p0 [sflag:s0], s1  }
0x129: {  	s1 =	ssub.s32 @!p0 $0x0, s1;
	[sflag:s0] =	ssyncset.done @!p0 $0x0  }
0x12a: {  	[sflag:s0] =	ssyncadd.s32 @!p0 s1  }
0x12b: {  	[bflag:$0x3] =	sbarrier.arrive $0xFFFF  }
0x12c: {  	_ =	shalt  }

// kernel: kernel.8.cloned.1.call-start
scs
__scs_entry_jumppad:
0x0: {  	(pc) =	sbr.rel $0x88, $3  }
0x1: {  	(tag) =	ssettag $0x0;
	lr =	simm.s32 $0x1  }
0x2: {  	[smem:$0x3F9B] =	sst lr;
	_ =	strace $0xD0000000  }
0x3: {  	_ = 	snop  }
0x4: {  	_ = 	snop  }
0x5: {  	_ = 	snop  }
0x6: {  	_ = 	snop  }
0x7: {  	_ = 	snop  }
__scs_overlays_trampoline_lowered:
0x8: {  	[smem:$0x3FAA] =	sst s0  }
0x9: {  	[smem:$0x3FAB] =	sst s1  }
0xa: {  	[smem:$0x3FAC] =	sst s2  }
0xb: {  	[smem:$0x3FAD] =	sst s3  }
0xc: {  	[smem:$0x3FAE] =	sst s4  }
0xd: {  	[smem:$0x3FAF] =	sst s5  }
0xe: {  	[smem:$0x3FB0] =	sst s6  }
0xf: {  	[smem:$0x3FB1] =	sst s7  }
0x10: {  	[smem:$0x3FB2] =	sst s8  }
0x11: {  	[smem:$0x3FB3] =	sst s9;
	s0 =	simm.s32 @!p0 $0x0  }
0x12: {  	s1 =	sld [smem:$0x3F99];
	s0 =	simm.s32 @p0 $0x1  }
0x13: {  	[smem:$0x3FB4] =	sst s0;
	s0 =	simm.s32 @!p1 $0x0  }
0x14: {  	s2 =	sld [smem:$0x3F98];
	s0 =	simm.s32 @p1 $0x1  }
0x15: {  	[smem:$0x3FB5] =	sst s0;
	s0 =	simm.s32 @!p2 $0x0  }
0x16: {  	s3 =	sld [smem:$0x3FDB];
	s0 =	simm.s32 @p2 $0x1  }
0x17: {  	s4 =	simm.s32 $0x1BF5;
	[smem:$0x3FB7] =	sst s0  }
0x18: {  	s0 =	sld [smem:$0x3F9A];
	_ =	swait.ge [sflag:s4], $0x0  }
0x19: {  	s7 =	sld [smem:$0x3F9B]  }
0x1a: {  	s8 =	sadd.s32 $0xFFFFE003, lr  }
0x1b: {  	s9 =	sadd.s32 $0xFFFFFEF7, lr;
	s5 =	simm.s32 $0xFFFFFFFF;
	p2 =	slt.u32 s8, $0xFFFFF086  }
0x1c: {  	p1 =	slt.u32 s9, $0xF7A;
	s5 =	simm.s32 @!p2 $0x0  }
0x1d: {  	s5 =	simm.s32 @p1 $0x1;
	p0 =	seq.s32 s7, s2  }
0x1e: {  	s7 =	smul.u32 @!p0 $0xF7A, s2;
	p2 =	seq.s32 @!p0 s5, $0x0  }
0x1f: {  	s9 =	smul.u32 $0xF7A, s1;
	s8 =	simm.s32 @!p0 $0x1BF5;
	p2 =	por !p2, p0  }
0x20: {  	[sflag:s8] =	ssyncset.s32 @!p0 $0xFFFFF086;
	s6 =	sadd.s32 @!p0 s3, s7;
	s7 =	simm.s32 @!p0 $0x108  }
0x21: {  	s3 =	sadd.s32 s3, s9;
	s6 =	sadd.s32 @!p0 $0x88, s6;
	s7 =	simm.s32 @p2 $0x1082  }
0x22: {  	[simem:s7], [sflag:s8] =	dma.local @!p0 [hbm:s6], $0xF7A  }
0x23: {  	s9 =	sor.u32 $0xD0000000, s2;
	s6 =	simm.s32 $0x108;
	_ =	swait.ge @!p0 [sflag:s8], $0x0  }
0x24: {  	s3 =	sadd.s32 $0x88, s3;
	s6 =	simm.s32 @!p1 $0x1082;
	[sflag:s4] =	ssyncset.s32 $0xFFFFF086  }
0x25: {  	[simem:s6], [sflag:s4] =	dma.local [hbm:s3], $0xF7A  }
0x26: {  	[smem:$0x3F9B] =	sst s1;
	(tag) =	ssettag s2;
	_ =	strace s9  }
0x27: {  	s1 =	sld [smem:$0x3FAB]  }
0x28: {  	s2 =	sld [smem:$0x3FAC]  }
0x29: {  	s4 =	sld [smem:$0x3FAE]  }
0x2a: {  	p0 =	seq.s32 s5, $0x0;
	s5 =	sld [smem:$0x3FAF]  }
0x2b: {  	s6 =	sld [smem:$0x3FB0]  }
0x2c: {  	s7 =	sld [smem:$0x3FB1]  }
0x2d: {  	s3 =	simm.s32 $0x108;
	s8 =	sld [smem:$0x3FB2]  }
0x2e: {  	s3 =	simm.s32 @!p0 $0x1082;
	s9 =	sld [smem:$0x3FB3]  }
0x2f: {  	lr =	sadd.s32 s0, s3;
	s0 =	sld [smem:$0x3FAA]  }
0x30: {  	s3 =	sld [smem:$0x3FAD]  }
0x31: {  	[smem:$0x3FB6] =	sst s10  }
0x32: {  	s10 =	sld [smem:$0x3FB4];
	_ =	sdelay $0x3  }
0x33: {  	p0 =	seq.s32 s10, $0x1;
	s10 =	sld [smem:$0x3FB6];
	_ =	sdelay $0x3  }
0x34: {  	[smem:$0x3FB6] =	sst s10  }
0x35: {  	s10 =	sld [smem:$0x3FB5];
	_ =	sdelay $0x3  }
0x36: {  	p1 =	seq.s32 s10, $0x1;
	s10 =	sld [smem:$0x3FB6];
	_ =	sdelay $0x3  }
0x37: {  	[smem:$0x3FB6] =	sst s10  }
0x38: {  	s10 =	sld [smem:$0x3FB7]  }
0x39: {  	_ = 	snop;
	(pc) =	sbr.ind lr, $3  }
0x3a: {  	_ = 	snop  }
0x3b: {  	_ = 	snop  }
0x3c: {  	p2 =	seq.s32 s10, $0x1;
	s10 =	sld [smem:$0x3FB6]  }
0x3d: {  	_ =	shalt  }
0x3e: {  	_ =	shalt  }
0x3f: {  	_ =	shalt  }
0x40: {  	_ =	shalt  }
0x41: {  	_ =	shalt  }
0x42: {  	_ =	shalt  }
0x43: {  	_ =	shalt  }
0x44: {  	_ =	shalt  }
0x45: {  	_ =	shalt  }
0x46: {  	_ =	shalt  }
0x47: {  	_ =	shalt  }
0x48: {  	_ =	shalt  }
0x49: {  	_ =	shalt  }
0x4a: {  	_ =	shalt  }
0x4b: {  	_ =	shalt  }
0x4c: {  	_ =	shalt  }
0x4d: {  	_ =	shalt  }
0x4e: {  	_ =	shalt  }
0x4f: {  	_ =	shalt  }
0x50: {  	_ =	shalt  }
0x51: {  	_ =	shalt  }
0x52: {  	_ =	shalt  }
0x53: {  	_ =	shalt  }
0x54: {  	_ =	shalt  }
0x55: {  	_ =	shalt  }
0x56: {  	_ =	shalt  }
0x57: {  	_ =	shalt  }
0x58: {  	_ =	shalt  }
0x59: {  	_ =	shalt  }
0x5a: {  	_ =	shalt  }
0x5b: {  	_ =	shalt  }
0x5c: {  	_ =	shalt  }
0x5d: {  	_ =	shalt  }
0x5e: {  	_ =	shalt  }
0x5f: {  	_ =	shalt  }
0x60: {  	_ =	shalt  }
0x61: {  	_ =	shalt  }
0x62: {  	_ =	shalt  }
0x63: {  	_ =	shalt  }
0x64: {  	_ =	shalt  }
0x65: {  	_ =	shalt  }
0x66: {  	_ =	shalt  }
0x67: {  	_ =	shalt  }
0x68: {  	_ =	shalt  }
0x69: {  	_ =	shalt  }
0x6a: {  	_ =	shalt  }
0x6b: {  	_ =	shalt  }
0x6c: {  	_ =	shalt  }
0x6d: {  	_ =	shalt  }
0x6e: {  	_ =	shalt  }
0x6f: {  	_ =	shalt  }
0x70: {  	_ =	shalt  }
0x71: {  	_ =	shalt  }
0x72: {  	_ =	shalt  }
0x73: {  	_ =	shalt  }
0x74: {  	_ =	shalt  }
0x75: {  	_ =	shalt  }
0x76: {  	_ =	shalt  }
0x77: {  	_ =	shalt  }
0x78: {  	_ =	shalt  }
0x79: {  	_ =	shalt  }
0x7a: {  	_ =	shalt  }
0x7b: {  	_ =	shalt  }
0x7c: {  	_ =	shalt  }
0x7d: {  	_ =	shalt  }
0x7e: {  	_ =	shalt  }
0x7f: {  	_ =	shalt  }
0x80: {  	_ =	shalt  }
0x81: {  	_ =	shalt  }
0x82: {  	_ =	shalt  }
0x83: {  	_ =	shalt  }
0x84: {  	_ =	shalt  }
0x85: {  	_ =	shalt  }
0x86: {  	_ =	shalt  }
0x87: {  	_ =	shalt  }
.Lfunc_end0:
.L_simem_size_0:
called_computation_lowered:
.L_overlay_start_0:
0x88: {  	s2 =	sld [smem:$0x3FD9]  }
0x89: {  	s3 =	sld [smem:$0x3FFE];
	_ =	sdelay $0x1  }
0x8a: {  	s1 =	srdreg.scid  }
0x8b: {  	s0 =	sand.u32 $0x1, s1  }
0x8c: {  	s17 =	sshll.u32 s0, $0xA;
	s2 =	sadd.s32 s3, s2  }
0x8d: {  	s2 =	sadd.s32 s2, s17  }
0x8e: {  	[smem:$0x3FC2] =	sst s2  }
0x8f: {  	_ = 	snop  }
0x90: {  	s2 =	sld [smem:$0x3FD0];
	(tm) =	ssettm $0x1  }
0x91: {  	s18 =	sld [smem:$0x3FFB];
	_ =	sdelay $0x3  }
0x92: {  	_ =	strace s18  }
0x93: {  	s3 =	sld [smem:$0x3FFC];
	_ =	sdelay $0x3  }
0x94: {  	_ =	strace s3  }
0x95: {  	s3 =	sld [smem:$0x3FFD];
	_ =	sdelay $0x3  }
0x96: {  	_ =	strace s3  }
0x97: {  	_ =	strace $0x8FFFFFFF  }
0x98: {  	s19 =	sld [smem:$0x3FDB];
	_ =	sdelay $0x1  }
0x99: {  	s4 =	simm.s32 $_scs_section_size  }
0x9a: {  	s5 =	simm.s32 $_size__tile_overlayer_lowered;
	s6 =	simm.s32 $_tile_overlayer_lowered  }
0x9b: {  	s22 =	simm.s32 $0x1BFF;
	s21 =	sshll.u32 s6, $0x1;
	s3 =	sadd.s32 s4, s19  }
0x9c: {  	s7 =	simm.s32 $0x0;
	s20 =	sshll.u32 s5, $0x1;
	s5 =	sadd.s32 s21, s3  }
0x9d: {  	[timem:s7], [sflag:s22] =	dma.local [hbm:s5], s20  }
0x9e: {  	_ =	swait.ge [sflag:s22], s20  }
0x9f: {  	s4 =	ssub.s32 $0x0, s20;
	[sflag:s22] =	ssyncset.done $0x0  }
0xa0: {  	[sflag:s22] =	ssyncadd.s32 s4;
	_ =	sdelay $0x1  }
0xa1: {  	s23 =	simm.s32 $0x1B8B  }
0xa2: {  	_ =	swait.ge [sflag:s23], $0x1  }
0xa3: {  	[sflag:s23] =	ssyncset.done $0x0  }
0xa4: {  	s25 =	simm.s32 $0x1B8E;
	s24 =	sld [smem:$0x3FFE];
	[sflag:s23] =	ssyncadd.s32 $0xFFFFFFFF  }
0xa5: {  	s26 =	simm.s32 $execute0_lowered;
	[smem:$0x3FD2] =	sst s25  }
0xa6: {  	s5 =	sshll.u32 s26, $0x1;
	_ =	strace $0x80000046;
	[dreg:$0x1] =	wrdreg $0xFFFFFFFF  }
0xa7: {  	s28 =	simm.s32 $_size_execute0_lowered;
	s3 =	sadd.s32 s3, s5;
	[dreg:$0x0] =	wrdreg $0x0  }
0xa8: {  	s5 =	sshll.u32 s28, $0x1;
	[dreg:$0x2] =	wrdreg s3  }
0xa9: {  	[dreg:$0x3] =	wrdreg s5  }
0xaa: {  	[dreg:$0x4] =	wrdreg $0xC0  }
0xab: {  	_ =	task [dreg:s7], $0x5FFFF  }
0xac: {  	[dreg:$0x1] =	wrdreg $0xFFFFFFFF  }
0xad: {  	[dreg:$0x0] =	wrdreg $0x60  }
0xae: {  	[dreg:$0x2] =	wrdreg s24  }
0xaf: {  	[dreg:$0x3] =	wrdreg s2  }
0xb0: {  	[dreg:$0x4] =	wrdreg $0x68000  }
0xb1: {  	[dreg:$0x5] =	wrdreg $0x9  }
0xb2: {  	_ =	task.clear_ibuf [dreg:s7], $0x6FFFF;
	_ =	strace $0x90000046  }
0xb3: {  	s29 =	simm.s32 $0x9;
	_ =	strace $0x80000048  }
0xb4: {  	_ =	swait.ge [sflag:s29], $0x1  }
0xb5: {  	[sflag:s29] =	ssyncadd.s32 $0xFFFFFFFF  }
0xb6: {  	_ =	strace $0x90000048  }
0xb7: {  	_ =	sfence  }
0xb8: {  	s30 =	sld [smem:$0x0];
	_ =	sdelay $0x2  }
0xb9: {  	s31 =	sshll.u32 s1, $0xD;
	s1 =	sshrl.u32 s1, $0x2  }
0xba: {  	s3 =	sand.u32 $0x4000, s31;
	s1 =	sadd.s32 s1, s30  }
0xbb: {  	s0 =	sor.u32 s3, s0;
	s1 =	sshll.u32 s1, $0x11  }
0xbc: {  	s0 =	sor.u32 s1, s0  }
0xbd: {  	s0 =	sadd.s32 $0x8F2B, s0  }
0xbe: {  	[sflag:s0] =	ssyncadd.remote.s32 $0x1  }
0xbf: {  	_ =	sfence.sel $0xFFFF  }
0xc0: {  	[dreg:$0x0] =	wrdreg $0xFFFFFFFF;
	(pc) =	sbr.abs _section_cstart, $3  }
0xc1: {  	[dreg:$0x1] =	wrdreg $0xFFFFFFFF  }
0xc2: {  	_ =	task.clear_ibuf [dreg:s7], $0x2FFFF;
	_ =	strace $0x9FFFFFFF  }
0xc3: {  	(tm) =	ssettm $0x7FFFFFFF  }
tec
execute0_lowered:
.L_overlay_start_1:
0x0: {  	(tag) =	ssettag $0x1  }
0x1: {  	s6 =	rddreg [dreg:$0x0]  }
0x2: {  	s1 =	rddreg [dreg:$0x1]  }
0x3: {  	s3 =	rddreg [dreg:$0x2]  }
0x4: {  	s0 =	rddreg [dreg:$0x3];
	s4 =	simm.s32 $0x0  }
0x5: {  	s2 =	stileid.u32;
	s5 =	srdreg.scid;
	s28 =	simm.s32 $0x0  }
0x6: {  	[smem:$0x7FF] =	sst s4;
	s7 =	sshll.u32 s2, $0xB;
	s8 =	sand.u32 $0x1, s5  }
0x7: {  	s5 =	sadd.s32 $0x12200, s6;
	s12 =	smul.u32 $0x50000, s2;
	s23 =	sadd.s32 $0x12800, s6  }
0x8: {  	s15 =	smul.u32 $0x14000, s2;
	_ =	strace $0x80000047;
	s7 =	sadd.s32 s7, s6  }
0x9: {  	s9 =	ssub.s32 $0x2, s8;
	s11 =	sshll.u32 s8, $0xF;
	s21 =	smul.u32 $0x140000, s8  }
0xa: {  	s10 =	sshrl.u32 s9, $0x1;
	s26 =	sadd.s32 s11, s7;
	s29 =	sshrl.u32 s12, $0x2  }
0xb: {  	s16 =	sor.u32 $0x2800, s15;
	s18 =	sadd.s32 $0x5000, s15;
	s19 =	sadd.s32 $0x7800, s15  }
0xc: {  	s20 =	sadd.s32 $0xA000, s15;
	s22 =	sadd.s32 $0xC800, s15;
	s24 =	sadd.s32 $0xF000, s15  }
0xd: {  	s25 =	sadd.s32 $0x11800, s15;
	s9 =	ssub.s32 s9, s10;
	s6 =	sadd.s32 $0x2200, s26  }
0xe: {  	s7 =	sadd.s32 s29, s3;
	s10 =	sadd.s32 s18, s3;
	s11 =	sadd.s32 s19, s3  }
0xf: {  	s12 =	sadd.s32 s20, s3;
	s13 =	sadd.s32 s22, s3;
	s14 =	sadd.s32 s24, s3  }
0x10: {  	s17 =	sadd.s32 s21, s15;
	s15 =	sadd.s32 s25, s3;
	s18 =	sadd.s32 s21, s18  }
0x11: {  	s19 =	sadd.s32 s21, s19;
	s20 =	sadd.s32 s21, s20;
	s22 =	sadd.s32 s21, s22  }
0x12: {  	s24 =	sadd.s32 s21, s24;
	s25 =	sadd.s32 s21, s25;
	s8 =	smax.u32 s9, $0x1  }
0x13: {  	s9 =	sadd.s32 s16, s3;
	s16 =	sadd.s32 s21, s16;
	s17 =	sshrl.u32 s17, $0x3  }
0x14: {  	s18 =	sshrl.u32 s18, $0x3;
	s19 =	sshrl.u32 s19, $0x3;
	s20 =	sshrl.u32 s20, $0x3  }
0x15: {  	s22 =	sshrl.u32 s22, $0x3;
	s30 =	sshrl.u32 s24, $0x3;
	s31 =	sshrl.u32 s25, $0x3  }
0x16: {  	s24 =	simm.s32 $0x4000;
	s25 =	simm.s32 $0x1;
	s26 =	sshrl.u32 s16, $0x3  }
0x17: {  	s16 =	sadd.s32 s23, s17;
	s18 =	sadd.s32 s23, s18;
	s19 =	sadd.s32 s23, s19  }
0x18: {  	s20 =	sadd.s32 s23, s20;
	s21 =	sadd.s32 s23, s22;
	s22 =	sadd.s32 s23, s30  }
0x19: {  	s17 =	sadd.s32 s23, s26;
	s23 =	sadd.s32 s23, s31;
	s26 =	simm.s32 $0x50  }
.LBB2_1:
0x1a: {  	[tilespmem:s24], [sflag:$0x1] =	stream.linear.gather [hbm4b:s5+s4], $0x2800, $0x38;
	[tilespmem:$0x1A800] =	vst v63  }
0x1b: {  	_ =	swait.ge [sflag:s25], $0x2800  }
0x1c: {  	[sflag:s25] =	ssyncset.done $0x0  }
0x1d: {  	[sflag:s25] =	ssyncadd.s32 $0xFFFFD800  }
0x1e: {  	[spmem:s7] =	stream.linear.scatter [tilespmem:s24], [sflag:$0x1], $0x2800, $0x38;
	[tilespmem:$0x1A800] =	vst v63  }
0x1f: {  	_ =	swait.ge [sflag:s25], $0x2800  }
0x20: {  	[sflag:s25] =	ssyncset.done $0x0  }
0x21: {  	[sflag:s25] =	ssyncadd.s32 $0xFFFFD800  }
0x22: {  	[spmem:s9] =	stream.linear.scatter [tilespmem:s24], [sflag:$0x1], $0x2800, $0x38;
	[tilespmem:$0x1A800] =	vst v63  }
0x23: {  	_ =	swait.ge [sflag:s25], $0x2800  }
0x24: {  	[sflag:s25] =	ssyncset.done $0x0  }
0x25: {  	[sflag:s25] =	ssyncadd.s32 $0xFFFFD800  }
0x26: {  	[spmem:s10] =	stream.linear.scatter [tilespmem:s24], [sflag:$0x1], $0x2800, $0x38;
	[tilespmem:$0x1A800] =	vst v63  }
0x27: {  	_ =	swait.ge [sflag:s25], $0x2800  }
0x28: {  	[sflag:s25] =	ssyncset.done $0x0  }
0x29: {  	[sflag:s25] =	ssyncadd.s32 $0xFFFFD800  }
0x2a: {  	[spmem:s11] =	stream.linear.scatter [tilespmem:s24], [sflag:$0x1], $0x2800, $0x38;
	[tilespmem:$0x1A800] =	vst v63  }
0x2b: {  	_ =	swait.ge [sflag:s25], $0x2800  }
0x2c: {  	[sflag:s25] =	ssyncset.done $0x0  }
0x2d: {  	[sflag:s25] =	ssyncadd.s32 $0xFFFFD800  }
0x2e: {  	[spmem:s12] =	stream.linear.scatter [tilespmem:s24], [sflag:$0x1], $0x2800, $0x38;
	[tilespmem:$0x1A800] =	vst v63  }
0x2f: {  	_ =	swait.ge [sflag:s25], $0x2800  }
0x30: {  	[sflag:s25] =	ssyncset.done $0x0  }
0x31: {  	[sflag:s25] =	ssyncadd.s32 $0xFFFFD800  }
0x32: {  	[spmem:s13] =	stream.linear.scatter [tilespmem:s24], [sflag:$0x1], $0x2800, $0x38;
	[tilespmem:$0x1A800] =	vst v63  }
0x33: {  	_ =	swait.ge [sflag:s25], $0x2800  }
0x34: {  	[sflag:s25] =	ssyncset.done $0x0  }
0x35: {  	[sflag:s25] =	ssyncadd.s32 $0xFFFFD800  }
0x36: {  	[spmem:s14] =	stream.linear.scatter [tilespmem:s24], [sflag:$0x1], $0x2800, $0x38;
	[tilespmem:$0x1A800] =	vst v63  }
0x37: {  	_ =	swait.ge [sflag:s25], $0x2800  }
0x38: {  	[sflag:s25] =	ssyncset.done $0x0  }
0x39: {  	[sflag:s25] =	ssyncadd.s32 $0xFFFFD800  }
0x3a: {  	[spmem:s15] =	stream.linear.scatter [tilespmem:s24], [sflag:$0x1], $0x2800, $0x38;
	[tilespmem:$0x1A800] =	vst v63  }
0x3b: {  	_ =	swait.ge [sflag:s25], $0x2800  }
0x3c: {  	[sflag:s25] =	ssyncset.done $0x0  }
0x3d: {  	[sflag:s25] =	ssyncadd.s32 $0xFFFFD800  }
0x3e: {  	[tilespmem:s4], [sflag:$0x1] =	stream.linear.gather [hbm4b:s6+s4], $0x4000, $0x38;
	[tilespmem:$0x1A800] =	vst v63  }
0x3f: {  	_ =	swait.ge [sflag:s25], $0x4000  }
0x40: {  	[sflag:s25] =	ssyncset.done $0x0  }
0x41: {  	[sflag:s25] =	ssyncadd.s32 $0xFFFFC000  }
0x42: {  	[tilespmem:s24], [sflag:$0x1] =	stream.linear.gather [hbm4b:s1+s4], $0x2800, $0x38;
	[tilespmem:$0x1A800] =	vst v63  }
0x43: {  	_ =	swait.ge [sflag:s25], $0x2800  }
0x44: {  	[sflag:s25] =	ssyncset.done $0x0  }
0x45: {  	[sflag:s25] =	ssyncadd.s32 $0xFFFFD800  }
0x46: {  	s29 =	simm.s32 $0x0;
	[bflag:$0x0] =	sbarrier.arrive $0xFFFF  }
0x47: {  	[spmem:s3] =	stream.indirect.scatter.add.f32 [tilespmem:s24], [sflag:$0x1], $0x80, s29, s26, $0xb8;
	[tilespmem:$0x1A800] =	vst v63  }
0x48: {  	_ =	swait.ge [sflag:s25], $0x2800  }
0x49: {  	s29 =	simm.s32 $0x200;
	[sflag:s25] =	ssyncset.done $0x0  }
.LBB2_2:
0x4a: {  	s30 =	sshra.s32 s29, $0x2;
	[sflag:s25] =	ssyncadd.s32 $0xFFFFD800;
	p0 =	sne.s32 s29, $0xFE00  }
0x4b: {  	[spmem:s3] =	stream.indirect.scatter.add.f32 [tilespmem:s24], [sflag:$0x1], $0x80, s30, s26, $0xb8;
	[tilespmem:$0x1A800] =	vst v63  }
.Ltmp0:
0x4c: {  	_ = 	snop;
	(pc) =	sbr.rel @p0 .LBB2_2-.Ltmp0, $4  }
0x4d: {  	_ = 	snop  }
0x4e: {  	s29 =	sadd.s32 $0x200, s29  }
0x4f: {  	_ =	swait.ge [sflag:s25], $0x2800  }
0x50: {  	[sflag:s25] =	ssyncset.done $0x0  }
0x51: {  	[sflag:s25] =	ssyncadd.s32 $0xFFFFD800  }
0x52: {  	[bflag:$0x0] =	sbarrier.arrive $0xFFFF  }
0x53: {  	[tilespmem:s24], [sflag:$0x1] =	stream.linear.gather [spmem:s7], $0x2800, $0x38;
	[tilespmem:$0x1A800] =	vst v63  }
0x54: {  	_ =	swait.ge [sflag:s25], $0x2800  }
0x55: {  	[sflag:s25] =	ssyncset.done $0x0  }
0x56: {  	[sflag:s25] =	ssyncadd.s32 $0xFFFFD800  }
0x57: {  	[hbm4b:s16+s4] =	stream.linear.scatter [tilespmem:s24], [sflag:$0x1], $0x2800, $0x38;
	[tilespmem:$0x1A800] =	vst v63  }
0x58: {  	_ =	swait.ge [sflag:s25], $0x2800  }
0x59: {  	[sflag:s25] =	ssyncset.done $0x0  }
0x5a: {  	[sflag:s25] =	ssyncadd.s32 $0xFFFFD800  }
0x5b: {  	[tilespmem:s24], [sflag:$0x1] =	stream.linear.gather [spmem:s9], $0x2800, $0x38;
	[tilespmem:$0x1A800] =	vst v63  }
0x5c: {  	_ =	swait.ge [sflag:s25], $0x2800  }
0x5d: {  	[sflag:s25] =	ssyncset.done $0x0  }
0x5e: {  	[sflag:s25] =	ssyncadd.s32 $0xFFFFD800  }
0x5f: {  	[hbm4b:s17+s4] =	stream.linear.scatter [tilespmem:s24], [sflag:$0x1], $0x2800, $0x38;
	[tilespmem:$0x1A800] =	vst v63  }
0x60: {  	_ =	swait.ge [sflag:s25], $0x2800  }
0x61: {  	[sflag:s25] =	ssyncset.done $0x0  }
0x62: {  	[sflag:s25] =	ssyncadd.s32 $0xFFFFD800  }
0x63: {  	[tilespmem:s24], [sflag:$0x1] =	stream.linear.gather [spmem:s10], $0x2800, $0x38;
	[tilespmem:$0x1A800] =	vst v63  }
0x64: {  	_ =	swait.ge [sflag:s25], $0x2800  }
0x65: {  	[sflag:s25] =	ssyncset.done $0x0  }
0x66: {  	[sflag:s25] =	ssyncadd.s32 $0xFFFFD800  }
0x67: {  	[hbm4b:s18+s4] =	stream.linear.scatter [tilespmem:s24], [sflag:$0x1], $0x2800, $0x38;
	[tilespmem:$0x1A800] =	vst v63  }
0x68: {  	_ =	swait.ge [sflag:s25], $0x2800  }
0x69: {  	[sflag:s25] =	ssyncset.done $0x0  }
0x6a: {  	[sflag:s25] =	ssyncadd.s32 $0xFFFFD800  }
0x6b: {  	[tilespmem:s24], [sflag:$0x1] =	stream.linear.gather [spmem:s11], $0x2800, $0x38;
	[tilespmem:$0x1A800] =	vst v63  }
0x6c: {  	_ =	swait.ge [sflag:s25], $0x2800  }
0x6d: {  	[sflag:s25] =	ssyncset.done $0x0  }
0x6e: {  	[sflag:s25] =	ssyncadd.s32 $0xFFFFD800  }
0x6f: {  	[hbm4b:s19+s4] =	stream.linear.scatter [tilespmem:s24], [sflag:$0x1], $0x2800, $0x38;
	[tilespmem:$0x1A800] =	vst v63  }
0x70: {  	_ =	swait.ge [sflag:s25], $0x2800  }
0x71: {  	[sflag:s25] =	ssyncset.done $0x0  }
0x72: {  	[sflag:s25] =	ssyncadd.s32 $0xFFFFD800  }
0x73: {  	[tilespmem:s24], [sflag:$0x1] =	stream.linear.gather [spmem:s12], $0x2800, $0x38;
	[tilespmem:$0x1A800] =	vst v63  }
0x74: {  	_ =	swait.ge [sflag:s25], $0x2800  }
0x75: {  	[sflag:s25] =	ssyncset.done $0x0  }
0x76: {  	[sflag:s25] =	ssyncadd.s32 $0xFFFFD800  }
0x77: {  	[hbm4b:s20+s4] =	stream.linear.scatter [tilespmem:s24], [sflag:$0x1], $0x2800, $0x38;
	[tilespmem:$0x1A800] =	vst v63  }
0x78: {  	_ =	swait.ge [sflag:s25], $0x2800  }
0x79: {  	[sflag:s25] =	ssyncset.done $0x0  }
0x7a: {  	[sflag:s25] =	ssyncadd.s32 $0xFFFFD800  }
0x7b: {  	[tilespmem:s24], [sflag:$0x1] =	stream.linear.gather [spmem:s13], $0x2800, $0x38;
	[tilespmem:$0x1A800] =	vst v63  }
0x7c: {  	_ =	swait.ge [sflag:s25], $0x2800  }
0x7d: {  	[sflag:s25] =	ssyncset.done $0x0  }
0x7e: {  	[sflag:s25] =	ssyncadd.s32 $0xFFFFD800  }
0x7f: {  	[hbm4b:s21+s4] =	stream.linear.scatter [tilespmem:s24], [sflag:$0x1], $0x2800, $0x38;
	[tilespmem:$0x1A800] =	vst v63  }
0x80: {  	_ =	swait.ge [sflag:s25], $0x2800  }
0x81: {  	[sflag:s25] =	ssyncset.done $0x0  }
0x82: {  	[sflag:s25] =	ssyncadd.s32 $0xFFFFD800  }
0x83: {  	[tilespmem:s24], [sflag:$0x1] =	stream.linear.gather [spmem:s14], $0x2800, $0x38;
	[tilespmem:$0x1A800] =	vst v63  }
0x84: {  	_ =	swait.ge [sflag:s25], $0x2800  }
0x85: {  	[sflag:s25] =	ssyncset.done $0x0  }
0x86: {  	[sflag:s25] =	ssyncadd.s32 $0xFFFFD800  }
0x87: {  	[hbm4b:s22+s4] =	stream.linear.scatter [tilespmem:s24], [sflag:$0x1], $0x2800, $0x38;
	[tilespmem:$0x1A800] =	vst v63  }
0x88: {  	_ =	swait.ge [sflag:s25], $0x2800  }
0x89: {  	[sflag:s25] =	ssyncset.done $0x0  }
0x8a: {  	[sflag:s25] =	ssyncadd.s32 $0xFFFFD800  }
0x8b: {  	[tilespmem:s24], [sflag:$0x1] =	stream.linear.gather [spmem:s15], $0x2800, $0x38;
	[tilespmem:$0x1A800] =	vst v63  }
0x8c: {  	s28 =	sadd.s32 $0x1, s28;
	_ =	swait.ge [sflag:s25], $0x2800  }
0x8d: {  	p0 =	sne.s32 s28, s8;
	[sflag:s25] =	ssyncset.done $0x0  }
.Ltmp1:
0x8e: {  	[sflag:s25] =	ssyncadd.s32 $0xFFFFD800;
	(pc) =	sbr.rel @p0 .LBB2_1-.Ltmp1, $4  }
0x8f: {  	[hbm4b:s23+s4] =	stream.linear.scatter [tilespmem:s24], [sflag:$0x1], $0x2800, $0x38;
	[tilespmem:$0x1A800] =	vst v63  }
0x90: {  	_ =	swait.ge [sflag:s25], $0x2800  }
0x91: {  	[sflag:s25] =	ssyncset.done $0x0  }
0x92: {  	[sflag:s25] =	ssyncadd.s32 $0xFFFFD800  }
0x93: {  	_ =	sfence.sel $0x180000  }
0x94: {  	[bflag:$0x0] =	sbarrier.arrive $0xFFFF  }
0x95: {  	p0 =	sne.s32 s2, $0x0;
	_ =	strace $0x90000047  }
0x96: {  	s0 =	sadd.s32 @!p0 $0x100000, s0;
	[bflag:$0x2] =	sbarrier.arrive $0xFFFF  }
0x97: {  	[sflag:s0] =	ssyncadd.tile.s32 @!p0 $0x1;
	_ =	shalt  }
.Lfunc_end2:
_tile_overlayer_lowered:
.L_overlay_start_2:
0x98: {  	(tag) =	ssettag $0x2  }
0x99: {  	s0 =	rddreg [dreg:$0x0];
	s2 =	stileid.u32  }
0x9a: {  	s1 =	rddreg [dreg:$0x1];
	p0 =	sne.s32 s2, $0x0  }
0x9b: {  	s3 =	rddreg [dreg:$0x2];
	[bflag:$0x3] =	sbarrier.arrive $0xFFFF;
	s2 =	simm.s32 @!p0 $0x1C01  }
0x9c: {  	[timem:s3], [sflag:s2] =	dma.local @!p0 [hbm:s0], s1  }
0x9d: {  	s0 =	simm.s32 @!p0 $0x1  }
0x9e: {  	_ =	swait.ge @!p0 [sflag:s0], s1  }
0x9f: {  	s1 =	ssub.s32 @!p0 $0x0, s1;
	[sflag:s0] =	ssyncset.done @!p0 $0x0  }
0xa0: {  	[sflag:s0] =	ssyncadd.s32 @!p0 s1  }
0xa1: {  	[bflag:$0x3] =	sbarrier.arrive $0xFFFF  }
0xa2: {  	_ =	shalt  }

</sc_bundles>
